<compile_context>
chip_gen: v7x
topology: tpu7x:2x2x1
jax: 0.10.2.dev20260603
libtpu: 0.0.44.dev20260713+nightly
codegen_flags: <defaults>
</compile_context>

<pallas_src>
import jax
import jax.numpy as jnp
from jax import lax
from jax.experimental import pallas as pl
from jax.experimental.pallas import tpu as pltpu
from jax.experimental.pallas import tpu_sc as plsc

N_USERS = 50000
N = 100000
D = 32
H = 16
E = 1600000
EP = 1638400
TILES = 16
EDGES_PER_TILE = EP // TILES
CHUNK = 256
RBUF = 4
ISET = 6
CHUNKS_PER_TILE = EDGES_PER_TILE // CHUNK
ROWS_BIG = 6256
ROWS_SMALL = 6248


def _stage_body(tbl0, colsb, rowsf, valsf, zeros, a1, a2,
                gidx_v, sidx_v, vals_v, rows_buf, acc, gsem, ssem, isem):
    c = lax.axis_index("c")
    s = lax.axis_index("s")
    NC = CHUNKS_PER_TILE

    def _row_range_copy(fn_big, fn_small):
        @pl.when(s < 4)
        def _():
            fn_big(pl.multiple_of(s * ROWS_BIG, 8))

        @pl.when(s >= 4)
        def _():
            fn_small(pl.multiple_of(4 * ROWS_BIG + (s - 4) * ROWS_SMALL, 8))

    def drain_gather():
        pltpu.make_async_copy(tbl0.at[pl.ds(0, CHUNK)],
                              rows_buf.at[pl.ds(0, CHUNK)], gsem).wait()

    def drain_scatter():
        pltpu.make_async_copy(tbl0.at[pl.ds(0, CHUNK)],
                              rows_buf.at[pl.ds(0, CHUNK)], ssem).wait()

    def drain_idx():
        pltpu.make_async_copy(valsf.at[pl.ds(0, 3 * CHUNK)],
                              vals_v.at[pl.ds(0, 3 * CHUNK)], isem).wait()

    def one_layer(table, out):
        _row_range_copy(
            lambda lo: pltpu.sync_copy(zeros.at[pl.ds(0, ROWS_BIG)],
                                       acc.at[pl.ds(lo, ROWS_BIG)]),
            lambda lo: pltpu.sync_copy(zeros.at[pl.ds(0, ROWS_SMALL)],
                                       acc.at[pl.ds(lo, ROWS_SMALL)]))
        plsc.subcore_barrier()

        def stage_idx(g):
            st = lax.rem(g, ISET)
            ebase = s * EDGES_PER_TILE + g * CHUNK
            pltpu.async_copy(colsb.at[pl.ds(c * EP + ebase, CHUNK)],
                             gidx_v.at[st], isem)
            pltpu.async_copy(rowsf.at[pl.ds(ebase, CHUNK)],
                             sidx_v.at[st], isem)
            pltpu.async_copy(valsf.at[pl.ds(ebase, CHUNK)],
                             vals_v.at[pl.ds(st * CHUNK, CHUNK)], isem)

        def issue_gather(g):
            st = lax.rem(g, ISET)
            b = lax.rem(g, RBUF)
            pltpu.async_copy(table.at[gidx_v.at[st]],
                             rows_buf.at[pl.ds(b * CHUNK, CHUNK)], gsem)

        def issue_scatter(g):
            st = lax.rem(g, ISET)
            b = lax.rem(g, RBUF)
            pltpu.async_copy(rows_buf.at[pl.ds(b * CHUNK, CHUNK)],
                             acc.at[sidx_v.at[st]], ssem, add=True)

        for h in range(ISET - 1):
            stage_idx(jnp.int32(h))
        for h in range(RBUF - 1):
            drain_idx()
            issue_gather(jnp.int32(h))

        def chunk_body(g, _):
            st = lax.rem(g, ISET)
            b = lax.rem(g, RBUF)
            drain_gather()

            def scale_body(k, _):
                v16 = vals_v[pl.ds(st * CHUNK + k * 16, 16)]
                base = b * CHUNK + k * 16
                for i in range(16):
                    e = base + i
                    scale = lax.gather(
                        v16, jnp.full((16, 1), i, jnp.int32),
                        lax.GatherDimensionNumbers(offset_dims=(),
                                                   collapsed_slice_dims=(0,),
                                                   start_index_map=(0,)),
                        slice_sizes=(1,),
                        mode=lax.GatherScatterMode.PROMISE_IN_BOUNDS)
                    rows_buf[e, :] = rows_buf[e, :] * scale
                return 0
            lax.fori_loop(0, CHUNK // 16, scale_body, 0)

            @pl.when(g > 0)
            def _():
                drain_scatter()

            @pl.when(g < NC - RBUF + 1)
            def _():
                drain_idx()
                issue_gather(g + RBUF - 1)

            issue_scatter(g)

            @pl.when(g < NC - ISET + 1)
            def _():
                stage_idx(g + ISET - 1)
            return 0

        lax.fori_loop(0, NC, chunk_body, 0)
        drain_scatter()
        plsc.subcore_barrier()

        _row_range_copy(
            lambda lo: pltpu.sync_copy(
                acc.at[pl.ds(lo, ROWS_BIG)],
                out.at[pl.ds(pl.multiple_of(c * N + lo, 8), ROWS_BIG)]),
            lambda lo: pltpu.sync_copy(
                acc.at[pl.ds(lo, ROWS_SMALL)],
                out.at[pl.ds(pl.multiple_of(c * N + lo, 8), ROWS_SMALL)]))

    one_layer(tbl0, a1)
    one_layer(a1, a2)


@jax.jit
def _propagate_stage(table, colsb, rowsf, valsf, zeros):
    mesh = plsc.VectorSubcoreMesh(core_axis_name="c", subcore_axis_name="s")
    return pl.kernel(
        _stage_body,
        out_type=[jax.ShapeDtypeStruct((2 * N, H), jnp.float32)] * 2,
        mesh=mesh,
        scratch_types=[
            pltpu.VMEM((ISET, CHUNK), jnp.int32),
            pltpu.VMEM((ISET, CHUNK), jnp.int32),
            pltpu.VMEM((ISET * CHUNK,), jnp.float32),
            pltpu.VMEM((RBUF * CHUNK, H), jnp.float32),
            pltpu.VMEM_SHARED((N, H), jnp.float32),
            pltpu.SemaphoreType.DMA,
            pltpu.SemaphoreType.DMA,
            pltpu.SemaphoreType.DMA,
        ],
        compiler_params=pltpu.CompilerParams(use_tc_tiling_on_sc=False),
    )(table, colsb, rowsf, valsf, zeros)


def _prep_edges(edge_index, edge_vals):
    pad = EP - E
    rows = jnp.concatenate([edge_index[0], jnp.zeros((pad,), jnp.int32)])
    cols = jnp.concatenate([edge_index[1], jnp.zeros((pad,), jnp.int32)])
    vals = jnp.concatenate([edge_vals, jnp.zeros((pad,), jnp.float32)])
    colsb = jnp.concatenate([cols, cols + N])
    return colsb, rows, vals


def kernel(user_emb, item_emb, edge_index1, edge_vals1,
           edge_index2, edge_vals2, edge_index3, edge_vals3):
    zeros = jnp.zeros((ROWS_BIG, H), jnp.float32)
    ego = jnp.concatenate([user_emb, item_emb], axis=0)
    ego = ego.reshape(N, 2, H).transpose(1, 0, 2).reshape(2 * N, H)

    stage_outs = []
    for ei, ev in ((edge_index3, edge_vals3),
                   (edge_index2, edge_vals2),
                   (edge_index1, edge_vals1)):
        colsb, rowsf, vals = _prep_edges(ei, ev)
        a1, a2 = _propagate_stage(ego, colsb, rowsf, vals, zeros)
        ego = (ego + a1 + a2) * (1.0 / 3.0)
        stage_outs.append(ego)

    total = stage_outs[0] + stage_outs[1] + stage_outs[2]
    total = total.reshape(2, N, H).transpose(1, 0, 2).reshape(N, D)
    return total[:N_USERS], total[N_USERS:]

# --- scband reference (transcript-rebuilt; emitter-appended) ---
"""Pipeline reference for scband-rc-74509092651199 (READ-ONLY COPY).

The authoritative reference and input builder live on the scoring server;
editing this copy changes nothing except your own understanding.
"""

import jax, jax.numpy as jnp
import numpy as np

N_USERS = 50000
N_ITEMS = 50000
N = N_USERS + N_ITEMS
E = 1600000
D = 32
N_LAYERS = 2  # len(weight_size) for each of the three propagation stacks


def setup_inputs(seed: int = 0) -> dict:
    key = jax.random.key(seed)
    ks = jax.random.split(key, 8)
    inp = {}
    inp["user_emb"] = jax.random.normal(ks[0], (N_USERS, D), dtype=jnp.float32)
    inp["item_emb"] = jax.random.normal(ks[1], (N_ITEMS, D), dtype=jnp.float32)
    inp["edge_index1"] = jax.random.randint(ks[2], (2, E), 0, N, dtype=jnp.int32)
    inp["edge_vals1"] = jax.random.uniform(ks[3], (E,), dtype=jnp.float32)
    inp["edge_index2"] = jax.random.randint(ks[4], (2, E), 0, N, dtype=jnp.int32)
    inp["edge_vals2"] = jax.random.uniform(ks[5], (E,), dtype=jnp.float32)
    inp["edge_index3"] = jax.random.randint(ks[6], (2, E), 0, N, dtype=jnp.int32)
    inp["edge_vals3"] = jax.random.uniform(ks[7], (E,), dtype=jnp.float32)
    return inp


def _propagate(ego, edge_index, edge_vals, n_layers):
    # Equivalent of the folded torch.sparse.mm(A_hat, ego) loop:
    # sparse (N,N) normalized adjacency (COO) times dense (N,D), done as
    # gather(src) * val -> scatter-add(dst). Layer outputs are stacked and averaged.
    rows = edge_index[0]
    cols = edge_index[1]
    all_embeddings = [ego]
    for _ in range(n_layers):
        msgs = jnp.take(ego, cols, axis=0) * edge_vals[:, None]
        ego = jax.ops.segment_sum(msgs, rows, num_segments=N)
        all_embeddings.append(ego)
    stacked = jnp.stack(all_embeddings, axis=1)
    return jnp.mean(stacked, axis=1)


def reference(user_emb, item_emb, edge_index1, edge_vals1, edge_index2, edge_vals2, edge_index3, edge_vals3):
    # Stage 1: _create_rc_embed3 with norm_adj3 (starts from base embedding table)
    ego = jnp.concatenate([user_emb, item_emb], axis=0)
    all3 = _propagate(ego, edge_index3, edge_vals3, N_LAYERS)
    u1, i1 = all3[:N_USERS], all3[N_USERS:]
    # Stage 2: _create_rc_embed2 with norm_adj2 (consumes stage-1 outputs)
    all2 = _propagate(jnp.concatenate([u1, i1], axis=0), edge_index2, edge_vals2, N_LAYERS)
    u2, i2 = all2[:N_USERS], all2[N_USERS:]
    # Stage 3: _create_rc_embed with norm_adj (consumes stage-2 outputs)
    all1 = _propagate(jnp.concatenate([u2, i2], axis=0), edge_index1, edge_vals1, N_LAYERS)
    u3, i3 = all1[:N_USERS], all1[N_USERS:]
    ua_embeddings = u1 + u2 + u3
    ia_embeddings = i1 + i2 + i3
    return ua_embeddings, ia_embeddings

if __name__ == "__main__":
    import jax
    _d = setup_inputs()
    print(jax.jit(kernel)(*tuple(_d.values())))

</pallas_src>

<mosaic_0001>
#map = affine_map<(d0, d1) -> (0, 0)>
#map1 = affine_map<(d0, d1) -> (0)>
module attributes {stable_mosaic.version = 14 : i64} {
  func.func @_stage_body(%arg0: i32, %arg1: i32, %arg2: memref<200000x16xf32, #tpu.memory_space<hbm>>, %arg3: memref<3276800xi32, #tpu.memory_space<hbm>>, %arg4: memref<1638400xi32, #tpu.memory_space<hbm>>, %arg5: memref<1638400xf32, #tpu.memory_space<hbm>>, %arg6: memref<6256x16xf32, #tpu.memory_space<hbm>>, %arg7: memref<200000x16xf32, #tpu.memory_space<hbm>>, %arg8: memref<200000x16xf32, #tpu.memory_space<hbm>>, %arg9: memref<6x256xi32, #tpu.memory_space<vmem>>, %arg10: memref<6x256xi32, #tpu.memory_space<vmem>>, %arg11: memref<1536xf32, #tpu.memory_space<vmem>>, %arg12: memref<1024x16xf32, #tpu.memory_space<vmem>>, %arg13: memref<100000x16xf32, #tpu.memory_space<vmem_shared>>, %arg14: memref<!tpu.dma_semaphore, #tpu.memory_space<semaphore_mem>>, %arg15: memref<!tpu.dma_semaphore, #tpu.memory_space<semaphore_mem>>, %arg16: memref<!tpu.dma_semaphore, #tpu.memory_space<semaphore_mem>>) attributes {dimension_semantics = [#tpu.dimension_semantics<core_parallel>, #tpu.dimension_semantics<subcore_parallel>], iteration_bounds = array<i64: 2, 16>, scalar_prefetch = 0 : i64, scratch_operands = 8 : i64, tpu.core_type = #tpu.core_type<sc_vector_subcore>, window_params = [{transform_indices = #map}, {transform_indices = #map1}, {transform_indices = #map1}, {transform_indices = #map1}, {transform_indices = #map}, {transform_indices = #map}, {transform_indices = #map}]} {
    %lt3A = arith.constant 4 : i32
    %lt3A_0 = arith.cmpi slt, %arg1, %lt3A : i32
    %convert_element_type3A = arith.extui %lt3A_0 : i1 to i32
    %cond3A = arith.constant 0 : i32
    %cond3A_1 = arith.cmpi ne, %convert_element_type3A, %cond3A : i32
    scf.if %cond3A_1 {
      %mul3A_555 = arith.constant 6256 : i32
      %mul3A_556 = arith.muli %arg1, %mul3A_555 : i32
      %multiple_of3A = tpu.assume_multiple %mul3A_556, 8 : i32
      "tpu.region"() ({
        %run_scoped3A = tpu.sem_alloc : memref<!tpu.dma_semaphore, #tpu.memory_space<semaphore_mem>>
        %dma_start3A_557 = arith.constant 0 : i32
        %dma_start3A_558 = tpu.memref_slice %arg13[%multiple_of3A, %dma_start3A_557] : memref<100000x16xf32, #tpu.memory_space<vmem_shared>> -> memref<6256x16xf32, #tpu.memory_space<vmem_shared>>
        %dma_start3A_559 = arith.constant 0 : i32
        %dma_start3A_560 = arith.constant 0 : i32
        %dma_start3A_561 = tpu.memref_slice %arg6[%dma_start3A_559, %dma_start3A_560] : memref<6256x16xf32, #tpu.memory_space<hbm>> -> memref<6256x16xf32, #tpu.memory_space<hbm>>
        tpu.enqueue_dma source(%dma_start3A_561 : memref<6256x16xf32, #tpu.memory_space<hbm>>) target(%dma_start3A_558 : memref<6256x16xf32, #tpu.memory_space<vmem_shared>>) target_semaphore(%run_scoped3A : memref<!tpu.dma_semaphore, #tpu.memory_space<semaphore_mem>>)
        %dma_wait3A_562 = arith.constant 0 : i32
        %dma_wait3A_563 = tpu.memref_slice %arg13[%multiple_of3A, %dma_wait3A_562] : memref<100000x16xf32, #tpu.memory_space<vmem_shared>> -> memref<6256x16xf32, #tpu.memory_space<vmem_shared>>
        %dma_wait3A_564 = arith.constant 0 : i32
        %dma_wait3A_565 = arith.constant 0 : i32
        %dma_wait3A_566 = tpu.memref_slice %arg6[%dma_wait3A_564, %dma_wait3A_565] : memref<6256x16xf32, #tpu.memory_space<hbm>> -> memref<6256x16xf32, #tpu.memory_space<hbm>>
        tpu.wait_dma2 semaphore(%run_scoped3A : memref<!tpu.dma_semaphore, #tpu.memory_space<semaphore_mem>>) src(%dma_wait3A_566 : memref<6256x16xf32, #tpu.memory_space<hbm>>) dst(%dma_wait3A_563 : memref<6256x16xf32, #tpu.memory_space<vmem_shared>>)
        tpu.yield
      }) : () -> ()
    } else {
    }
    %ge3A = arith.constant 4 : i32
    %ge3A_2 = arith.cmpi sge, %arg1, %ge3A : i32
    %convert_element_type3A_3 = arith.extui %ge3A_2 : i1 to i32
    %cond3A_4 = arith.constant 0 : i32
    %cond3A_5 = arith.cmpi ne, %convert_element_type3A_3, %cond3A_4 : i32
    scf.if %cond3A_5 {
      %sub3A = arith.constant 4 : i32
      %sub3A_555 = arith.subi %arg1, %sub3A : i32
      %mul3A_556 = arith.constant 6248 : i32
      %mul3A_557 = arith.muli %sub3A_555, %mul3A_556 : i32
      %add3A_558 = arith.constant 25024 : i32
      %add3A_559 = arith.addi %add3A_558, %mul3A_557 : i32
      %multiple_of3A = tpu.assume_multiple %add3A_559, 8 : i32
      "tpu.region"() ({
        %run_scoped3A = tpu.sem_alloc : memref<!tpu.dma_semaphore, #tpu.memory_space<semaphore_mem>>
        %dma_start3A_560 = arith.constant 0 : i32
        %dma_start3A_561 = tpu.memref_slice %arg13[%multiple_of3A, %dma_start3A_560] : memref<100000x16xf32, #tpu.memory_space<vmem_shared>> -> memref<6248x16xf32, #tpu.memory_space<vmem_shared>>
        %dma_start3A_562 = arith.constant 0 : i32
        %dma_start3A_563 = arith.constant 0 : i32
        %dma_start3A_564 = tpu.memref_slice %arg6[%dma_start3A_562, %dma_start3A_563] : memref<6256x16xf32, #tpu.memory_space<hbm>> -> memref<6248x16xf32, #tpu.memory_space<hbm>>
        tpu.enqueue_dma source(%dma_start3A_564 : memref<6248x16xf32, #tpu.memory_space<hbm>>) target(%dma_start3A_561 : memref<6248x16xf32, #tpu.memory_space<vmem_shared>>) target_semaphore(%run_scoped3A : memref<!tpu.dma_semaphore, #tpu.memory_space<semaphore_mem>>)
        %dma_wait3A_565 = arith.constant 0 : i32
        %dma_wait3A_566 = tpu.memref_slice %arg13[%multiple_of3A, %dma_wait3A_565] : memref<100000x16xf32, #tpu.memory_space<vmem_shared>> -> memref<6248x16xf32, #tpu.memory_space<vmem_shared>>
        %dma_wait3A_567 = arith.constant 0 : i32
        %dma_wait3A_568 = arith.constant 0 : i32
        %dma_wait3A_569 = tpu.memref_slice %arg6[%dma_wait3A_567, %dma_wait3A_568] : memref<6256x16xf32, #tpu.memory_space<hbm>> -> memref<6248x16xf32, #tpu.memory_space<hbm>>
        tpu.wait_dma2 semaphore(%run_scoped3A : memref<!tpu.dma_semaphore, #tpu.memory_space<semaphore_mem>>) src(%dma_wait3A_569 : memref<6248x16xf32, #tpu.memory_space<hbm>>) dst(%dma_wait3A_566 : memref<6248x16xf32, #tpu.memory_space<vmem_shared>>)
        tpu.yield
      }) : () -> ()
    } else {
    }
    %barrier3A = arith.constant 0 : index
    tpu.barrier barrier_id(%barrier3A)
    %rem3A = arith.constant 0 : i32
    %rem3A_6 = arith.constant 6 : i32
    %rem3A_7 = arith.remsi %rem3A, %rem3A_6 : i32
    %mul3A = arith.constant 102400 : i32
    %mul3A_8 = arith.muli %arg1, %mul3A : i32
    %mul3A_9 = arith.constant 0 : i32
    %mul3A_10 = arith.constant 256 : i32
    %mul3A_11 = arith.muli %mul3A_9, %mul3A_10 : i32
    %add3A = arith.addi %mul3A_8, %mul3A_11 : i32
    %mul3A_12 = arith.constant 1638400 : i32
    %mul3A_13 = arith.muli %arg0, %mul3A_12 : i32
    %add3A_14 = arith.addi %mul3A_13, %add3A : i32
    %dma_start3A = arith.constant 0 : i32
    %dma_start3A_15 = tpu.memref_slice %arg9[%rem3A_7, %dma_start3A] : memref<6x256xi32, #tpu.memory_space<vmem>> -> memref<1x256xi32, #tpu.memory_space<vmem>>
    %dma_start3A_16 = tpu.memref_squeeze %dma_start3A_15 : memref<1x256xi32, #tpu.memory_space<vmem>> -> memref<256xi32, #tpu.memory_space<vmem>>
    %dma_start3A_17 = tpu.memref_slice %arg3[%add3A_14] : memref<3276800xi32, #tpu.memory_space<hbm>> -> memref<256xi32, #tpu.memory_space<hbm>>
    %dma_start3A_18 = arith.constant 0 : i32
    %dma_start3A_19 = tpu.memref_slice %arg9[%rem3A_7, %dma_start3A_18] : memref<6x256xi32, #tpu.memory_space<vmem>> -> memref<1x256xi32, #tpu.memory_space<vmem>>
    %dma_start3A_20 = tpu.memref_squeeze %dma_start3A_19 : memref<1x256xi32, #tpu.memory_space<vmem>> -> memref<256xi32, #tpu.memory_space<vmem>>
    %dma_start3A_21 = tpu.memref_slice %arg3[%add3A_14] : memref<3276800xi32, #tpu.memory_space<hbm>> -> memref<256xi32, #tpu.memory_space<hbm>>
    tpu.enqueue_dma source(%dma_start3A_21 : memref<256xi32, #tpu.memory_space<hbm>>) target(%dma_start3A_20 : memref<256xi32, #tpu.memory_space<vmem>>) target_semaphore(%arg16 : memref<!tpu.dma_semaphore, #tpu.memory_space<semaphore_mem>>)
    %dma_start3A_22 = arith.constant 0 : i32
    %dma_start3A_23 = tpu.memref_slice %arg10[%rem3A_7, %dma_start3A_22] : memref<6x256xi32, #tpu.memory_space<vmem>> -> memref<1x256xi32, #tpu.memory_space<vmem>>
    %dma_start3A_24 = tpu.memref_squeeze %dma_start3A_23 : memref<1x256xi32, #tpu.memory_space<vmem>> -> memref<256xi32, #tpu.memory_space<vmem>>
    %dma_start3A_25 = tpu.memref_slice %arg4[%add3A] : memref<1638400xi32, #tpu.memory_space<hbm>> -> memref<256xi32, #tpu.memory_space<hbm>>
    %dma_start3A_26 = arith.constant 0 : i32
    %dma_start3A_27 = tpu.memref_slice %arg10[%rem3A_7, %dma_start3A_26] : memref<6x256xi32, #tpu.memory_space<vmem>> -> memref<1x256xi32, #tpu.memory_space<vmem>>
    %dma_start3A_28 = tpu.memref_squeeze %dma_start3A_27 : memref<1x256xi32, #tpu.memory_space<vmem>> -> memref<256xi32, #tpu.memory_space<vmem>>
    %dma_start3A_29 = tpu.memref_slice %arg4[%add3A] : memref<1638400xi32, #tpu.memory_space<hbm>> -> memref<256xi32, #tpu.memory_space<hbm>>
    tpu.enqueue_dma source(%dma_start3A_29 : memref<256xi32, #tpu.memory_space<hbm>>) target(%dma_start3A_28 : memref<256xi32, #tpu.memory_space<vmem>>) target_semaphore(%arg16 : memref<!tpu.dma_semaphore, #tpu.memory_space<semaphore_mem>>)
    %mul3A_30 = arith.constant 256 : i32
    %mul3A_31 = arith.muli %rem3A_7, %mul3A_30 : i32
    %dma_start3A_32 = tpu.memref_slice %arg11[%mul3A_31] : memref<1536xf32, #tpu.memory_space<vmem>> -> memref<256xf32, #tpu.memory_space<vmem>>
    %dma_start3A_33 = tpu.memref_slice %arg5[%add3A] : memref<1638400xf32, #tpu.memory_space<hbm>> -> memref<256xf32, #tpu.memory_space<hbm>>
    %dma_start3A_34 = tpu.memref_slice %arg11[%mul3A_31] : memref<1536xf32, #tpu.memory_space<vmem>> -> memref<256xf32, #tpu.memory_space<vmem>>
    %dma_start3A_35 = tpu.memref_slice %arg5[%add3A] : memref<1638400xf32, #tpu.memory_space<hbm>> -> memref<256xf32, #tpu.memory_space<hbm>>
    tpu.enqueue_dma source(%dma_start3A_35 : memref<256xf32, #tpu.memory_space<hbm>>) target(%dma_start3A_34 : memref<256xf32, #tpu.memory_space<vmem>>) target_semaphore(%arg16 : memref<!tpu.dma_semaphore, #tpu.memory_space<semaphore_mem>>)
    %rem3A_36 = arith.constant 1 : i32
    %rem3A_37 = arith.constant 6 : i32
    %rem3A_38 = arith.remsi %rem3A_36, %rem3A_37 : i32
    %mul3A_39 = arith.constant 102400 : i32
    %mul3A_40 = arith.muli %arg1, %mul3A_39 : i32
    %mul3A_41 = arith.constant 1 : i32
    %mul3A_42 = arith.constant 256 : i32
    %mul3A_43 = arith.muli %mul3A_41, %mul3A_42 : i32
    %add3A_44 = arith.addi %mul3A_40, %mul3A_43 : i32
    %mul3A_45 = arith.constant 1638400 : i32
    %mul3A_46 = arith.muli %arg0, %mul3A_45 : i32
    %add3A_47 = arith.addi %mul3A_46, %add3A_44 : i32
    %dma_start3A_48 = arith.constant 0 : i32
    %dma_start3A_49 = tpu.memref_slice %arg9[%rem3A_38, %dma_start3A_48] : memref<6x256xi32, #tpu.memory_space<vmem>> -> memref<1x256xi32, #tpu.memory_space<vmem>>
    %dma_start3A_50 = tpu.memref_squeeze %dma_start3A_49 : memref<1x256xi32, #tpu.memory_space<vmem>> -> memref<256xi32, #tpu.memory_space<vmem>>
    %dma_start3A_51 = tpu.memref_slice %arg3[%add3A_47] : memref<3276800xi32, #tpu.memory_space<hbm>> -> memref<256xi32, #tpu.memory_space<hbm>>
    %dma_start3A_52 = arith.constant 0 : i32
    %dma_start3A_53 = tpu.memref_slice %arg9[%rem3A_38, %dma_start3A_52] : memref<6x256xi32, #tpu.memory_space<vmem>> -> memref<1x256xi32, #tpu.memory_space<vmem>>
    %dma_start3A_54 = tpu.memref_squeeze %dma_start3A_53 : memref<1x256xi32, #tpu.memory_space<vmem>> -> memref<256xi32, #tpu.memory_space<vmem>>
    %dma_start3A_55 = tpu.memref_slice %arg3[%add3A_47] : memref<3276800xi32, #tpu.memory_space<hbm>> -> memref<256xi32, #tpu.memory_space<hbm>>
    tpu.enqueue_dma source(%dma_start3A_55 : memref<256xi32, #tpu.memory_space<hbm>>) target(%dma_start3A_54 : memref<256xi32, #tpu.memory_space<vmem>>) target_semaphore(%arg16 : memref<!tpu.dma_semaphore, #tpu.memory_space<semaphore_mem>>)
    %dma_start3A_56 = arith.constant 0 : i32
    %dma_start3A_57 = tpu.memref_slice %arg10[%rem3A_38, %dma_start3A_56] : memref<6x256xi32, #tpu.memory_space<vmem>> -> memref<1x256xi32, #tpu.memory_space<vmem>>
    %dma_start3A_58 = tpu.memref_squeeze %dma_start3A_57 : memref<1x256xi32, #tpu.memory_space<vmem>> -> memref<256xi32, #tpu.memory_space<vmem>>
    %dma_start3A_59 = tpu.memref_slice %arg4[%add3A_44] : memref<1638400xi32, #tpu.memory_space<hbm>> -> memref<256xi32, #tpu.memory_space<hbm>>
    %dma_start3A_60 = arith.constant 0 : i32
    %dma_start3A_61 = tpu.memref_slice %arg10[%rem3A_38, %dma_start3A_60] : memref<6x256xi32, #tpu.memory_space<vmem>> -> memref<1x256xi32, #tpu.memory_space<vmem>>
    %dma_start3A_62 = tpu.memref_squeeze %dma_start3A_61 : memref<1x256xi32, #tpu.memory_space<vmem>> -> memref<256xi32, #tpu.memory_space<vmem>>
    %dma_start3A_63 = tpu.memref_slice %arg4[%add3A_44] : memref<1638400xi32, #tpu.memory_space<hbm>> -> memref<256xi32, #tpu.memory_space<hbm>>
    tpu.enqueue_dma source(%dma_start3A_63 : memref<256xi32, #tpu.memory_space<hbm>>) target(%dma_start3A_62 : memref<256xi32, #tpu.memory_space<vmem>>) target_semaphore(%arg16 : memref<!tpu.dma_semaphore, #tpu.memory_space<semaphore_mem>>)
    %mul3A_64 = arith.constant 256 : i32
    %mul3A_65 = arith.muli %rem3A_38, %mul3A_64 : i32
    %dma_start3A_66 = tpu.memref_slice %arg11[%mul3A_65] : memref<1536xf32, #tpu.memory_space<vmem>> -> memref<256xf32, #tpu.memory_space<vmem>>
    %dma_start3A_67 = tpu.memref_slice %arg5[%add3A_44] : memref<1638400xf32, #tpu.memory_space<hbm>> -> memref<256xf32, #tpu.memory_space<hbm>>
    %dma_start3A_68 = tpu.memref_slice %arg11[%mul3A_65] : memref<1536xf32, #tpu.memory_space<vmem>> -> memref<256xf32, #tpu.memory_space<vmem>>
    %dma_start3A_69 = tpu.memref_slice %arg5[%add3A_44] : memref<1638400xf32, #tpu.memory_space<hbm>> -> memref<256xf32, #tpu.memory_space<hbm>>
    tpu.enqueue_dma source(%dma_start3A_69 : memref<256xf32, #tpu.memory_space<hbm>>) target(%dma_start3A_68 : memref<256xf32, #tpu.memory_space<vmem>>) target_semaphore(%arg16 : memref<!tpu.dma_semaphore, #tpu.memory_space<semaphore_mem>>)
    %rem3A_70 = arith.constant 2 : i32
    %rem3A_71 = arith.constant 6 : i32
    %rem3A_72 = arith.remsi %rem3A_70, %rem3A_71 : i32
    %mul3A_73 = arith.constant 102400 : i32
    %mul3A_74 = arith.muli %arg1, %mul3A_73 : i32
    %mul3A_75 = arith.constant 2 : i32
    %mul3A_76 = arith.constant 256 : i32
    %mul3A_77 = arith.muli %mul3A_75, %mul3A_76 : i32
    %add3A_78 = arith.addi %mul3A_74, %mul3A_77 : i32
    %mul3A_79 = arith.constant 1638400 : i32
    %mul3A_80 = arith.muli %arg0, %mul3A_79 : i32
    %add3A_81 = arith.addi %mul3A_80, %add3A_78 : i32
    %dma_start3A_82 = arith.constant 0 : i32
    %dma_start3A_83 = tpu.memref_slice %arg9[%rem3A_72, %dma_start3A_82] : memref<6x256xi32, #tpu.memory_space<vmem>> -> memref<1x256xi32, #tpu.memory_space<vmem>>
    %dma_start3A_84 = tpu.memref_squeeze %dma_start3A_83 : memref<1x256xi32, #tpu.memory_space<vmem>> -> memref<256xi32, #tpu.memory_space<vmem>>
    %dma_start3A_85 = tpu.memref_slice %arg3[%add3A_81] : memref<3276800xi32, #tpu.memory_space<hbm>> -> memref<256xi32, #tpu.memory_space<hbm>>
    %dma_start3A_86 = arith.constant 0 : i32
    %dma_start3A_87 = tpu.memref_slice %arg9[%rem3A_72, %dma_start3A_86] : memref<6x256xi32, #tpu.memory_space<vmem>> -> memref<1x256xi32, #tpu.memory_space<vmem>>
    %dma_start3A_88 = tpu.memref_squeeze %dma_start3A_87 : memref<1x256xi32, #tpu.memory_space<vmem>> -> memref<256xi32, #tpu.memory_space<vmem>>
    %dma_start3A_89 = tpu.memref_slice %arg3[%add3A_81] : memref<3276800xi32, #tpu.memory_space<hbm>> -> memref<256xi32, #tpu.memory_space<hbm>>
    tpu.enqueue_dma source(%dma_start3A_89 : memref<256xi32, #tpu.memory_space<hbm>>) target(%dma_start3A_88 : memref<256xi32, #tpu.memory_space<vmem>>) target_semaphore(%arg16 : memref<!tpu.dma_semaphore, #tpu.memory_space<semaphore_mem>>)
    %dma_start3A_90 = arith.constant 0 : i32
    %dma_start3A_91 = tpu.memref_slice %arg10[%rem3A_72, %dma_start3A_90] : memref<6x256xi32, #tpu.memory_space<vmem>> -> memref<1x256xi32, #tpu.memory_space<vmem>>
    %dma_start3A_92 = tpu.memref_squeeze %dma_start3A_91 : memref<1x256xi32, #tpu.memory_space<vmem>> -> memref<256xi32, #tpu.memory_space<vmem>>
    %dma_start3A_93 = tpu.memref_slice %arg4[%add3A_78] : memref<1638400xi32, #tpu.memory_space<hbm>> -> memref<256xi32, #tpu.memory_space<hbm>>
    %dma_start3A_94 = arith.constant 0 : i32
    %dma_start3A_95 = tpu.memref_slice %arg10[%rem3A_72, %dma_start3A_94] : memref<6x256xi32, #tpu.memory_space<vmem>> -> memref<1x256xi32, #tpu.memory_space<vmem>>
    %dma_start3A_96 = tpu.memref_squeeze %dma_start3A_95 : memref<1x256xi32, #tpu.memory_space<vmem>> -> memref<256xi32, #tpu.memory_space<vmem>>
    %dma_start3A_97 = tpu.memref_slice %arg4[%add3A_78] : memref<1638400xi32, #tpu.memory_space<hbm>> -> memref<256xi32, #tpu.memory_space<hbm>>
    tpu.enqueue_dma source(%dma_start3A_97 : memref<256xi32, #tpu.memory_space<hbm>>) target(%dma_start3A_96 : memref<256xi32, #tpu.memory_space<vmem>>) target_semaphore(%arg16 : memref<!tpu.dma_semaphore, #tpu.memory_space<semaphore_mem>>)
    %mul3A_98 = arith.constant 256 : i32
    %mul3A_99 = arith.muli %rem3A_72, %mul3A_98 : i32
    %dma_start3A_100 = tpu.memref_slice %arg11[%mul3A_99] : memref<1536xf32, #tpu.memory_space<vmem>> -> memref<256xf32, #tpu.memory_space<vmem>>
    %dma_start3A_101 = tpu.memref_slice %arg5[%add3A_78] : memref<1638400xf32, #tpu.memory_space<hbm>> -> memref<256xf32, #tpu.memory_space<hbm>>
    %dma_start3A_102 = tpu.memref_slice %arg11[%mul3A_99] : memref<1536xf32, #tpu.memory_space<vmem>> -> memref<256xf32, #tpu.memory_space<vmem>>
    %dma_start3A_103 = tpu.memref_slice %arg5[%add3A_78] : memref<1638400xf32, #tpu.memory_space<hbm>> -> memref<256xf32, #tpu.memory_space<hbm>>
    tpu.enqueue_dma source(%dma_start3A_103 : memref<256xf32, #tpu.memory_space<hbm>>) target(%dma_start3A_102 : memref<256xf32, #tpu.memory_space<vmem>>) target_semaphore(%arg16 : memref<!tpu.dma_semaphore, #tpu.memory_space<semaphore_mem>>)
    %rem3A_104 = arith.constant 3 : i32
    %rem3A_105 = arith.constant 6 : i32
    %rem3A_106 = arith.remsi %rem3A_104, %rem3A_105 : i32
    %mul3A_107 = arith.constant 102400 : i32
    %mul3A_108 = arith.muli %arg1, %mul3A_107 : i32
    %mul3A_109 = arith.constant 3 : i32
    %mul3A_110 = arith.constant 256 : i32
    %mul3A_111 = arith.muli %mul3A_109, %mul3A_110 : i32
    %add3A_112 = arith.addi %mul3A_108, %mul3A_111 : i32
    %mul3A_113 = arith.constant 1638400 : i32
    %mul3A_114 = arith.muli %arg0, %mul3A_113 : i32
    %add3A_115 = arith.addi %mul3A_114, %add3A_112 : i32
    %dma_start3A_116 = arith.constant 0 : i32
    %dma_start3A_117 = tpu.memref_slice %arg9[%rem3A_106, %dma_start3A_116] : memref<6x256xi32, #tpu.memory_space<vmem>> -> memref<1x256xi32, #tpu.memory_space<vmem>>
    %dma_start3A_118 = tpu.memref_squeeze %dma_start3A_117 : memref<1x256xi32, #tpu.memory_space<vmem>> -> memref<256xi32, #tpu.memory_space<vmem>>
    %dma_start3A_119 = tpu.memref_slice %arg3[%add3A_115] : memref<3276800xi32, #tpu.memory_space<hbm>> -> memref<256xi32, #tpu.memory_space<hbm>>
    %dma_start3A_120 = arith.constant 0 : i32
    %dma_start3A_121 = tpu.memref_slice %arg9[%rem3A_106, %dma_start3A_120] : memref<6x256xi32, #tpu.memory_space<vmem>> -> memref<1x256xi32, #tpu.memory_space<vmem>>
    %dma_start3A_122 = tpu.memref_squeeze %dma_start3A_121 : memref<1x256xi32, #tpu.memory_space<vmem>> -> memref<256xi32, #tpu.memory_space<vmem>>
    %dma_start3A_123 = tpu.memref_slice %arg3[%add3A_115] : memref<3276800xi32, #tpu.memory_space<hbm>> -> memref<256xi32, #tpu.memory_space<hbm>>
    tpu.enqueue_dma source(%dma_start3A_123 : memref<256xi32, #tpu.memory_space<hbm>>) target(%dma_start3A_122 : memref<256xi32, #tpu.memory_space<vmem>>) target_semaphore(%arg16 : memref<!tpu.dma_semaphore, #tpu.memory_space<semaphore_mem>>)
    %dma_start3A_124 = arith.constant 0 : i32
    %dma_start3A_125 = tpu.memref_slice %arg10[%rem3A_106, %dma_start3A_124] : memref<6x256xi32, #tpu.memory_space<vmem>> -> memref<1x256xi32, #tpu.memory_space<vmem>>
    %dma_start3A_126 = tpu.memref_squeeze %dma_start3A_125 : memref<1x256xi32, #tpu.memory_space<vmem>> -> memref<256xi32, #tpu.memory_space<vmem>>
    %dma_start3A_127 = tpu.memref_slice %arg4[%add3A_112] : memref<1638400xi32, #tpu.memory_space<hbm>> -> memref<256xi32, #tpu.memory_space<hbm>>
    %dma_start3A_128 = arith.constant 0 : i32
    %dma_start3A_129 = tpu.memref_slice %arg10[%rem3A_106, %dma_start3A_128] : memref<6x256xi32, #tpu.memory_space<vmem>> -> memref<1x256xi32, #tpu.memory_space<vmem>>
    %dma_start3A_130 = tpu.memref_squeeze %dma_start3A_129 : memref<1x256xi32, #tpu.memory_space<vmem>> -> memref<256xi32, #tpu.memory_space<vmem>>
    %dma_start3A_131 = tpu.memref_slice %arg4[%add3A_112] : memref<1638400xi32, #tpu.memory_space<hbm>> -> memref<256xi32, #tpu.memory_space<hbm>>
    tpu.enqueue_dma source(%dma_start3A_131 : memref<256xi32, #tpu.memory_space<hbm>>) target(%dma_start3A_130 : memref<256xi32, #tpu.memory_space<vmem>>) target_semaphore(%arg16 : memref<!tpu.dma_semaphore, #tpu.memory_space<semaphore_mem>>)
    %mul3A_132 = arith.constant 256 : i32
    %mul3A_133 = arith.muli %rem3A_106, %mul3A_132 : i32
    %dma_start3A_134 = tpu.memref_slice %arg11[%mul3A_133] : memref<1536xf32, #tpu.memory_space<vmem>> -> memref<256xf32, #tpu.memory_space<vmem>>
    %dma_start3A_135 = tpu.memref_slice %arg5[%add3A_112] : memref<1638400xf32, #tpu.memory_space<hbm>> -> memref<256xf32, #tpu.memory_space<hbm>>
    %dma_start3A_136 = tpu.memref_slice %arg11[%mul3A_133] : memref<1536xf32, #tpu.memory_space<vmem>> -> memref<256xf32, #tpu.memory_space<vmem>>
    %dma_start3A_137 = tpu.memref_slice %arg5[%add3A_112] : memref<1638400xf32, #tpu.memory_space<hbm>> -> memref<256xf32, #tpu.memory_space<hbm>>
    tpu.enqueue_dma source(%dma_start3A_137 : memref<256xf32, #tpu.memory_space<hbm>>) target(%dma_start3A_136 : memref<256xf32, #tpu.memory_space<vmem>>) target_semaphore(%arg16 : memref<!tpu.dma_semaphore, #tpu.memory_space<semaphore_mem>>)
    %rem3A_138 = arith.constant 4 : i32
    %rem3A_139 = arith.constant 6 : i32
    %rem3A_140 = arith.remsi %rem3A_138, %rem3A_139 : i32
    %mul3A_141 = arith.constant 102400 : i32
    %mul3A_142 = arith.muli %arg1, %mul3A_141 : i32
    %mul3A_143 = arith.constant 4 : i32
    %mul3A_144 = arith.constant 256 : i32
    %mul3A_145 = arith.muli %mul3A_143, %mul3A_144 : i32
    %add3A_146 = arith.addi %mul3A_142, %mul3A_145 : i32
    %mul3A_147 = arith.constant 1638400 : i32
    %mul3A_148 = arith.muli %arg0, %mul3A_147 : i32
    %add3A_149 = arith.addi %mul3A_148, %add3A_146 : i32
    %dma_start3A_150 = arith.constant 0 : i32
    %dma_start3A_151 = tpu.memref_slice %arg9[%rem3A_140, %dma_start3A_150] : memref<6x256xi32, #tpu.memory_space<vmem>> -> memref<1x256xi32, #tpu.memory_space<vmem>>
    %dma_start3A_152 = tpu.memref_squeeze %dma_start3A_151 : memref<1x256xi32, #tpu.memory_space<vmem>> -> memref<256xi32, #tpu.memory_space<vmem>>
    %dma_start3A_153 = tpu.memref_slice %arg3[%add3A_149] : memref<3276800xi32, #tpu.memory_space<hbm>> -> memref<256xi32, #tpu.memory_space<hbm>>
    %dma_start3A_154 = arith.constant 0 : i32
    %dma_start3A_155 = tpu.memref_slice %arg9[%rem3A_140, %dma_start3A_154] : memref<6x256xi32, #tpu.memory_space<vmem>> -> memref<1x256xi32, #tpu.memory_space<vmem>>
    %dma_start3A_156 = tpu.memref_squeeze %dma_start3A_155 : memref<1x256xi32, #tpu.memory_space<vmem>> -> memref<256xi32, #tpu.memory_space<vmem>>
    %dma_start3A_157 = tpu.memref_slice %arg3[%add3A_149] : memref<3276800xi32, #tpu.memory_space<hbm>> -> memref<256xi32, #tpu.memory_space<hbm>>
    tpu.enqueue_dma source(%dma_start3A_157 : memref<256xi32, #tpu.memory_space<hbm>>) target(%dma_start3A_156 : memref<256xi32, #tpu.memory_space<vmem>>) target_semaphore(%arg16 : memref<!tpu.dma_semaphore, #tpu.memory_space<semaphore_mem>>)
    %dma_start3A_158 = arith.constant 0 : i32
    %dma_start3A_159 = tpu.memref_slice %arg10[%rem3A_140, %dma_start3A_158] : memref<6x256xi32, #tpu.memory_space<vmem>> -> memref<1x256xi32, #tpu.memory_space<vmem>>
    %dma_start3A_160 = tpu.memref_squeeze %dma_start3A_159 : memref<1x256xi32, #tpu.memory_space<vmem>> -> memref<256xi32, #tpu.memory_space<vmem>>
    %dma_start3A_161 = tpu.memref_slice %arg4[%add3A_146] : memref<1638400xi32, #tpu.memory_space<hbm>> -> memref<256xi32, #tpu.memory_space<hbm>>
    %dma_start3A_162 = arith.constant 0 : i32
    %dma_start3A_163 = tpu.memref_slice %arg10[%rem3A_140, %dma_start3A_162] : memref<6x256xi32, #tpu.memory_space<vmem>> -> memref<1x256xi32, #tpu.memory_space<vmem>>
    %dma_start3A_164 = tpu.memref_squeeze %dma_start3A_163 : memref<1x256xi32, #tpu.memory_space<vmem>> -> memref<256xi32, #tpu.memory_space<vmem>>
    %dma_start3A_165 = tpu.memref_slice %arg4[%add3A_146] : memref<1638400xi32, #tpu.memory_space<hbm>> -> memref<256xi32, #tpu.memory_space<hbm>>
    tpu.enqueue_dma source(%dma_start3A_165 : memref<256xi32, #tpu.memory_space<hbm>>) target(%dma_start3A_164 : memref<256xi32, #tpu.memory_space<vmem>>) target_semaphore(%arg16 : memref<!tpu.dma_semaphore, #tpu.memory_space<semaphore_mem>>)
    %mul3A_166 = arith.constant 256 : i32
    %mul3A_167 = arith.muli %rem3A_140, %mul3A_166 : i32
    %dma_start3A_168 = tpu.memref_slice %arg11[%mul3A_167] : memref<1536xf32, #tpu.memory_space<vmem>> -> memref<256xf32, #tpu.memory_space<vmem>>
    %dma_start3A_169 = tpu.memref_slice %arg5[%add3A_146] : memref<1638400xf32, #tpu.memory_space<hbm>> -> memref<256xf32, #tpu.memory_space<hbm>>
    %dma_start3A_170 = tpu.memref_slice %arg11[%mul3A_167] : memref<1536xf32, #tpu.memory_space<vmem>> -> memref<256xf32, #tpu.memory_space<vmem>>
    %dma_start3A_171 = tpu.memref_slice %arg5[%add3A_146] : memref<1638400xf32, #tpu.memory_space<hbm>> -> memref<256xf32, #tpu.memory_space<hbm>>
    tpu.enqueue_dma source(%dma_start3A_171 : memref<256xf32, #tpu.memory_space<hbm>>) target(%dma_start3A_170 : memref<256xf32, #tpu.memory_space<vmem>>) target_semaphore(%arg16 : memref<!tpu.dma_semaphore, #tpu.memory_space<semaphore_mem>>)
    %dma_wait3A = arith.constant 0 : i32
    %dma_wait3A_172 = tpu.memref_slice %arg11[%dma_wait3A] : memref<1536xf32, #tpu.memory_space<vmem>> -> memref<768xf32, #tpu.memory_space<vmem>>
    %dma_wait3A_173 = arith.constant 0 : i32
    %dma_wait3A_174 = tpu.memref_slice %arg5[%dma_wait3A_173] : memref<1638400xf32, #tpu.memory_space<hbm>> -> memref<768xf32, #tpu.memory_space<hbm>>
    %dma_wait3A_175 = arith.constant 0 : i32
    %dma_wait3A_176 = tpu.memref_slice %arg11[%dma_wait3A_175] : memref<1536xf32, #tpu.memory_space<vmem>> -> memref<768xf32, #tpu.memory_space<vmem>>
    %dma_wait3A_177 = arith.constant 0 : i32
    %dma_wait3A_178 = tpu.memref_slice %arg5[%dma_wait3A_177] : memref<1638400xf32, #tpu.memory_space<hbm>> -> memref<768xf32, #tpu.memory_space<hbm>>
    tpu.wait_dma2 semaphore(%arg16 : memref<!tpu.dma_semaphore, #tpu.memory_space<semaphore_mem>>) src(%dma_wait3A_178 : memref<768xf32, #tpu.memory_space<hbm>>) dst(%dma_wait3A_176 : memref<768xf32, #tpu.memory_space<vmem>>)
    %rem3A_179 = arith.constant 0 : i32
    %rem3A_180 = arith.constant 6 : i32
    %rem3A_181 = arith.remsi %rem3A_179, %rem3A_180 : i32
    %rem3A_182 = arith.constant 0 : i32
    %rem3A_183 = arith.constant 4 : i32
    %rem3A_184 = arith.remsi %rem3A_182, %rem3A_183 : i32
    %mul3A_185 = arith.constant 256 : i32
    %mul3A_186 = arith.muli %rem3A_184, %mul3A_185 : i32
    %dma_start3A_187 = arith.constant 0 : i32
    %dma_start3A_188 = tpu.memref_slice %arg12[%mul3A_186, %dma_start3A_187] : memref<1024x16xf32, #tpu.memory_space<vmem>> -> memref<256x16xf32, #tpu.memory_space<vmem>>
    %dma_start3A_189 = arith.constant 0 : i32
    %dma_start3A_190 = tpu.memref_slice %arg9[%rem3A_181, %dma_start3A_189] : memref<6x256xi32, #tpu.memory_space<vmem>> -> memref<1x256xi32, #tpu.memory_space<vmem>>
    %dma_start3A_191 = tpu.memref_squeeze %dma_start3A_190 : memref<1x256xi32, #tpu.memory_space<vmem>> -> memref<256xi32, #tpu.memory_space<vmem>>
    %dma_start3A_192 = arith.constant 0 : i32
    %dma_start3A_193 = arith.constant 0 : i32
    %dma_start3A_194 = tpu.memref_slice %arg2[%dma_start3A_192, %dma_start3A_193] : memref<200000x16xf32, #tpu.memory_space<hbm>> -> memref<200000x16xf32, #tpu.memory_space<hbm>>
    tpu.enqueue_indirect_dma source(%dma_start3A_194 : memref<200000x16xf32, #tpu.memory_space<hbm>>) target(%dma_start3A_188 : memref<256x16xf32, #tpu.memory_space<vmem>>) offsets(%dma_start3A_191 : memref<256xi32, #tpu.memory_space<vmem>>) semaphore(%arg14 : memref<!tpu.dma_semaphore, #tpu.memory_space<semaphore_mem>>)
    %dma_wait3A_195 = arith.constant 0 : i32
    %dma_wait3A_196 = tpu.memref_slice %arg11[%dma_wait3A_195] : memref<1536xf32, #tpu.memory_space<vmem>> -> memref<768xf32, #tpu.memory_space<vmem>>
    %dma_wait3A_197 = arith.constant 0 : i32
    %dma_wait3A_198 = tpu.memref_slice %arg5[%dma_wait3A_197] : memref<1638400xf32, #tpu.memory_space<hbm>> -> memref<768xf32, #tpu.memory_space<hbm>>
    %dma_wait3A_199 = arith.constant 0 : i32
    %dma_wait3A_200 = tpu.memref_slice %arg11[%dma_wait3A_199] : memref<1536xf32, #tpu.memory_space<vmem>> -> memref<768xf32, #tpu.memory_space<vmem>>
    %dma_wait3A_201 = arith.constant 0 : i32
    %dma_wait3A_202 = tpu.memref_slice %arg5[%dma_wait3A_201] : memref<1638400xf32, #tpu.memory_space<hbm>> -> memref<768xf32, #tpu.memory_space<hbm>>
    tpu.wait_dma2 semaphore(%arg16 : memref<!tpu.dma_semaphore, #tpu.memory_space<semaphore_mem>>) src(%dma_wait3A_202 : memref<768xf32, #tpu.memory_space<hbm>>) dst(%dma_wait3A_200 : memref<768xf32, #tpu.memory_space<vmem>>)
    %rem3A_203 = arith.constant 1 : i32
    %rem3A_204 = arith.constant 6 : i32
    %rem3A_205 = arith.remsi %rem3A_203, %rem3A_204 : i32
    %rem3A_206 = arith.constant 1 : i32
    %rem3A_207 = arith.constant 4 : i32
    %rem3A_208 = arith.remsi %rem3A_206, %rem3A_207 : i32
    %mul3A_209 = arith.constant 256 : i32
    %mul3A_210 = arith.muli %rem3A_208, %mul3A_209 : i32
    %dma_start3A_211 = arith.constant 0 : i32
    %dma_start3A_212 = tpu.memref_slice %arg12[%mul3A_210, %dma_start3A_211] : memref<1024x16xf32, #tpu.memory_space<vmem>> -> memref<256x16xf32, #tpu.memory_space<vmem>>
    %dma_start3A_213 = arith.constant 0 : i32
    %dma_start3A_214 = tpu.memref_slice %arg9[%rem3A_205, %dma_start3A_213] : memref<6x256xi32, #tpu.memory_space<vmem>> -> memref<1x256xi32, #tpu.memory_space<vmem>>
    %dma_start3A_215 = tpu.memref_squeeze %dma_start3A_214 : memref<1x256xi32, #tpu.memory_space<vmem>> -> memref<256xi32, #tpu.memory_space<vmem>>
    %dma_start3A_216 = arith.constant 0 : i32
    %dma_start3A_217 = arith.constant 0 : i32
    %dma_start3A_218 = tpu.memref_slice %arg2[%dma_start3A_216, %dma_start3A_217] : memref<200000x16xf32, #tpu.memory_space<hbm>> -> memref<200000x16xf32, #tpu.memory_space<hbm>>
    tpu.enqueue_indirect_dma source(%dma_start3A_218 : memref<200000x16xf32, #tpu.memory_space<hbm>>) target(%dma_start3A_212 : memref<256x16xf32, #tpu.memory_space<vmem>>) offsets(%dma_start3A_215 : memref<256xi32, #tpu.memory_space<vmem>>) semaphore(%arg14 : memref<!tpu.dma_semaphore, #tpu.memory_space<semaphore_mem>>)
    %dma_wait3A_219 = arith.constant 0 : i32
    %dma_wait3A_220 = tpu.memref_slice %arg11[%dma_wait3A_219] : memref<1536xf32, #tpu.memory_space<vmem>> -> memref<768xf32, #tpu.memory_space<vmem>>
    %dma_wait3A_221 = arith.constant 0 : i32
    %dma_wait3A_222 = tpu.memref_slice %arg5[%dma_wait3A_221] : memref<1638400xf32, #tpu.memory_space<hbm>> -> memref<768xf32, #tpu.memory_space<hbm>>
    %dma_wait3A_223 = arith.constant 0 : i32
    %dma_wait3A_224 = tpu.memref_slice %arg11[%dma_wait3A_223] : memref<1536xf32, #tpu.memory_space<vmem>> -> memref<768xf32, #tpu.memory_space<vmem>>
    %dma_wait3A_225 = arith.constant 0 : i32
    %dma_wait3A_226 = tpu.memref_slice %arg5[%dma_wait3A_225] : memref<1638400xf32, #tpu.memory_space<hbm>> -> memref<768xf32, #tpu.memory_space<hbm>>
    tpu.wait_dma2 semaphore(%arg16 : memref<!tpu.dma_semaphore, #tpu.memory_space<semaphore_mem>>) src(%dma_wait3A_226 : memref<768xf32, #tpu.memory_space<hbm>>) dst(%dma_wait3A_224 : memref<768xf32, #tpu.memory_space<vmem>>)
    %rem3A_227 = arith.constant 2 : i32
    %rem3A_228 = arith.constant 6 : i32
    %rem3A_229 = arith.remsi %rem3A_227, %rem3A_228 : i32
    %rem3A_230 = arith.constant 2 : i32
    %rem3A_231 = arith.constant 4 : i32
    %rem3A_232 = arith.remsi %rem3A_230, %rem3A_231 : i32
    %mul3A_233 = arith.constant 256 : i32
    %mul3A_234 = arith.muli %rem3A_232, %mul3A_233 : i32
    %dma_start3A_235 = arith.constant 0 : i32
    %dma_start3A_236 = tpu.memref_slice %arg12[%mul3A_234, %dma_start3A_235] : memref<1024x16xf32, #tpu.memory_space<vmem>> -> memref<256x16xf32, #tpu.memory_space<vmem>>
    %dma_start3A_237 = arith.constant 0 : i32
    %dma_start3A_238 = tpu.memref_slice %arg9[%rem3A_229, %dma_start3A_237] : memref<6x256xi32, #tpu.memory_space<vmem>> -> memref<1x256xi32, #tpu.memory_space<vmem>>
    %dma_start3A_239 = tpu.memref_squeeze %dma_start3A_238 : memref<1x256xi32, #tpu.memory_space<vmem>> -> memref<256xi32, #tpu.memory_space<vmem>>
    %dma_start3A_240 = arith.constant 0 : i32
    %dma_start3A_241 = arith.constant 0 : i32
    %dma_start3A_242 = tpu.memref_slice %arg2[%dma_start3A_240, %dma_start3A_241] : memref<200000x16xf32, #tpu.memory_space<hbm>> -> memref<200000x16xf32, #tpu.memory_space<hbm>>
    tpu.enqueue_indirect_dma source(%dma_start3A_242 : memref<200000x16xf32, #tpu.memory_space<hbm>>) target(%dma_start3A_236 : memref<256x16xf32, #tpu.memory_space<vmem>>) offsets(%dma_start3A_239 : memref<256xi32, #tpu.memory_space<vmem>>) semaphore(%arg14 : memref<!tpu.dma_semaphore, #tpu.memory_space<semaphore_mem>>)
    %scan3A = arith.constant 0 : i32
    %scan3A_243 = arith.constant 0 : i32
    %scan3A_244 = arith.constant 400 : i32
    %scan3A_245 = arith.addi %scan3A_243, %scan3A_244 : i32
    %scan3A_246 = arith.constant 1 : i32
    %scan3A_247 = scf.for %scan3A_555 = %scan3A_243 to %scan3A_245 step %scan3A_246 iter_args(%scan3A_556 = %scan3A) -> (i32)  : i32 {
      %rem3A_557 = arith.constant 6 : i32
      %rem3A_558 = arith.remsi %scan3A_555, %rem3A_557 : i32
      %rem3A_559 = arith.constant 4 : i32
      %rem3A_560 = arith.remsi %scan3A_555, %rem3A_559 : i32
      %dma_wait3A_561 = arith.constant 0 : i32
      %dma_wait3A_562 = arith.constant 0 : i32
      %dma_wait3A_563 = tpu.memref_slice %arg12[%dma_wait3A_561, %dma_wait3A_562] : memref<1024x16xf32, #tpu.memory_space<vmem>> -> memref<256x16xf32, #tpu.memory_space<vmem>>
      %dma_wait3A_564 = arith.constant 0 : i32
      %dma_wait3A_565 = arith.constant 0 : i32
      %dma_wait3A_566 = tpu.memref_slice %arg2[%dma_wait3A_564, %dma_wait3A_565] : memref<200000x16xf32, #tpu.memory_space<hbm>> -> memref<256x16xf32, #tpu.memory_space<hbm>>
      %dma_wait3A_567 = arith.constant 0 : i32
      %dma_wait3A_568 = arith.constant 0 : i32
      %dma_wait3A_569 = tpu.memref_slice %arg12[%dma_wait3A_567, %dma_wait3A_568] : memref<1024x16xf32, #tpu.memory_space<vmem>> -> memref<256x16xf32, #tpu.memory_space<vmem>>
      %dma_wait3A_570 = arith.constant 0 : i32
      %dma_wait3A_571 = arith.constant 0 : i32
      %dma_wait3A_572 = tpu.memref_slice %arg2[%dma_wait3A_570, %dma_wait3A_571] : memref<200000x16xf32, #tpu.memory_space<hbm>> -> memref<256x16xf32, #tpu.memory_space<hbm>>
      tpu.wait_dma2 semaphore(%arg14 : memref<!tpu.dma_semaphore, #tpu.memory_space<semaphore_mem>>) src(%dma_wait3A_572 : memref<256x16xf32, #tpu.memory_space<hbm>>) dst(%dma_wait3A_569 : memref<256x16xf32, #tpu.memory_space<vmem>>)
      %scan3A_573 = arith.constant 0 : i32
      %scan3A_574 = arith.constant 0 : i32
      %scan3A_575 = arith.constant 16 : i32
      %scan3A_576 = arith.addi %scan3A_574, %scan3A_575 : i32
      %scan3A_577 = arith.constant 1 : i32
      %scan3A_578 = scf.for %scan3A_609 = %scan3A_574 to %scan3A_576 step %scan3A_577 iter_args(%scan3A_610 = %scan3A_573) -> (i32)  : i32 {
        %mul3A_611 = arith.constant 256 : i32
        %mul3A_612 = arith.muli %rem3A_558, %mul3A_611 : i32
        %mul3A_613 = arith.constant 16 : i32
        %mul3A_614 = arith.muli %scan3A_609, %mul3A_613 : i32
        %add3A_615 = arith.addi %mul3A_612, %mul3A_614 : i32
        %get3A = arith.index_cast %add3A_615 : i32 to index
        %get3A_616 = tpu.vector_load %arg11[%get3A] {strides = array<i32>} : memref<1536xf32, #tpu.memory_space<vmem>>, vector<16xf32>,
        %get3A_617 = vector.shape_cast %get3A_616 : vector<16xf32> to vector<16xf32>
        %mul3A_618 = arith.constant 256 : i32
        %mul3A_619 = arith.muli %rem3A_560, %mul3A_618 : i32
        %mul3A_620 = arith.constant 16 : i32
        %mul3A_621 = arith.muli %scan3A_609, %mul3A_620 : i32
        %add3A_622 = arith.addi %mul3A_619, %mul3A_621 : i32
        %add3A_623 = arith.constant 0 : i32
        %add3A_624 = arith.addi %add3A_622, %add3A_623 : i32
        %broadcast_in_dim3A = arith.constant 0 : i32
        %broadcast_in_dim3A_625 = vector.broadcast %broadcast_in_dim3A : i32 to vector<16x1xi32>
        %gather3A = vector.shape_cast %broadcast_in_dim3A_625 : vector<16x1xi32> to vector<16xi32>
        %gather3A_626 = tpu.dynamic_gather %get3A_617[%gather3A] in [0] : vector<16xf32>, vector<16xi32> -> vector<16xf32>
        %get3A_627 = arith.index_cast %add3A_624 : i32 to index
        %get3A_628 = arith.constant 0 : index
        %get3A_629 = tpu.vector_load %arg12[%get3A_627, %get3A_628] {strides = array<i32>} : memref<1024x16xf32, #tpu.memory_space<vmem>>, vector<1x16xf32>,
        %get3A_630 = vector.shape_cast %get3A_629 : vector<1x16xf32> to vector<16xf32>
        %mul3A_631 = arith.mulf %get3A_630, %gather3A_626 : vector<16xf32>
        %swap3A = arith.index_cast %add3A_624 : i32 to index
        %swap3A_632 = arith.constant 0 : index
        %swap3A_633 = tpu.vector_load %arg12[%swap3A, %swap3A_632] {strides = array<i32>} : memref<1024x16xf32, #tpu.memory_space<vmem>>, vector<1x16xf32>,
        %swap3A_634 = vector.shape_cast %swap3A_633 : vector<1x16xf32> to vector<16xf32>
        %swap3A_635 = vector.shape_cast %mul3A_631 : vector<16xf32> to vector<1x16xf32>
        tpu.vector_store %arg12[%swap3A, %swap3A_632], %swap3A_635 {strides = array<i32>} : memref<1024x16xf32, #tpu.memory_space<vmem>>, vector<1x16xf32>,
        %add3A_636 = arith.constant 1 : i32
        %add3A_637 = arith.addi %add3A_622, %add3A_636 : i32
        %broadcast_in_dim3A_638 = arith.constant 1 : i32
        %broadcast_in_dim3A_639 = vector.broadcast %broadcast_in_dim3A_638 : i32 to vector<16x1xi32>
        %gather3A_640 = vector.shape_cast %broadcast_in_dim3A_639 : vector<16x1xi32> to vector<16xi32>
        %gather3A_641 = tpu.dynamic_gather %get3A_617[%gather3A_640] in [0] : vector<16xf32>, vector<16xi32> -> vector<16xf32>
        %get3A_642 = arith.index_cast %add3A_637 : i32 to index
        %get3A_643 = arith.constant 0 : index
        %get3A_644 = tpu.vector_load %arg12[%get3A_642, %get3A_643] {strides = array<i32>} : memref<1024x16xf32, #tpu.memory_space<vmem>>, vector<1x16xf32>,
        %get3A_645 = vector.shape_cast %get3A_644 : vector<1x16xf32> to vector<16xf32>
        %mul3A_646 = arith.mulf %get3A_645, %gather3A_641 : vector<16xf32>
        %swap3A_647 = arith.index_cast %add3A_637 : i32 to index
        %swap3A_648 = arith.constant 0 : index
        %swap3A_649 = tpu.vector_load %arg12[%swap3A_647, %swap3A_648] {strides = array<i32>} : memref<1024x16xf32, #tpu.memory_space<vmem>>, vector<1x16xf32>,
        %swap3A_650 = vector.shape_cast %swap3A_649 : vector<1x16xf32> to vector<16xf32>
        %swap3A_651 = vector.shape_cast %mul3A_646 : vector<16xf32> to vector<1x16xf32>
        tpu.vector_store %arg12[%swap3A_647, %swap3A_648], %swap3A_651 {strides = array<i32>} : memref<1024x16xf32, #tpu.memory_space<vmem>>, vector<1x16xf32>,
        %add3A_652 = arith.constant 2 : i32
        %add3A_653 = arith.addi %add3A_622, %add3A_652 : i32
        %broadcast_in_dim3A_654 = arith.constant 2 : i32
        %broadcast_in_dim3A_655 = vector.broadcast %broadcast_in_dim3A_654 : i32 to vector<16x1xi32>
        %gather3A_656 = vector.shape_cast %broadcast_in_dim3A_655 : vector<16x1xi32> to vector<16xi32>
        %gather3A_657 = tpu.dynamic_gather %get3A_617[%gather3A_656] in [0] : vector<16xf32>, vector<16xi32> -> vector<16xf32>
        %get3A_658 = arith.index_cast %add3A_653 : i32 to index
        %get3A_659 = arith.constant 0 : index
        %get3A_660 = tpu.vector_load %arg12[%get3A_658, %get3A_659] {strides = array<i32>} : memref<1024x16xf32, #tpu.memory_space<vmem>>, vector<1x16xf32>,
        %get3A_661 = vector.shape_cast %get3A_660 : vector<1x16xf32> to vector<16xf32>
        %mul3A_662 = arith.mulf %get3A_661, %gather3A_657 : vector<16xf32>
        %swap3A_663 = arith.index_cast %add3A_653 : i32 to index
        %swap3A_664 = arith.constant 0 : index
        %swap3A_665 = tpu.vector_load %arg12[%swap3A_663, %swap3A_664] {strides = array<i32>} : memref<1024x16xf32, #tpu.memory_space<vmem>>, vector<1x16xf32>,
        %swap3A_666 = vector.shape_cast %swap3A_665 : vector<1x16xf32> to vector<16xf32>
        %swap3A_667 = vector.shape_cast %mul3A_662 : vector<16xf32> to vector<1x16xf32>
        tpu.vector_store %arg12[%swap3A_663, %swap3A_664], %swap3A_667 {strides = array<i32>} : memref<1024x16xf32, #tpu.memory_space<vmem>>, vector<1x16xf32>,
        %add3A_668 = arith.constant 3 : i32
        %add3A_669 = arith.addi %add3A_622, %add3A_668 : i32
        %broadcast_in_dim3A_670 = arith.constant 3 : i32
        %broadcast_in_dim3A_671 = vector.broadcast %broadcast_in_dim3A_670 : i32 to vector<16x1xi32>
        %gather3A_672 = vector.shape_cast %broadcast_in_dim3A_671 : vector<16x1xi32> to vector<16xi32>
        %gather3A_673 = tpu.dynamic_gather %get3A_617[%gather3A_672] in [0] : vector<16xf32>, vector<16xi32> -> vector<16xf32>
        %get3A_674 = arith.index_cast %add3A_669 : i32 to index
        %get3A_675 = arith.constant 0 : index
        %get3A_676 = tpu.vector_load %arg12[%get3A_674, %get3A_675] {strides = array<i32>} : memref<1024x16xf32, #tpu.memory_space<vmem>>, vector<1x16xf32>,
        %get3A_677 = vector.shape_cast %get3A_676 : vector<1x16xf32> to vector<16xf32>
        %mul3A_678 = arith.mulf %get3A_677, %gather3A_673 : vector<16xf32>
        %swap3A_679 = arith.index_cast %add3A_669 : i32 to index
        %swap3A_680 = arith.constant 0 : index
        %swap3A_681 = tpu.vector_load %arg12[%swap3A_679, %swap3A_680] {strides = array<i32>} : memref<1024x16xf32, #tpu.memory_space<vmem>>, vector<1x16xf32>,
        %swap3A_682 = vector.shape_cast %swap3A_681 : vector<1x16xf32> to vector<16xf32>
        %swap3A_683 = vector.shape_cast %mul3A_678 : vector<16xf32> to vector<1x16xf32>
        tpu.vector_store %arg12[%swap3A_679, %swap3A_680], %swap3A_683 {strides = array<i32>} : memref<1024x16xf32, #tpu.memory_space<vmem>>, vector<1x16xf32>,
        %add3A_684 = arith.constant 4 : i32
        %add3A_685 = arith.addi %add3A_622, %add3A_684 : i32
        %broadcast_in_dim3A_686 = arith.constant 4 : i32
        %broadcast_in_dim3A_687 = vector.broadcast %broadcast_in_dim3A_686 : i32 to vector<16x1xi32>
        %gather3A_688 = vector.shape_cast %broadcast_in_dim3A_687 : vector<16x1xi32> to vector<16xi32>
        %gather3A_689 = tpu.dynamic_gather %get3A_617[%gather3A_688] in [0] : vector<16xf32>, vector<16xi32> -> vector<16xf32>
        %get3A_690 = arith.index_cast %add3A_685 : i32 to index
        %get3A_691 = arith.constant 0 : index
        %get3A_692 = tpu.vector_load %arg12[%get3A_690, %get3A_691] {strides = array<i32>} : memref<1024x16xf32, #tpu.memory_space<vmem>>, vector<1x16xf32>,
        %get3A_693 = vector.shape_cast %get3A_692 : vector<1x16xf32> to vector<16xf32>
        %mul3A_694 = arith.mulf %get3A_693, %gather3A_689 : vector<16xf32>
        %swap3A_695 = arith.index_cast %add3A_685 : i32 to index
        %swap3A_696 = arith.constant 0 : index
        %swap3A_697 = tpu.vector_load %arg12[%swap3A_695, %swap3A_696] {strides = array<i32>} : memref<1024x16xf32, #tpu.memory_space<vmem>>, vector<1x16xf32>,
        %swap3A_698 = vector.shape_cast %swap3A_697 : vector<1x16xf32> to vector<16xf32>
        %swap3A_699 = vector.shape_cast %mul3A_694 : vector<16xf32> to vector<1x16xf32>
        tpu.vector_store %arg12[%swap3A_695, %swap3A_696], %swap3A_699 {strides = array<i32>} : memref<1024x16xf32, #tpu.memory_space<vmem>>, vector<1x16xf32>,
        %add3A_700 = arith.constant 5 : i32
        %add3A_701 = arith.addi %add3A_622, %add3A_700 : i32
        %broadcast_in_dim3A_702 = arith.constant 5 : i32
        %broadcast_in_dim3A_703 = vector.broadcast %broadcast_in_dim3A_702 : i32 to vector<16x1xi32>
        %gather3A_704 = vector.shape_cast %broadcast_in_dim3A_703 : vector<16x1xi32> to vector<16xi32>
        %gather3A_705 = tpu.dynamic_gather %get3A_617[%gather3A_704] in [0] : vector<16xf32>, vector<16xi32> -> vector<16xf32>
        %get3A_706 = arith.index_cast %add3A_701 : i32 to index
        %get3A_707 = arith.constant 0 : index
        %get3A_708 = tpu.vector_load %arg12[%get3A_706, %get3A_707] {strides = array<i32>} : memref<1024x16xf32, #tpu.memory_space<vmem>>, vector<1x16xf32>,
        %get3A_709 = vector.shape_cast %get3A_708 : vector<1x16xf32> to vector<16xf32>
        %mul3A_710 = arith.mulf %get3A_709, %gather3A_705 : vector<16xf32>
        %swap3A_711 = arith.index_cast %add3A_701 : i32 to index
        %swap3A_712 = arith.constant 0 : index
        %swap3A_713 = tpu.vector_load %arg12[%swap3A_711, %swap3A_712] {strides = array<i32>} : memref<1024x16xf32, #tpu.memory_space<vmem>>, vector<1x16xf32>,
        %swap3A_714 = vector.shape_cast %swap3A_713 : vector<1x16xf32> to vector<16xf32>
        %swap3A_715 = vector.shape_cast %mul3A_710 : vector<16xf32> to vector<1x16xf32>
        tpu.vector_store %arg12[%swap3A_711, %swap3A_712], %swap3A_715 {strides = array<i32>} : memref<1024x16xf32, #tpu.memory_space<vmem>>, vector<1x16xf32>,
        %add3A_716 = arith.constant 6 : i32
        %add3A_717 = arith.addi %add3A_622, %add3A_716 : i32
        %broadcast_in_dim3A_718 = arith.constant 6 : i32
        %broadcast_in_dim3A_719 = vector.broadcast %broadcast_in_dim3A_718 : i32 to vector<16x1xi32>
        %gather3A_720 = vector.shape_cast %broadcast_in_dim3A_719 : vector<16x1xi32> to vector<16xi32>
        %gather3A_721 = tpu.dynamic_gather %get3A_617[%gather3A_720] in [0] : vector<16xf32>, vector<16xi32> -> vector<16xf32>
        %get3A_722 = arith.index_cast %add3A_717 : i32 to index
        %get3A_723 = arith.constant 0 : index
        %get3A_724 = tpu.vector_load %arg12[%get3A_722, %get3A_723] {strides = array<i32>} : memref<1024x16xf32, #tpu.memory_space<vmem>>, vector<1x16xf32>,
        %get3A_725 = vector.shape_cast %get3A_724 : vector<1x16xf32> to vector<16xf32>
        %mul3A_726 = arith.mulf %get3A_725, %gather3A_721 : vector<16xf32>
        %swap3A_727 = arith.index_cast %add3A_717 : i32 to index
        %swap3A_728 = arith.constant 0 : index
        %swap3A_729 = tpu.vector_load %arg12[%swap3A_727, %swap3A_728] {strides = array<i32>} : memref<1024x16xf32, #tpu.memory_space<vmem>>, vector<1x16xf32>,
        %swap3A_730 = vector.shape_cast %swap3A_729 : vector<1x16xf32> to vector<16xf32>
        %swap3A_731 = vector.shape_cast %mul3A_726 : vector<16xf32> to vector<1x16xf32>
        tpu.vector_store %arg12[%swap3A_727, %swap3A_728], %swap3A_731 {strides = array<i32>} : memref<1024x16xf32, #tpu.memory_space<vmem>>, vector<1x16xf32>,
        %add3A_732 = arith.constant 7 : i32
        %add3A_733 = arith.addi %add3A_622, %add3A_732 : i32
        %broadcast_in_dim3A_734 = arith.constant 7 : i32
        %broadcast_in_dim3A_735 = vector.broadcast %broadcast_in_dim3A_734 : i32 to vector<16x1xi32>
        %gather3A_736 = vector.shape_cast %broadcast_in_dim3A_735 : vector<16x1xi32> to vector<16xi32>
        %gather3A_737 = tpu.dynamic_gather %get3A_617[%gather3A_736] in [0] : vector<16xf32>, vector<16xi32> -> vector<16xf32>
        %get3A_738 = arith.index_cast %add3A_733 : i32 to index
        %get3A_739 = arith.constant 0 : index
        %get3A_740 = tpu.vector_load %arg12[%get3A_738, %get3A_739] {strides = array<i32>} : memref<1024x16xf32, #tpu.memory_space<vmem>>, vector<1x16xf32>,
        %get3A_741 = vector.shape_cast %get3A_740 : vector<1x16xf32> to vector<16xf32>
        %mul3A_742 = arith.mulf %get3A_741, %gather3A_737 : vector<16xf32>
        %swap3A_743 = arith.index_cast %add3A_733 : i32 to index
        %swap3A_744 = arith.constant 0 : index
        %swap3A_745 = tpu.vector_load %arg12[%swap3A_743, %swap3A_744] {strides = array<i32>} : memref<1024x16xf32, #tpu.memory_space<vmem>>, vector<1x16xf32>,
        %swap3A_746 = vector.shape_cast %swap3A_745 : vector<1x16xf32> to vector<16xf32>
        %swap3A_747 = vector.shape_cast %mul3A_742 : vector<16xf32> to vector<1x16xf32>
        tpu.vector_store %arg12[%swap3A_743, %swap3A_744], %swap3A_747 {strides = array<i32>} : memref<1024x16xf32, #tpu.memory_space<vmem>>, vector<1x16xf32>,
        %add3A_748 = arith.constant 8 : i32
        %add3A_749 = arith.addi %add3A_622, %add3A_748 : i32
        %broadcast_in_dim3A_750 = arith.constant 8 : i32
        %broadcast_in_dim3A_751 = vector.broadcast %broadcast_in_dim3A_750 : i32 to vector<16x1xi32>
        %gather3A_752 = vector.shape_cast %broadcast_in_dim3A_751 : vector<16x1xi32> to vector<16xi32>
        %gather3A_753 = tpu.dynamic_gather %get3A_617[%gather3A_752] in [0] : vector<16xf32>, vector<16xi32> -> vector<16xf32>
        %get3A_754 = arith.index_cast %add3A_749 : i32 to index
        %get3A_755 = arith.constant 0 : index
        %get3A_756 = tpu.vector_load %arg12[%get3A_754, %get3A_755] {strides = array<i32>} : memref<1024x16xf32, #tpu.memory_space<vmem>>, vector<1x16xf32>,
        %get3A_757 = vector.shape_cast %get3A_756 : vector<1x16xf32> to vector<16xf32>
        %mul3A_758 = arith.mulf %get3A_757, %gather3A_753 : vector<16xf32>
        %swap3A_759 = arith.index_cast %add3A_749 : i32 to index
        %swap3A_760 = arith.constant 0 : index
        %swap3A_761 = tpu.vector_load %arg12[%swap3A_759, %swap3A_760] {strides = array<i32>} : memref<1024x16xf32, #tpu.memory_space<vmem>>, vector<1x16xf32>,
        %swap3A_762 = vector.shape_cast %swap3A_761 : vector<1x16xf32> to vector<16xf32>
        %swap3A_763 = vector.shape_cast %mul3A_758 : vector<16xf32> to vector<1x16xf32>
        tpu.vector_store %arg12[%swap3A_759, %swap3A_760], %swap3A_763 {strides = array<i32>} : memref<1024x16xf32, #tpu.memory_space<vmem>>, vector<1x16xf32>,
        %add3A_764 = arith.constant 9 : i32
        %add3A_765 = arith.addi %add3A_622, %add3A_764 : i32
        %broadcast_in_dim3A_766 = arith.constant 9 : i32
        %broadcast_in_dim3A_767 = vector.broadcast %broadcast_in_dim3A_766 : i32 to vector<16x1xi32>
        %gather3A_768 = vector.shape_cast %broadcast_in_dim3A_767 : vector<16x1xi32> to vector<16xi32>
        %gather3A_769 = tpu.dynamic_gather %get3A_617[%gather3A_768] in [0] : vector<16xf32>, vector<16xi32> -> vector<16xf32>
        %get3A_770 = arith.index_cast %add3A_765 : i32 to index
        %get3A_771 = arith.constant 0 : index
        %get3A_772 = tpu.vector_load %arg12[%get3A_770, %get3A_771] {strides = array<i32>} : memref<1024x16xf32, #tpu.memory_space<vmem>>, vector<1x16xf32>,
        %get3A_773 = vector.shape_cast %get3A_772 : vector<1x16xf32> to vector<16xf32>
        %mul3A_774 = arith.mulf %get3A_773, %gather3A_769 : vector<16xf32>
        %swap3A_775 = arith.index_cast %add3A_765 : i32 to index
        %swap3A_776 = arith.constant 0 : index
        %swap3A_777 = tpu.vector_load %arg12[%swap3A_775, %swap3A_776] {strides = array<i32>} : memref<1024x16xf32, #tpu.memory_space<vmem>>, vector<1x16xf32>,
        %swap3A_778 = vector.shape_cast %swap3A_777 : vector<1x16xf32> to vector<16xf32>
        %swap3A_779 = vector.shape_cast %mul3A_774 : vector<16xf32> to vector<1x16xf32>
        tpu.vector_store %arg12[%swap3A_775, %swap3A_776], %swap3A_779 {strides = array<i32>} : memref<1024x16xf32, #tpu.memory_space<vmem>>, vector<1x16xf32>,
        %add3A_780 = arith.constant 10 : i32
        %add3A_781 = arith.addi %add3A_622, %add3A_780 : i32
        %broadcast_in_dim3A_782 = arith.constant 10 : i32
        %broadcast_in_dim3A_783 = vector.broadcast %broadcast_in_dim3A_782 : i32 to vector<16x1xi32>
        %gather3A_784 = vector.shape_cast %broadcast_in_dim3A_783 : vector<16x1xi32> to vector<16xi32>
        %gather3A_785 = tpu.dynamic_gather %get3A_617[%gather3A_784] in [0] : vector<16xf32>, vector<16xi32> -> vector<16xf32>
        %get3A_786 = arith.index_cast %add3A_781 : i32 to index
        %get3A_787 = arith.constant 0 : index
        %get3A_788 = tpu.vector_load %arg12[%get3A_786, %get3A_787] {strides = array<i32>} : memref<1024x16xf32, #tpu.memory_space<vmem>>, vector<1x16xf32>,
        %get3A_789 = vector.shape_cast %get3A_788 : vector<1x16xf32> to vector<16xf32>
        %mul3A_790 = arith.mulf %get3A_789, %gather3A_785 : vector<16xf32>
        %swap3A_791 = arith.index_cast %add3A_781 : i32 to index
        %swap3A_792 = arith.constant 0 : index
        %swap3A_793 = tpu.vector_load %arg12[%swap3A_791, %swap3A_792] {strides = array<i32>} : memref<1024x16xf32, #tpu.memory_space<vmem>>, vector<1x16xf32>,
        %swap3A_794 = vector.shape_cast %swap3A_793 : vector<1x16xf32> to vector<16xf32>
        %swap3A_795 = vector.shape_cast %mul3A_790 : vector<16xf32> to vector<1x16xf32>
        tpu.vector_store %arg12[%swap3A_791, %swap3A_792], %swap3A_795 {strides = array<i32>} : memref<1024x16xf32, #tpu.memory_space<vmem>>, vector<1x16xf32>,
        %add3A_796 = arith.constant 11 : i32
        %add3A_797 = arith.addi %add3A_622, %add3A_796 : i32
        %broadcast_in_dim3A_798 = arith.constant 11 : i32
        %broadcast_in_dim3A_799 = vector.broadcast %broadcast_in_dim3A_798 : i32 to vector<16x1xi32>
        %gather3A_800 = vector.shape_cast %broadcast_in_dim3A_799 : vector<16x1xi32> to vector<16xi32>
        %gather3A_801 = tpu.dynamic_gather %get3A_617[%gather3A_800] in [0] : vector<16xf32>, vector<16xi32> -> vector<16xf32>
        %get3A_802 = arith.index_cast %add3A_797 : i32 to index
        %get3A_803 = arith.constant 0 : index
        %get3A_804 = tpu.vector_load %arg12[%get3A_802, %get3A_803] {strides = array<i32>} : memref<1024x16xf32, #tpu.memory_space<vmem>>, vector<1x16xf32>,
        %get3A_805 = vector.shape_cast %get3A_804 : vector<1x16xf32> to vector<16xf32>
        %mul3A_806 = arith.mulf %get3A_805, %gather3A_801 : vector<16xf32>
        %swap3A_807 = arith.index_cast %add3A_797 : i32 to index
        %swap3A_808 = arith.constant 0 : index
        %swap3A_809 = tpu.vector_load %arg12[%swap3A_807, %swap3A_808] {strides = array<i32>} : memref<1024x16xf32, #tpu.memory_space<vmem>>, vector<1x16xf32>,
        %swap3A_810 = vector.shape_cast %swap3A_809 : vector<1x16xf32> to vector<16xf32>
        %swap3A_811 = vector.shape_cast %mul3A_806 : vector<16xf32> to vector<1x16xf32>
        tpu.vector_store %arg12[%swap3A_807, %swap3A_808], %swap3A_811 {strides = array<i32>} : memref<1024x16xf32, #tpu.memory_space<vmem>>, vector<1x16xf32>,
        %add3A_812 = arith.constant 12 : i32
        %add3A_813 = arith.addi %add3A_622, %add3A_812 : i32
        %broadcast_in_dim3A_814 = arith.constant 12 : i32
        %broadcast_in_dim3A_815 = vector.broadcast %broadcast_in_dim3A_814 : i32 to vector<16x1xi32>
        %gather3A_816 = vector.shape_cast %broadcast_in_dim3A_815 : vector<16x1xi32> to vector<16xi32>
        %gather3A_817 = tpu.dynamic_gather %get3A_617[%gather3A_816] in [0] : vector<16xf32>, vector<16xi32> -> vector<16xf32>
        %get3A_818 = arith.index_cast %add3A_813 : i32 to index
        %get3A_819 = arith.constant 0 : index
        %get3A_820 = tpu.vector_load %arg12[%get3A_818, %get3A_819] {strides = array<i32>} : memref<1024x16xf32, #tpu.memory_space<vmem>>, vector<1x16xf32>,
        %get3A_821 = vector.shape_cast %get3A_820 : vector<1x16xf32> to vector<16xf32>
        %mul3A_822 = arith.mulf %get3A_821, %gather3A_817 : vector<16xf32>
        %swap3A_823 = arith.index_cast %add3A_813 : i32 to index
        %swap3A_824 = arith.constant 0 : index
        %swap3A_825 = tpu.vector_load %arg12[%swap3A_823, %swap3A_824] {strides = array<i32>} : memref<1024x16xf32, #tpu.memory_space<vmem>>, vector<1x16xf32>,
        %swap3A_826 = vector.shape_cast %swap3A_825 : vector<1x16xf32> to vector<16xf32>
        %swap3A_827 = vector.shape_cast %mul3A_822 : vector<16xf32> to vector<1x16xf32>
        tpu.vector_store %arg12[%swap3A_823, %swap3A_824], %swap3A_827 {strides = array<i32>} : memref<1024x16xf32, #tpu.memory_space<vmem>>, vector<1x16xf32>,
        %add3A_828 = arith.constant 13 : i32
        %add3A_829 = arith.addi %add3A_622, %add3A_828 : i32
        %broadcast_in_dim3A_830 = arith.constant 13 : i32
        %broadcast_in_dim3A_831 = vector.broadcast %broadcast_in_dim3A_830 : i32 to vector<16x1xi32>
        %gather3A_832 = vector.shape_cast %broadcast_in_dim3A_831 : vector<16x1xi32> to vector<16xi32>
        %gather3A_833 = tpu.dynamic_gather %get3A_617[%gather3A_832] in [0] : vector<16xf32>, vector<16xi32> -> vector<16xf32>
        %get3A_834 = arith.index_cast %add3A_829 : i32 to index
        %get3A_835 = arith.constant 0 : index
        %get3A_836 = tpu.vector_load %arg12[%get3A_834, %get3A_835] {strides = array<i32>} : memref<1024x16xf32, #tpu.memory_space<vmem>>, vector<1x16xf32>,
        %get3A_837 = vector.shape_cast %get3A_836 : vector<1x16xf32> to vector<16xf32>
        %mul3A_838 = arith.mulf %get3A_837, %gather3A_833 : vector<16xf32>
        %swap3A_839 = arith.index_cast %add3A_829 : i32 to index
        %swap3A_840 = arith.constant 0 : index
        %swap3A_841 = tpu.vector_load %arg12[%swap3A_839, %swap3A_840] {strides = array<i32>} : memref<1024x16xf32, #tpu.memory_space<vmem>>, vector<1x16xf32>,
        %swap3A_842 = vector.shape_cast %swap3A_841 : vector<1x16xf32> to vector<16xf32>
        %swap3A_843 = vector.shape_cast %mul3A_838 : vector<16xf32> to vector<1x16xf32>
        tpu.vector_store %arg12[%swap3A_839, %swap3A_840], %swap3A_843 {strides = array<i32>} : memref<1024x16xf32, #tpu.memory_space<vmem>>, vector<1x16xf32>,
        %add3A_844 = arith.constant 14 : i32
        %add3A_845 = arith.addi %add3A_622, %add3A_844 : i32
        %broadcast_in_dim3A_846 = arith.constant 14 : i32
        %broadcast_in_dim3A_847 = vector.broadcast %broadcast_in_dim3A_846 : i32 to vector<16x1xi32>
        %gather3A_848 = vector.shape_cast %broadcast_in_dim3A_847 : vector<16x1xi32> to vector<16xi32>
        %gather3A_849 = tpu.dynamic_gather %get3A_617[%gather3A_848] in [0] : vector<16xf32>, vector<16xi32> -> vector<16xf32>
        %get3A_850 = arith.index_cast %add3A_845 : i32 to index
        %get3A_851 = arith.constant 0 : index
        %get3A_852 = tpu.vector_load %arg12[%get3A_850, %get3A_851] {strides = array<i32>} : memref<1024x16xf32, #tpu.memory_space<vmem>>, vector<1x16xf32>,
        %get3A_853 = vector.shape_cast %get3A_852 : vector<1x16xf32> to vector<16xf32>
        %mul3A_854 = arith.mulf %get3A_853, %gather3A_849 : vector<16xf32>
        %swap3A_855 = arith.index_cast %add3A_845 : i32 to index
        %swap3A_856 = arith.constant 0 : index
        %swap3A_857 = tpu.vector_load %arg12[%swap3A_855, %swap3A_856] {strides = array<i32>} : memref<1024x16xf32, #tpu.memory_space<vmem>>, vector<1x16xf32>,
        %swap3A_858 = vector.shape_cast %swap3A_857 : vector<1x16xf32> to vector<16xf32>
        %swap3A_859 = vector.shape_cast %mul3A_854 : vector<16xf32> to vector<1x16xf32>
        tpu.vector_store %arg12[%swap3A_855, %swap3A_856], %swap3A_859 {strides = array<i32>} : memref<1024x16xf32, #tpu.memory_space<vmem>>, vector<1x16xf32>,
        %add3A_860 = arith.constant 15 : i32
        %add3A_861 = arith.addi %add3A_622, %add3A_860 : i32
        %broadcast_in_dim3A_862 = arith.constant 15 : i32
        %broadcast_in_dim3A_863 = vector.broadcast %broadcast_in_dim3A_862 : i32 to vector<16x1xi32>
        %gather3A_864 = vector.shape_cast %broadcast_in_dim3A_863 : vector<16x1xi32> to vector<16xi32>
        %gather3A_865 = tpu.dynamic_gather %get3A_617[%gather3A_864] in [0] : vector<16xf32>, vector<16xi32> -> vector<16xf32>
        %get3A_866 = arith.index_cast %add3A_861 : i32 to index
        %get3A_867 = arith.constant 0 : index
        %get3A_868 = tpu.vector_load %arg12[%get3A_866, %get3A_867] {strides = array<i32>} : memref<1024x16xf32, #tpu.memory_space<vmem>>, vector<1x16xf32>,
        %get3A_869 = vector.shape_cast %get3A_868 : vector<1x16xf32> to vector<16xf32>
        %mul3A_870 = arith.mulf %get3A_869, %gather3A_865 : vector<16xf32>
        %swap3A_871 = arith.index_cast %add3A_861 : i32 to index
        %swap3A_872 = arith.constant 0 : index
        %swap3A_873 = tpu.vector_load %arg12[%swap3A_871, %swap3A_872] {strides = array<i32>} : memref<1024x16xf32, #tpu.memory_space<vmem>>, vector<1x16xf32>,
        %swap3A_874 = vector.shape_cast %swap3A_873 : vector<1x16xf32> to vector<16xf32>
        %swap3A_875 = vector.shape_cast %mul3A_870 : vector<16xf32> to vector<1x16xf32>
        tpu.vector_store %arg12[%swap3A_871, %swap3A_872], %swap3A_875 {strides = array<i32>} : memref<1024x16xf32, #tpu.memory_space<vmem>>, vector<1x16xf32>,
        %scan3A_876 = arith.constant 0 : i32
        scf.yield %scan3A_876 : i32
      }
      %scan3A_579 = arith.constant 16 : i32
      %gt3A = arith.constant 0 : i32
      %gt3A_580 = arith.cmpi sgt, %scan3A_555, %gt3A : i32
      %convert_element_type3A_581 = arith.extui %gt3A_580 : i1 to i32
      %cond3A_582 = arith.constant 0 : i32
      %cond3A_583 = arith.cmpi ne, %convert_element_type3A_581, %cond3A_582 : i32
      scf.if %cond3A_583 {
        %dma_wait3A_609 = arith.constant 0 : i32
        %dma_wait3A_610 = arith.constant 0 : i32
        %dma_wait3A_611 = tpu.memref_slice %arg12[%dma_wait3A_609, %dma_wait3A_610] : memref<1024x16xf32, #tpu.memory_space<vmem>> -> memref<256x16xf32, #tpu.memory_space<vmem>>
        %dma_wait3A_612 = arith.constant 0 : i32
        %dma_wait3A_613 = arith.constant 0 : i32
        %dma_wait3A_614 = tpu.memref_slice %arg2[%dma_wait3A_612, %dma_wait3A_613] : memref<200000x16xf32, #tpu.memory_space<hbm>> -> memref<256x16xf32, #tpu.memory_space<hbm>>
        %dma_wait3A_615 = arith.constant 0 : i32
        %dma_wait3A_616 = arith.constant 0 : i32
        %dma_wait3A_617 = tpu.memref_slice %arg12[%dma_wait3A_615, %dma_wait3A_616] : memref<1024x16xf32, #tpu.memory_space<vmem>> -> memref<256x16xf32, #tpu.memory_space<vmem>>
        %dma_wait3A_618 = arith.constant 0 : i32
        %dma_wait3A_619 = arith.constant 0 : i32
        %dma_wait3A_620 = tpu.memref_slice %arg2[%dma_wait3A_618, %dma_wait3A_619] : memref<200000x16xf32, #tpu.memory_space<hbm>> -> memref<256x16xf32, #tpu.memory_space<hbm>>
        tpu.wait_dma2 semaphore(%arg15 : memref<!tpu.dma_semaphore, #tpu.memory_space<semaphore_mem>>) src(%dma_wait3A_620 : memref<256x16xf32, #tpu.memory_space<hbm>>) dst(%dma_wait3A_617 : memref<256x16xf32, #tpu.memory_space<vmem>>)
      } else {
      }
      %lt3A_584 = arith.constant 397 : i32
      %lt3A_585 = arith.cmpi slt, %scan3A_555, %lt3A_584 : i32
      %convert_element_type3A_586 = arith.extui %lt3A_585 : i1 to i32
      %cond3A_587 = arith.constant 0 : i32
      %cond3A_588 = arith.cmpi ne, %convert_element_type3A_586, %cond3A_587 : i32
      scf.if %cond3A_588 {
        %dma_wait3A_609 = arith.constant 0 : i32
        %dma_wait3A_610 = tpu.memref_slice %arg11[%dma_wait3A_609] : memref<1536xf32, #tpu.memory_space<vmem>> -> memref<768xf32, #tpu.memory_space<vmem>>
        %dma_wait3A_611 = arith.constant 0 : i32
        %dma_wait3A_612 = tpu.memref_slice %arg5[%dma_wait3A_611] : memref<1638400xf32, #tpu.memory_space<hbm>> -> memref<768xf32, #tpu.memory_space<hbm>>
        %dma_wait3A_613 = arith.constant 0 : i32
        %dma_wait3A_614 = tpu.memref_slice %arg11[%dma_wait3A_613] : memref<1536xf32, #tpu.memory_space<vmem>> -> memref<768xf32, #tpu.memory_space<vmem>>
        %dma_wait3A_615 = arith.constant 0 : i32
        %dma_wait3A_616 = tpu.memref_slice %arg5[%dma_wait3A_615] : memref<1638400xf32, #tpu.memory_space<hbm>> -> memref<768xf32, #tpu.memory_space<hbm>>
        tpu.wait_dma2 semaphore(%arg16 : memref<!tpu.dma_semaphore, #tpu.memory_space<semaphore_mem>>) src(%dma_wait3A_616 : memref<768xf32, #tpu.memory_space<hbm>>) dst(%dma_wait3A_614 : memref<768xf32, #tpu.memory_space<vmem>>)
        %add3A_617 = arith.constant 4 : i32
        %add3A_618 = arith.addi %scan3A_555, %add3A_617 : i32
        %sub3A = arith.constant 1 : i32
        %sub3A_619 = arith.subi %add3A_618, %sub3A : i32
        %rem3A_620 = arith.constant 6 : i32
        %rem3A_621 = arith.remsi %sub3A_619, %rem3A_620 : i32
        %rem3A_622 = arith.constant 4 : i32
        %rem3A_623 = arith.remsi %sub3A_619, %rem3A_622 : i32
        %mul3A_624 = arith.constant 256 : i32
        %mul3A_625 = arith.muli %rem3A_623, %mul3A_624 : i32
        %dma_start3A_626 = arith.constant 0 : i32
        %dma_start3A_627 = tpu.memref_slice %arg12[%mul3A_625, %dma_start3A_626] : memref<1024x16xf32, #tpu.memory_space<vmem>> -> memref<256x16xf32, #tpu.memory_space<vmem>>
        %dma_start3A_628 = arith.constant 0 : i32
        %dma_start3A_629 = tpu.memref_slice %arg9[%rem3A_621, %dma_start3A_628] : memref<6x256xi32, #tpu.memory_space<vmem>> -> memref<1x256xi32, #tpu.memory_space<vmem>>
        %dma_start3A_630 = tpu.memref_squeeze %dma_start3A_629 : memref<1x256xi32, #tpu.memory_space<vmem>> -> memref<256xi32, #tpu.memory_space<vmem>>
        %dma_start3A_631 = arith.constant 0 : i32
        %dma_start3A_632 = arith.constant 0 : i32
        %dma_start3A_633 = tpu.memref_slice %arg2[%dma_start3A_631, %dma_start3A_632] : memref<200000x16xf32, #tpu.memory_space<hbm>> -> memref<200000x16xf32, #tpu.memory_space<hbm>>
        tpu.enqueue_indirect_dma source(%dma_start3A_633 : memref<200000x16xf32, #tpu.memory_space<hbm>>) target(%dma_start3A_627 : memref<256x16xf32, #tpu.memory_space<vmem>>) offsets(%dma_start3A_630 : memref<256xi32, #tpu.memory_space<vmem>>) semaphore(%arg14 : memref<!tpu.dma_semaphore, #tpu.memory_space<semaphore_mem>>)
      } else {
      }
      %rem3A_589 = arith.constant 6 : i32
      %rem3A_590 = arith.remsi %scan3A_555, %rem3A_589 : i32
      %rem3A_591 = arith.constant 4 : i32
      %rem3A_592 = arith.remsi %scan3A_555, %rem3A_591 : i32
      %mul3A_593 = arith.constant 256 : i32
      %mul3A_594 = arith.muli %rem3A_592, %mul3A_593 : i32
      %dma_start3A_595 = arith.constant 0 : i32
      %dma_start3A_596 = tpu.memref_slice %arg12[%mul3A_594, %dma_start3A_595] : memref<1024x16xf32, #tpu.memory_space<vmem>> -> memref<256x16xf32, #tpu.memory_space<vmem>>
      %dma_start3A_597 = arith.constant 0 : i32
      %dma_start3A_598 = tpu.memref_slice %arg10[%rem3A_590, %dma_start3A_597] : memref<6x256xi32, #tpu.memory_space<vmem>> -> memref<1x256xi32, #tpu.memory_space<vmem>>
      %dma_start3A_599 = tpu.memref_squeeze %dma_start3A_598 : memref<1x256xi32, #tpu.memory_space<vmem>> -> memref<256xi32, #tpu.memory_space<vmem>>
      %dma_start3A_600 = arith.constant 0 : i32
      %dma_start3A_601 = arith.constant 0 : i32
      %dma_start3A_602 = tpu.memref_slice %arg13[%dma_start3A_600, %dma_start3A_601] : memref<100000x16xf32, #tpu.memory_space<vmem_shared>> -> memref<100000x16xf32, #tpu.memory_space<vmem_shared>>
      tpu.enqueue_indirect_dma source(%dma_start3A_596 : memref<256x16xf32, #tpu.memory_space<vmem>>) target(%dma_start3A_602 : memref<100000x16xf32, #tpu.memory_space<vmem_shared>>) offsets(%dma_start3A_599 : memref<256xi32, #tpu.memory_space<vmem>>) semaphore(%arg15 : memref<!tpu.dma_semaphore, #tpu.memory_space<semaphore_mem>>) {add = true}
      %lt3A_603 = arith.constant 395 : i32
      %lt3A_604 = arith.cmpi slt, %scan3A_555, %lt3A_603 : i32
      %convert_element_type3A_605 = arith.extui %lt3A_604 : i1 to i32
      %cond3A_606 = arith.constant 0 : i32
      %cond3A_607 = arith.cmpi ne, %convert_element_type3A_605, %cond3A_606 : i32
      scf.if %cond3A_607 {
        %add3A_609 = arith.constant 6 : i32
        %add3A_610 = arith.addi %scan3A_555, %add3A_609 : i32
        %sub3A = arith.constant 1 : i32
        %sub3A_611 = arith.subi %add3A_610, %sub3A : i32
        %rem3A_612 = arith.constant 6 : i32
        %rem3A_613 = arith.remsi %sub3A_611, %rem3A_612 : i32
        %mul3A_614 = arith.constant 102400 : i32
        %mul3A_615 = arith.muli %arg1, %mul3A_614 : i32
        %mul3A_616 = arith.constant 256 : i32
        %mul3A_617 = arith.muli %sub3A_611, %mul3A_616 : i32
        %add3A_618 = arith.addi %mul3A_615, %mul3A_617 : i32
        %mul3A_619 = arith.constant 1638400 : i32
        %mul3A_620 = arith.muli %arg0, %mul3A_619 : i32
        %add3A_621 = arith.addi %mul3A_620, %add3A_618 : i32
        %dma_start3A_622 = arith.constant 0 : i32
        %dma_start3A_623 = tpu.memref_slice %arg9[%rem3A_613, %dma_start3A_622] : memref<6x256xi32, #tpu.memory_space<vmem>> -> memref<1x256xi32, #tpu.memory_space<vmem>>
        %dma_start3A_624 = tpu.memref_squeeze %dma_start3A_623 : memref<1x256xi32, #tpu.memory_space<vmem>> -> memref<256xi32, #tpu.memory_space<vmem>>
        %dma_start3A_625 = tpu.memref_slice %arg3[%add3A_621] : memref<3276800xi32, #tpu.memory_space<hbm>> -> memref<256xi32, #tpu.memory_space<hbm>>
        %dma_start3A_626 = arith.constant 0 : i32
        %dma_start3A_627 = tpu.memref_slice %arg9[%rem3A_613, %dma_start3A_626] : memref<6x256xi32, #tpu.memory_space<vmem>> -> memref<1x256xi32, #tpu.memory_space<vmem>>
        %dma_start3A_628 = tpu.memref_squeeze %dma_start3A_627 : memref<1x256xi32, #tpu.memory_space<vmem>> -> memref<256xi32, #tpu.memory_space<vmem>>
        %dma_start3A_629 = tpu.memref_slice %arg3[%add3A_621] : memref<3276800xi32, #tpu.memory_space<hbm>> -> memref<256xi32, #tpu.memory_space<hbm>>
        tpu.enqueue_dma source(%dma_start3A_629 : memref<256xi32, #tpu.memory_space<hbm>>) target(%dma_start3A_628 : memref<256xi32, #tpu.memory_space<vmem>>) target_semaphore(%arg16 : memref<!tpu.dma_semaphore, #tpu.memory_space<semaphore_mem>>)
        %dma_start3A_630 = arith.constant 0 : i32
        %dma_start3A_631 = tpu.memref_slice %arg10[%rem3A_613, %dma_start3A_630] : memref<6x256xi32, #tpu.memory_space<vmem>> -> memref<1x256xi32, #tpu.memory_space<vmem>>
        %dma_start3A_632 = tpu.memref_squeeze %dma_start3A_631 : memref<1x256xi32, #tpu.memory_space<vmem>> -> memref<256xi32, #tpu.memory_space<vmem>>
        %dma_start3A_633 = tpu.memref_slice %arg4[%add3A_618] : memref<1638400xi32, #tpu.memory_space<hbm>> -> memref<256xi32, #tpu.memory_space<hbm>>
        %dma_start3A_634 = arith.constant 0 : i32
        %dma_start3A_635 = tpu.memref_slice %arg10[%rem3A_613, %dma_start3A_634] : memref<6x256xi32, #tpu.memory_space<vmem>> -> memref<1x256xi32, #tpu.memory_space<vmem>>
        %dma_start3A_636 = tpu.memref_squeeze %dma_start3A_635 : memref<1x256xi32, #tpu.memory_space<vmem>> -> memref<256xi32, #tpu.memory_space<vmem>>
        %dma_start3A_637 = tpu.memref_slice %arg4[%add3A_618] : memref<1638400xi32, #tpu.memory_space<hbm>> -> memref<256xi32, #tpu.memory_space<hbm>>
        tpu.enqueue_dma source(%dma_start3A_637 : memref<256xi32, #tpu.memory_space<hbm>>) target(%dma_start3A_636 : memref<256xi32, #tpu.memory_space<vmem>>) target_semaphore(%arg16 : memref<!tpu.dma_semaphore, #tpu.memory_space<semaphore_mem>>)
        %mul3A_638 = arith.constant 256 : i32
        %mul3A_639 = arith.muli %rem3A_613, %mul3A_638 : i32
        %dma_start3A_640 = tpu.memref_slice %arg11[%mul3A_639] : memref<1536xf32, #tpu.memory_space<vmem>> -> memref<256xf32, #tpu.memory_space<vmem>>
        %dma_start3A_641 = tpu.memref_slice %arg5[%add3A_618] : memref<1638400xf32, #tpu.memory_space<hbm>> -> memref<256xf32, #tpu.memory_space<hbm>>
        %dma_start3A_642 = tpu.memref_slice %arg11[%mul3A_639] : memref<1536xf32, #tpu.memory_space<vmem>> -> memref<256xf32, #tpu.memory_space<vmem>>
        %dma_start3A_643 = tpu.memref_slice %arg5[%add3A_618] : memref<1638400xf32, #tpu.memory_space<hbm>> -> memref<256xf32, #tpu.memory_space<hbm>>
        tpu.enqueue_dma source(%dma_start3A_643 : memref<256xf32, #tpu.memory_space<hbm>>) target(%dma_start3A_642 : memref<256xf32, #tpu.memory_space<vmem>>) target_semaphore(%arg16 : memref<!tpu.dma_semaphore, #tpu.memory_space<semaphore_mem>>)
      } else {
      }
      %scan3A_608 = arith.constant 0 : i32
      scf.yield %scan3A_608 : i32
    }
    %scan3A_248 = arith.constant 400 : i32
    %dma_wait3A_249 = arith.constant 0 : i32
    %dma_wait3A_250 = arith.constant 0 : i32
    %dma_wait3A_251 = tpu.memref_slice %arg12[%dma_wait3A_249, %dma_wait3A_250] : memref<1024x16xf32, #tpu.memory_space<vmem>> -> memref<256x16xf32, #tpu.memory_space<vmem>>
    %dma_wait3A_252 = arith.constant 0 : i32
    %dma_wait3A_253 = arith.constant 0 : i32
    %dma_wait3A_254 = tpu.memref_slice %arg2[%dma_wait3A_252, %dma_wait3A_253] : memref<200000x16xf32, #tpu.memory_space<hbm>> -> memref<256x16xf32, #tpu.memory_space<hbm>>
    %dma_wait3A_255 = arith.constant 0 : i32
    %dma_wait3A_256 = arith.constant 0 : i32
    %dma_wait3A_257 = tpu.memref_slice %arg12[%dma_wait3A_255, %dma_wait3A_256] : memref<1024x16xf32, #tpu.memory_space<vmem>> -> memref<256x16xf32, #tpu.memory_space<vmem>>
    %dma_wait3A_258 = arith.constant 0 : i32
    %dma_wait3A_259 = arith.constant 0 : i32
    %dma_wait3A_260 = tpu.memref_slice %arg2[%dma_wait3A_258, %dma_wait3A_259] : memref<200000x16xf32, #tpu.memory_space<hbm>> -> memref<256x16xf32, #tpu.memory_space<hbm>>
    tpu.wait_dma2 semaphore(%arg15 : memref<!tpu.dma_semaphore, #tpu.memory_space<semaphore_mem>>) src(%dma_wait3A_260 : memref<256x16xf32, #tpu.memory_space<hbm>>) dst(%dma_wait3A_257 : memref<256x16xf32, #tpu.memory_space<vmem>>)
    %barrier3A_261 = arith.constant 0 : index
    tpu.barrier barrier_id(%barrier3A_261)
    %lt3A_262 = arith.constant 4 : i32
    %lt3A_263 = arith.cmpi slt, %arg1, %lt3A_262 : i32
    %convert_element_type3A_264 = arith.extui %lt3A_263 : i1 to i32
    %cond3A_265 = arith.constant 0 : i32
    %cond3A_266 = arith.cmpi ne, %convert_element_type3A_264, %cond3A_265 : i32
    scf.if %cond3A_266 {
      %mul3A_555 = arith.constant 6256 : i32
      %mul3A_556 = arith.muli %arg1, %mul3A_555 : i32
      %multiple_of3A = tpu.assume_multiple %mul3A_556, 8 : i32
      %mul3A_557 = arith.constant 100000 : i32
      %mul3A_558 = arith.muli %arg0, %mul3A_557 : i32
      %add3A_559 = arith.addi %mul3A_558, %multiple_of3A : i32
      %multiple_of3A_560 = tpu.assume_multiple %add3A_559, 8 : i32
      "tpu.region"() ({
        %run_scoped3A = tpu.sem_alloc : memref<!tpu.dma_semaphore, #tpu.memory_space<semaphore_mem>>
        %dma_start3A_561 = arith.constant 0 : i32
        %dma_start3A_562 = tpu.memref_slice %arg7[%multiple_of3A_560, %dma_start3A_561] : memref<200000x16xf32, #tpu.memory_space<hbm>> -> memref<6256x16xf32, #tpu.memory_space<hbm>>
        %dma_start3A_563 = arith.constant 0 : i32
        %dma_start3A_564 = tpu.memref_slice %arg13[%multiple_of3A, %dma_start3A_563] : memref<100000x16xf32, #tpu.memory_space<vmem_shared>> -> memref<6256x16xf32, #tpu.memory_space<vmem_shared>>
        tpu.enqueue_dma source(%dma_start3A_564 : memref<6256x16xf32, #tpu.memory_space<vmem_shared>>) target(%dma_start3A_562 : memref<6256x16xf32, #tpu.memory_space<hbm>>) target_semaphore(%run_scoped3A : memref<!tpu.dma_semaphore, #tpu.memory_space<semaphore_mem>>)
        %dma_wait3A_565 = arith.constant 0 : i32
        %dma_wait3A_566 = tpu.memref_slice %arg7[%multiple_of3A_560, %dma_wait3A_565] : memref<200000x16xf32, #tpu.memory_space<hbm>> -> memref<6256x16xf32, #tpu.memory_space<hbm>>
        %dma_wait3A_567 = arith.constant 0 : i32
        %dma_wait3A_568 = tpu.memref_slice %arg13[%multiple_of3A, %dma_wait3A_567] : memref<100000x16xf32, #tpu.memory_space<vmem_shared>> -> memref<6256x16xf32, #tpu.memory_space<vmem_shared>>
        tpu.wait_dma2 semaphore(%run_scoped3A : memref<!tpu.dma_semaphore, #tpu.memory_space<semaphore_mem>>) src(%dma_wait3A_568 : memref<6256x16xf32, #tpu.memory_space<vmem_shared>>) dst(%dma_wait3A_566 : memref<6256x16xf32, #tpu.memory_space<hbm>>)
        tpu.yield
      }) : () -> ()
    } else {
    }
    %ge3A_267 = arith.constant 4 : i32
    %ge3A_268 = arith.cmpi sge, %arg1, %ge3A_267 : i32
    %convert_element_type3A_269 = arith.extui %ge3A_268 : i1 to i32
    %cond3A_270 = arith.constant 0 : i32
    %cond3A_271 = arith.cmpi ne, %convert_element_type3A_269, %cond3A_270 : i32
    scf.if %cond3A_271 {
      %sub3A = arith.constant 4 : i32
      %sub3A_555 = arith.subi %arg1, %sub3A : i32
      %mul3A_556 = arith.constant 6248 : i32
      %mul3A_557 = arith.muli %sub3A_555, %mul3A_556 : i32
      %add3A_558 = arith.constant 25024 : i32
      %add3A_559 = arith.addi %add3A_558, %mul3A_557 : i32
      %multiple_of3A = tpu.assume_multiple %add3A_559, 8 : i32
      %mul3A_560 = arith.constant 100000 : i32
      %mul3A_561 = arith.muli %arg0, %mul3A_560 : i32
      %add3A_562 = arith.addi %mul3A_561, %multiple_of3A : i32
      %multiple_of3A_563 = tpu.assume_multiple %add3A_562, 8 : i32
      "tpu.region"() ({
        %run_scoped3A = tpu.sem_alloc : memref<!tpu.dma_semaphore, #tpu.memory_space<semaphore_mem>>
        %dma_start3A_564 = arith.constant 0 : i32
        %dma_start3A_565 = tpu.memref_slice %arg7[%multiple_of3A_563, %dma_start3A_564] : memref<200000x16xf32, #tpu.memory_space<hbm>> -> memref<6248x16xf32, #tpu.memory_space<hbm>>
        %dma_start3A_566 = arith.constant 0 : i32
        %dma_start3A_567 = tpu.memref_slice %arg13[%multiple_of3A, %dma_start3A_566] : memref<100000x16xf32, #tpu.memory_space<vmem_shared>> -> memref<6248x16xf32, #tpu.memory_space<vmem_shared>>
        tpu.enqueue_dma source(%dma_start3A_567 : memref<6248x16xf32, #tpu.memory_space<vmem_shared>>) target(%dma_start3A_565 : memref<6248x16xf32, #tpu.memory_space<hbm>>) target_semaphore(%run_scoped3A : memref<!tpu.dma_semaphore, #tpu.memory_space<semaphore_mem>>)
        %dma_wait3A_568 = arith.constant 0 : i32
        %dma_wait3A_569 = tpu.memref_slice %arg7[%multiple_of3A_563, %dma_wait3A_568] : memref<200000x16xf32, #tpu.memory_space<hbm>> -> memref<6248x16xf32, #tpu.memory_space<hbm>>
        %dma_wait3A_570 = arith.constant 0 : i32
        %dma_wait3A_571 = tpu.memref_slice %arg13[%multiple_of3A, %dma_wait3A_570] : memref<100000x16xf32, #tpu.memory_space<vmem_shared>> -> memref<6248x16xf32, #tpu.memory_space<vmem_shared>>
        tpu.wait_dma2 semaphore(%run_scoped3A : memref<!tpu.dma_semaphore, #tpu.memory_space<semaphore_mem>>) src(%dma_wait3A_571 : memref<6248x16xf32, #tpu.memory_space<vmem_shared>>) dst(%dma_wait3A_569 : memref<6248x16xf32, #tpu.memory_space<hbm>>)
        tpu.yield
      }) : () -> ()
    } else {
    }
    %lt3A_272 = arith.constant 4 : i32
    %lt3A_273 = arith.cmpi slt, %arg1, %lt3A_272 : i32
    %convert_element_type3A_274 = arith.extui %lt3A_273 : i1 to i32
    %cond3A_275 = arith.constant 0 : i32
    %cond3A_276 = arith.cmpi ne, %convert_element_type3A_274, %cond3A_275 : i32
    scf.if %cond3A_276 {
      %mul3A_555 = arith.constant 6256 : i32
      %mul3A_556 = arith.muli %arg1, %mul3A_555 : i32
      %multiple_of3A = tpu.assume_multiple %mul3A_556, 8 : i32
      "tpu.region"() ({
        %run_scoped3A = tpu.sem_alloc : memref<!tpu.dma_semaphore, #tpu.memory_space<semaphore_mem>>
        %dma_start3A_557 = arith.constant 0 : i32
        %dma_start3A_558 = tpu.memref_slice %arg13[%multiple_of3A, %dma_start3A_557] : memref<100000x16xf32, #tpu.memory_space<vmem_shared>> -> memref<6256x16xf32, #tpu.memory_space<vmem_shared>>
        %dma_start3A_559 = arith.constant 0 : i32
        %dma_start3A_560 = arith.constant 0 : i32
        %dma_start3A_561 = tpu.memref_slice %arg6[%dma_start3A_559, %dma_start3A_560] : memref<6256x16xf32, #tpu.memory_space<hbm>> -> memref<6256x16xf32, #tpu.memory_space<hbm>>
        tpu.enqueue_dma source(%dma_start3A_561 : memref<6256x16xf32, #tpu.memory_space<hbm>>) target(%dma_start3A_558 : memref<6256x16xf32, #tpu.memory_space<vmem_shared>>) target_semaphore(%run_scoped3A : memref<!tpu.dma_semaphore, #tpu.memory_space<semaphore_mem>>)
        %dma_wait3A_562 = arith.constant 0 : i32
        %dma_wait3A_563 = tpu.memref_slice %arg13[%multiple_of3A, %dma_wait3A_562] : memref<100000x16xf32, #tpu.memory_space<vmem_shared>> -> memref<6256x16xf32, #tpu.memory_space<vmem_shared>>
        %dma_wait3A_564 = arith.constant 0 : i32
        %dma_wait3A_565 = arith.constant 0 : i32
        %dma_wait3A_566 = tpu.memref_slice %arg6[%dma_wait3A_564, %dma_wait3A_565] : memref<6256x16xf32, #tpu.memory_space<hbm>> -> memref<6256x16xf32, #tpu.memory_space<hbm>>
        tpu.wait_dma2 semaphore(%run_scoped3A : memref<!tpu.dma_semaphore, #tpu.memory_space<semaphore_mem>>) src(%dma_wait3A_566 : memref<6256x16xf32, #tpu.memory_space<hbm>>) dst(%dma_wait3A_563 : memref<6256x16xf32, #tpu.memory_space<vmem_shared>>)
        tpu.yield
      }) : () -> ()
    } else {
    }
    %ge3A_277 = arith.constant 4 : i32
    %ge3A_278 = arith.cmpi sge, %arg1, %ge3A_277 : i32
    %convert_element_type3A_279 = arith.extui %ge3A_278 : i1 to i32
    %cond3A_280 = arith.constant 0 : i32
    %cond3A_281 = arith.cmpi ne, %convert_element_type3A_279, %cond3A_280 : i32
    scf.if %cond3A_281 {
      %sub3A = arith.constant 4 : i32
      %sub3A_555 = arith.subi %arg1, %sub3A : i32
      %mul3A_556 = arith.constant 6248 : i32
      %mul3A_557 = arith.muli %sub3A_555, %mul3A_556 : i32
      %add3A_558 = arith.constant 25024 : i32
      %add3A_559 = arith.addi %add3A_558, %mul3A_557 : i32
      %multiple_of3A = tpu.assume_multiple %add3A_559, 8 : i32
      "tpu.region"() ({
        %run_scoped3A = tpu.sem_alloc : memref<!tpu.dma_semaphore, #tpu.memory_space<semaphore_mem>>
        %dma_start3A_560 = arith.constant 0 : i32
        %dma_start3A_561 = tpu.memref_slice %arg13[%multiple_of3A, %dma_start3A_560] : memref<100000x16xf32, #tpu.memory_space<vmem_shared>> -> memref<6248x16xf32, #tpu.memory_space<vmem_shared>>
        %dma_start3A_562 = arith.constant 0 : i32
        %dma_start3A_563 = arith.constant 0 : i32
        %dma_start3A_564 = tpu.memref_slice %arg6[%dma_start3A_562, %dma_start3A_563] : memref<6256x16xf32, #tpu.memory_space<hbm>> -> memref<6248x16xf32, #tpu.memory_space<hbm>>
        tpu.enqueue_dma source(%dma_start3A_564 : memref<6248x16xf32, #tpu.memory_space<hbm>>) target(%dma_start3A_561 : memref<6248x16xf32, #tpu.memory_space<vmem_shared>>) target_semaphore(%run_scoped3A : memref<!tpu.dma_semaphore, #tpu.memory_space<semaphore_mem>>)
        %dma_wait3A_565 = arith.constant 0 : i32
        %dma_wait3A_566 = tpu.memref_slice %arg13[%multiple_of3A, %dma_wait3A_565] : memref<100000x16xf32, #tpu.memory_space<vmem_shared>> -> memref<6248x16xf32, #tpu.memory_space<vmem_shared>>
        %dma_wait3A_567 = arith.constant 0 : i32
        %dma_wait3A_568 = arith.constant 0 : i32
        %dma_wait3A_569 = tpu.memref_slice %arg6[%dma_wait3A_567, %dma_wait3A_568] : memref<6256x16xf32, #tpu.memory_space<hbm>> -> memref<6248x16xf32, #tpu.memory_space<hbm>>
        tpu.wait_dma2 semaphore(%run_scoped3A : memref<!tpu.dma_semaphore, #tpu.memory_space<semaphore_mem>>) src(%dma_wait3A_569 : memref<6248x16xf32, #tpu.memory_space<hbm>>) dst(%dma_wait3A_566 : memref<6248x16xf32, #tpu.memory_space<vmem_shared>>)
        tpu.yield
      }) : () -> ()
    } else {
    }
    %barrier3A_282 = arith.constant 0 : index
    tpu.barrier barrier_id(%barrier3A_282)
    %rem3A_283 = arith.constant 0 : i32
    %rem3A_284 = arith.constant 6 : i32
    %rem3A_285 = arith.remsi %rem3A_283, %rem3A_284 : i32
    %mul3A_286 = arith.constant 102400 : i32
    %mul3A_287 = arith.muli %arg1, %mul3A_286 : i32
    %mul3A_288 = arith.constant 0 : i32
    %mul3A_289 = arith.constant 256 : i32
    %mul3A_290 = arith.muli %mul3A_288, %mul3A_289 : i32
    %add3A_291 = arith.addi %mul3A_287, %mul3A_290 : i32
    %mul3A_292 = arith.constant 1638400 : i32
    %mul3A_293 = arith.muli %arg0, %mul3A_292 : i32
    %add3A_294 = arith.addi %mul3A_293, %add3A_291 : i32
    %dma_start3A_295 = arith.constant 0 : i32
    %dma_start3A_296 = tpu.memref_slice %arg9[%rem3A_285, %dma_start3A_295] : memref<6x256xi32, #tpu.memory_space<vmem>> -> memref<1x256xi32, #tpu.memory_space<vmem>>
    %dma_start3A_297 = tpu.memref_squeeze %dma_start3A_296 : memref<1x256xi32, #tpu.memory_space<vmem>> -> memref<256xi32, #tpu.memory_space<vmem>>
    %dma_start3A_298 = tpu.memref_slice %arg3[%add3A_294] : memref<3276800xi32, #tpu.memory_space<hbm>> -> memref<256xi32, #tpu.memory_space<hbm>>
    %dma_start3A_299 = arith.constant 0 : i32
    %dma_start3A_300 = tpu.memref_slice %arg9[%rem3A_285, %dma_start3A_299] : memref<6x256xi32, #tpu.memory_space<vmem>> -> memref<1x256xi32, #tpu.memory_space<vmem>>
    %dma_start3A_301 = tpu.memref_squeeze %dma_start3A_300 : memref<1x256xi32, #tpu.memory_space<vmem>> -> memref<256xi32, #tpu.memory_space<vmem>>
    %dma_start3A_302 = tpu.memref_slice %arg3[%add3A_294] : memref<3276800xi32, #tpu.memory_space<hbm>> -> memref<256xi32, #tpu.memory_space<hbm>>
    tpu.enqueue_dma source(%dma_start3A_302 : memref<256xi32, #tpu.memory_space<hbm>>) target(%dma_start3A_301 : memref<256xi32, #tpu.memory_space<vmem>>) target_semaphore(%arg16 : memref<!tpu.dma_semaphore, #tpu.memory_space<semaphore_mem>>)
    %dma_start3A_303 = arith.constant 0 : i32
    %dma_start3A_304 = tpu.memref_slice %arg10[%rem3A_285, %dma_start3A_303] : memref<6x256xi32, #tpu.memory_space<vmem>> -> memref<1x256xi32, #tpu.memory_space<vmem>>
    %dma_start3A_305 = tpu.memref_squeeze %dma_start3A_304 : memref<1x256xi32, #tpu.memory_space<vmem>> -> memref<256xi32, #tpu.memory_space<vmem>>
    %dma_start3A_306 = tpu.memref_slice %arg4[%add3A_291] : memref<1638400xi32, #tpu.memory_space<hbm>> -> memref<256xi32, #tpu.memory_space<hbm>>
    %dma_start3A_307 = arith.constant 0 : i32
    %dma_start3A_308 = tpu.memref_slice %arg10[%rem3A_285, %dma_start3A_307] : memref<6x256xi32, #tpu.memory_space<vmem>> -> memref<1x256xi32, #tpu.memory_space<vmem>>
    %dma_start3A_309 = tpu.memref_squeeze %dma_start3A_308 : memref<1x256xi32, #tpu.memory_space<vmem>> -> memref<256xi32, #tpu.memory_space<vmem>>
    %dma_start3A_310 = tpu.memref_slice %arg4[%add3A_291] : memref<1638400xi32, #tpu.memory_space<hbm>> -> memref<256xi32, #tpu.memory_space<hbm>>
    tpu.enqueue_dma source(%dma_start3A_310 : memref<256xi32, #tpu.memory_space<hbm>>) target(%dma_start3A_309 : memref<256xi32, #tpu.memory_space<vmem>>) target_semaphore(%arg16 : memref<!tpu.dma_semaphore, #tpu.memory_space<semaphore_mem>>)
    %mul3A_311 = arith.constant 256 : i32
    %mul3A_312 = arith.muli %rem3A_285, %mul3A_311 : i32
    %dma_start3A_313 = tpu.memref_slice %arg11[%mul3A_312] : memref<1536xf32, #tpu.memory_space<vmem>> -> memref<256xf32, #tpu.memory_space<vmem>>
    %dma_start3A_314 = tpu.memref_slice %arg5[%add3A_291] : memref<1638400xf32, #tpu.memory_space<hbm>> -> memref<256xf32, #tpu.memory_space<hbm>>
    %dma_start3A_315 = tpu.memref_slice %arg11[%mul3A_312] : memref<1536xf32, #tpu.memory_space<vmem>> -> memref<256xf32, #tpu.memory_space<vmem>>
    %dma_start3A_316 = tpu.memref_slice %arg5[%add3A_291] : memref<1638400xf32, #tpu.memory_space<hbm>> -> memref<256xf32, #tpu.memory_space<hbm>>
    tpu.enqueue_dma source(%dma_start3A_316 : memref<256xf32, #tpu.memory_space<hbm>>) target(%dma_start3A_315 : memref<256xf32, #tpu.memory_space<vmem>>) target_semaphore(%arg16 : memref<!tpu.dma_semaphore, #tpu.memory_space<semaphore_mem>>)
    %rem3A_317 = arith.constant 1 : i32
    %rem3A_318 = arith.constant 6 : i32
    %rem3A_319 = arith.remsi %rem3A_317, %rem3A_318 : i32
    %mul3A_320 = arith.constant 102400 : i32
    %mul3A_321 = arith.muli %arg1, %mul3A_320 : i32
    %mul3A_322 = arith.constant 1 : i32
    %mul3A_323 = arith.constant 256 : i32
    %mul3A_324 = arith.muli %mul3A_322, %mul3A_323 : i32
    %add3A_325 = arith.addi %mul3A_321, %mul3A_324 : i32
    %mul3A_326 = arith.constant 1638400 : i32
    %mul3A_327 = arith.muli %arg0, %mul3A_326 : i32
    %add3A_328 = arith.addi %mul3A_327, %add3A_325 : i32
    %dma_start3A_329 = arith.constant 0 : i32
    %dma_start3A_330 = tpu.memref_slice %arg9[%rem3A_319, %dma_start3A_329] : memref<6x256xi32, #tpu.memory_space<vmem>> -> memref<1x256xi32, #tpu.memory_space<vmem>>
    %dma_start3A_331 = tpu.memref_squeeze %dma_start3A_330 : memref<1x256xi32, #tpu.memory_space<vmem>> -> memref<256xi32, #tpu.memory_space<vmem>>
    %dma_start3A_332 = tpu.memref_slice %arg3[%add3A_328] : memref<3276800xi32, #tpu.memory_space<hbm>> -> memref<256xi32, #tpu.memory_space<hbm>>
    %dma_start3A_333 = arith.constant 0 : i32
    %dma_start3A_334 = tpu.memref_slice %arg9[%rem3A_319, %dma_start3A_333] : memref<6x256xi32, #tpu.memory_space<vmem>> -> memref<1x256xi32, #tpu.memory_space<vmem>>
    %dma_start3A_335 = tpu.memref_squeeze %dma_start3A_334 : memref<1x256xi32, #tpu.memory_space<vmem>> -> memref<256xi32, #tpu.memory_space<vmem>>
    %dma_start3A_336 = tpu.memref_slice %arg3[%add3A_328] : memref<3276800xi32, #tpu.memory_space<hbm>> -> memref<256xi32, #tpu.memory_space<hbm>>
    tpu.enqueue_dma source(%dma_start3A_336 : memref<256xi32, #tpu.memory_space<hbm>>) target(%dma_start3A_335 : memref<256xi32, #tpu.memory_space<vmem>>) target_semaphore(%arg16 : memref<!tpu.dma_semaphore, #tpu.memory_space<semaphore_mem>>)
    %dma_start3A_337 = arith.constant 0 : i32
    %dma_start3A_338 = tpu.memref_slice %arg10[%rem3A_319, %dma_start3A_337] : memref<6x256xi32, #tpu.memory_space<vmem>> -> memref<1x256xi32, #tpu.memory_space<vmem>>
    %dma_start3A_339 = tpu.memref_squeeze %dma_start3A_338 : memref<1x256xi32, #tpu.memory_space<vmem>> -> memref<256xi32, #tpu.memory_space<vmem>>
    %dma_start3A_340 = tpu.memref_slice %arg4[%add3A_325] : memref<1638400xi32, #tpu.memory_space<hbm>> -> memref<256xi32, #tpu.memory_space<hbm>>
    %dma_start3A_341 = arith.constant 0 : i32
    %dma_start3A_342 = tpu.memref_slice %arg10[%rem3A_319, %dma_start3A_341] : memref<6x256xi32, #tpu.memory_space<vmem>> -> memref<1x256xi32, #tpu.memory_space<vmem>>
    %dma_start3A_343 = tpu.memref_squeeze %dma_start3A_342 : memref<1x256xi32, #tpu.memory_space<vmem>> -> memref<256xi32, #tpu.memory_space<vmem>>
    %dma_start3A_344 = tpu.memref_slice %arg4[%add3A_325] : memref<1638400xi32, #tpu.memory_space<hbm>> -> memref<256xi32, #tpu.memory_space<hbm>>
    tpu.enqueue_dma source(%dma_start3A_344 : memref<256xi32, #tpu.memory_space<hbm>>) target(%dma_start3A_343 : memref<256xi32, #tpu.memory_space<vmem>>) target_semaphore(%arg16 : memref<!tpu.dma_semaphore, #tpu.memory_space<semaphore_mem>>)
    %mul3A_345 = arith.constant 256 : i32
    %mul3A_346 = arith.muli %rem3A_319, %mul3A_345 : i32
    %dma_start3A_347 = tpu.memref_slice %arg11[%mul3A_346] : memref<1536xf32, #tpu.memory_space<vmem>> -> memref<256xf32, #tpu.memory_space<vmem>>
    %dma_start3A_348 = tpu.memref_slice %arg5[%add3A_325] : memref<1638400xf32, #tpu.memory_space<hbm>> -> memref<256xf32, #tpu.memory_space<hbm>>
    %dma_start3A_349 = tpu.memref_slice %arg11[%mul3A_346] : memref<1536xf32, #tpu.memory_space<vmem>> -> memref<256xf32, #tpu.memory_space<vmem>>
    %dma_start3A_350 = tpu.memref_slice %arg5[%add3A_325] : memref<1638400xf32, #tpu.memory_space<hbm>> -> memref<256xf32, #tpu.memory_space<hbm>>
    tpu.enqueue_dma source(%dma_start3A_350 : memref<256xf32, #tpu.memory_space<hbm>>) target(%dma_start3A_349 : memref<256xf32, #tpu.memory_space<vmem>>) target_semaphore(%arg16 : memref<!tpu.dma_semaphore, #tpu.memory_space<semaphore_mem>>)
    %rem3A_351 = arith.constant 2 : i32
    %rem3A_352 = arith.constant 6 : i32
    %rem3A_353 = arith.remsi %rem3A_351, %rem3A_352 : i32
    %mul3A_354 = arith.constant 102400 : i32
    %mul3A_355 = arith.muli %arg1, %mul3A_354 : i32
    %mul3A_356 = arith.constant 2 : i32
    %mul3A_357 = arith.constant 256 : i32
    %mul3A_358 = arith.muli %mul3A_356, %mul3A_357 : i32
    %add3A_359 = arith.addi %mul3A_355, %mul3A_358 : i32
    %mul3A_360 = arith.constant 1638400 : i32
    %mul3A_361 = arith.muli %arg0, %mul3A_360 : i32
    %add3A_362 = arith.addi %mul3A_361, %add3A_359 : i32
    %dma_start3A_363 = arith.constant 0 : i32
    %dma_start3A_364 = tpu.memref_slice %arg9[%rem3A_353, %dma_start3A_363] : memref<6x256xi32, #tpu.memory_space<vmem>> -> memref<1x256xi32, #tpu.memory_space<vmem>>
    %dma_start3A_365 = tpu.memref_squeeze %dma_start3A_364 : memref<1x256xi32, #tpu.memory_space<vmem>> -> memref<256xi32, #tpu.memory_space<vmem>>
    %dma_start3A_366 = tpu.memref_slice %arg3[%add3A_362] : memref<3276800xi32, #tpu.memory_space<hbm>> -> memref<256xi32, #tpu.memory_space<hbm>>
    %dma_start3A_367 = arith.constant 0 : i32
    %dma_start3A_368 = tpu.memref_slice %arg9[%rem3A_353, %dma_start3A_367] : memref<6x256xi32, #tpu.memory_space<vmem>> -> memref<1x256xi32, #tpu.memory_space<vmem>>
    %dma_start3A_369 = tpu.memref_squeeze %dma_start3A_368 : memref<1x256xi32, #tpu.memory_space<vmem>> -> memref<256xi32, #tpu.memory_space<vmem>>
    %dma_start3A_370 = tpu.memref_slice %arg3[%add3A_362] : memref<3276800xi32, #tpu.memory_space<hbm>> -> memref<256xi32, #tpu.memory_space<hbm>>
    tpu.enqueue_dma source(%dma_start3A_370 : memref<256xi32, #tpu.memory_space<hbm>>) target(%dma_start3A_369 : memref<256xi32, #tpu.memory_space<vmem>>) target_semaphore(%arg16 : memref<!tpu.dma_semaphore, #tpu.memory_space<semaphore_mem>>)
    %dma_start3A_371 = arith.constant 0 : i32
    %dma_start3A_372 = tpu.memref_slice %arg10[%rem3A_353, %dma_start3A_371] : memref<6x256xi32, #tpu.memory_space<vmem>> -> memref<1x256xi32, #tpu.memory_space<vmem>>
    %dma_start3A_373 = tpu.memref_squeeze %dma_start3A_372 : memref<1x256xi32, #tpu.memory_space<vmem>> -> memref<256xi32, #tpu.memory_space<vmem>>
    %dma_start3A_374 = tpu.memref_slice %arg4[%add3A_359] : memref<1638400xi32, #tpu.memory_space<hbm>> -> memref<256xi32, #tpu.memory_space<hbm>>
    %dma_start3A_375 = arith.constant 0 : i32
    %dma_start3A_376 = tpu.memref_slice %arg10[%rem3A_353, %dma_start3A_375] : memref<6x256xi32, #tpu.memory_space<vmem>> -> memref<1x256xi32, #tpu.memory_space<vmem>>
    %dma_start3A_377 = tpu.memref_squeeze %dma_start3A_376 : memref<1x256xi32, #tpu.memory_space<vmem>> -> memref<256xi32, #tpu.memory_space<vmem>>
    %dma_start3A_378 = tpu.memref_slice %arg4[%add3A_359] : memref<1638400xi32, #tpu.memory_space<hbm>> -> memref<256xi32, #tpu.memory_space<hbm>>
    tpu.enqueue_dma source(%dma_start3A_378 : memref<256xi32, #tpu.memory_space<hbm>>) target(%dma_start3A_377 : memref<256xi32, #tpu.memory_space<vmem>>) target_semaphore(%arg16 : memref<!tpu.dma_semaphore, #tpu.memory_space<semaphore_mem>>)
    %mul3A_379 = arith.constant 256 : i32
    %mul3A_380 = arith.muli %rem3A_353, %mul3A_379 : i32
    %dma_start3A_381 = tpu.memref_slice %arg11[%mul3A_380] : memref<1536xf32, #tpu.memory_space<vmem>> -> memref<256xf32, #tpu.memory_space<vmem>>
    %dma_start3A_382 = tpu.memref_slice %arg5[%add3A_359] : memref<1638400xf32, #tpu.memory_space<hbm>> -> memref<256xf32, #tpu.memory_space<hbm>>
    %dma_start3A_383 = tpu.memref_slice %arg11[%mul3A_380] : memref<1536xf32, #tpu.memory_space<vmem>> -> memref<256xf32, #tpu.memory_space<vmem>>
    %dma_start3A_384 = tpu.memref_slice %arg5[%add3A_359] : memref<1638400xf32, #tpu.memory_space<hbm>> -> memref<256xf32, #tpu.memory_space<hbm>>
    tpu.enqueue_dma source(%dma_start3A_384 : memref<256xf32, #tpu.memory_space<hbm>>) target(%dma_start3A_383 : memref<256xf32, #tpu.memory_space<vmem>>) target_semaphore(%arg16 : memref<!tpu.dma_semaphore, #tpu.memory_space<semaphore_mem>>)
    %rem3A_385 = arith.constant 3 : i32
    %rem3A_386 = arith.constant 6 : i32
    %rem3A_387 = arith.remsi %rem3A_385, %rem3A_386 : i32
    %mul3A_388 = arith.constant 102400 : i32
    %mul3A_389 = arith.muli %arg1, %mul3A_388 : i32
    %mul3A_390 = arith.constant 3 : i32
    %mul3A_391 = arith.constant 256 : i32
    %mul3A_392 = arith.muli %mul3A_390, %mul3A_391 : i32
    %add3A_393 = arith.addi %mul3A_389, %mul3A_392 : i32
    %mul3A_394 = arith.constant 1638400 : i32
    %mul3A_395 = arith.muli %arg0, %mul3A_394 : i32
    %add3A_396 = arith.addi %mul3A_395, %add3A_393 : i32
    %dma_start3A_397 = arith.constant 0 : i32
    %dma_start3A_398 = tpu.memref_slice %arg9[%rem3A_387, %dma_start3A_397] : memref<6x256xi32, #tpu.memory_space<vmem>> -> memref<1x256xi32, #tpu.memory_space<vmem>>
    %dma_start3A_399 = tpu.memref_squeeze %dma_start3A_398 : memref<1x256xi32, #tpu.memory_space<vmem>> -> memref<256xi32, #tpu.memory_space<vmem>>
    %dma_start3A_400 = tpu.memref_slice %arg3[%add3A_396] : memref<3276800xi32, #tpu.memory_space<hbm>> -> memref<256xi32, #tpu.memory_space<hbm>>
    %dma_start3A_401 = arith.constant 0 : i32
    %dma_start3A_402 = tpu.memref_slice %arg9[%rem3A_387, %dma_start3A_401] : memref<6x256xi32, #tpu.memory_space<vmem>> -> memref<1x256xi32, #tpu.memory_space<vmem>>
    %dma_start3A_403 = tpu.memref_squeeze %dma_start3A_402 : memref<1x256xi32, #tpu.memory_space<vmem>> -> memref<256xi32, #tpu.memory_space<vmem>>
    %dma_start3A_404 = tpu.memref_slice %arg3[%add3A_396] : memref<3276800xi32, #tpu.memory_space<hbm>> -> memref<256xi32, #tpu.memory_space<hbm>>
    tpu.enqueue_dma source(%dma_start3A_404 : memref<256xi32, #tpu.memory_space<hbm>>) target(%dma_start3A_403 : memref<256xi32, #tpu.memory_space<vmem>>) target_semaphore(%arg16 : memref<!tpu.dma_semaphore, #tpu.memory_space<semaphore_mem>>)
    %dma_start3A_405 = arith.constant 0 : i32
    %dma_start3A_406 = tpu.memref_slice %arg10[%rem3A_387, %dma_start3A_405] : memref<6x256xi32, #tpu.memory_space<vmem>> -> memref<1x256xi32, #tpu.memory_space<vmem>>
    %dma_start3A_407 = tpu.memref_squeeze %dma_start3A_406 : memref<1x256xi32, #tpu.memory_space<vmem>> -> memref<256xi32, #tpu.memory_space<vmem>>
    %dma_start3A_408 = tpu.memref_slice %arg4[%add3A_393] : memref<1638400xi32, #tpu.memory_space<hbm>> -> memref<256xi32, #tpu.memory_space<hbm>>
    %dma_start3A_409 = arith.constant 0 : i32
    %dma_start3A_410 = tpu.memref_slice %arg10[%rem3A_387, %dma_start3A_409] : memref<6x256xi32, #tpu.memory_space<vmem>> -> memref<1x256xi32, #tpu.memory_space<vmem>>
    %dma_start3A_411 = tpu.memref_squeeze %dma_start3A_410 : memref<1x256xi32, #tpu.memory_space<vmem>> -> memref<256xi32, #tpu.memory_space<vmem>>
    %dma_start3A_412 = tpu.memref_slice %arg4[%add3A_393] : memref<1638400xi32, #tpu.memory_space<hbm>> -> memref<256xi32, #tpu.memory_space<hbm>>
    tpu.enqueue_dma source(%dma_start3A_412 : memref<256xi32, #tpu.memory_space<hbm>>) target(%dma_start3A_411 : memref<256xi32, #tpu.memory_space<vmem>>) target_semaphore(%arg16 : memref<!tpu.dma_semaphore, #tpu.memory_space<semaphore_mem>>)
    %mul3A_413 = arith.constant 256 : i32
    %mul3A_414 = arith.muli %rem3A_387, %mul3A_413 : i32
    %dma_start3A_415 = tpu.memref_slice %arg11[%mul3A_414] : memref<1536xf32, #tpu.memory_space<vmem>> -> memref<256xf32, #tpu.memory_space<vmem>>
    %dma_start3A_416 = tpu.memref_slice %arg5[%add3A_393] : memref<1638400xf32, #tpu.memory_space<hbm>> -> memref<256xf32, #tpu.memory_space<hbm>>
    %dma_start3A_417 = tpu.memref_slice %arg11[%mul3A_414] : memref<1536xf32, #tpu.memory_space<vmem>> -> memref<256xf32, #tpu.memory_space<vmem>>
    %dma_start3A_418 = tpu.memref_slice %arg5[%add3A_393] : memref<1638400xf32, #tpu.memory_space<hbm>> -> memref<256xf32, #tpu.memory_space<hbm>>
    tpu.enqueue_dma source(%dma_start3A_418 : memref<256xf32, #tpu.memory_space<hbm>>) target(%dma_start3A_417 : memref<256xf32, #tpu.memory_space<vmem>>) target_semaphore(%arg16 : memref<!tpu.dma_semaphore, #tpu.memory_space<semaphore_mem>>)
    %rem3A_419 = arith.constant 4 : i32
    %rem3A_420 = arith.constant 6 : i32
    %rem3A_421 = arith.remsi %rem3A_419, %rem3A_420 : i32
    %mul3A_422 = arith.constant 102400 : i32
    %mul3A_423 = arith.muli %arg1, %mul3A_422 : i32
    %mul3A_424 = arith.constant 4 : i32
    %mul3A_425 = arith.constant 256 : i32
    %mul3A_426 = arith.muli %mul3A_424, %mul3A_425 : i32
    %add3A_427 = arith.addi %mul3A_423, %mul3A_426 : i32
    %mul3A_428 = arith.constant 1638400 : i32
    %mul3A_429 = arith.muli %arg0, %mul3A_428 : i32
    %add3A_430 = arith.addi %mul3A_429, %add3A_427 : i32
    %dma_start3A_431 = arith.constant 0 : i32
    %dma_start3A_432 = tpu.memref_slice %arg9[%rem3A_421, %dma_start3A_431] : memref<6x256xi32, #tpu.memory_space<vmem>> -> memref<1x256xi32, #tpu.memory_space<vmem>>
    %dma_start3A_433 = tpu.memref_squeeze %dma_start3A_432 : memref<1x256xi32, #tpu.memory_space<vmem>> -> memref<256xi32, #tpu.memory_space<vmem>>
    %dma_start3A_434 = tpu.memref_slice %arg3[%add3A_430] : memref<3276800xi32, #tpu.memory_space<hbm>> -> memref<256xi32, #tpu.memory_space<hbm>>
    %dma_start3A_435 = arith.constant 0 : i32
    %dma_start3A_436 = tpu.memref_slice %arg9[%rem3A_421, %dma_start3A_435] : memref<6x256xi32, #tpu.memory_space<vmem>> -> memref<1x256xi32, #tpu.memory_space<vmem>>
    %dma_start3A_437 = tpu.memref_squeeze %dma_start3A_436 : memref<1x256xi32, #tpu.memory_space<vmem>> -> memref<256xi32, #tpu.memory_space<vmem>>
    %dma_start3A_438 = tpu.memref_slice %arg3[%add3A_430] : memref<3276800xi32, #tpu.memory_space<hbm>> -> memref<256xi32, #tpu.memory_space<hbm>>
    tpu.enqueue_dma source(%dma_start3A_438 : memref<256xi32, #tpu.memory_space<hbm>>) target(%dma_start3A_437 : memref<256xi32, #tpu.memory_space<vmem>>) target_semaphore(%arg16 : memref<!tpu.dma_semaphore, #tpu.memory_space<semaphore_mem>>)
    %dma_start3A_439 = arith.constant 0 : i32
    %dma_start3A_440 = tpu.memref_slice %arg10[%rem3A_421, %dma_start3A_439] : memref<6x256xi32, #tpu.memory_space<vmem>> -> memref<1x256xi32, #tpu.memory_space<vmem>>
    %dma_start3A_441 = tpu.memref_squeeze %dma_start3A_440 : memref<1x256xi32, #tpu.memory_space<vmem>> -> memref<256xi32, #tpu.memory_space<vmem>>
    %dma_start3A_442 = tpu.memref_slice %arg4[%add3A_427] : memref<1638400xi32, #tpu.memory_space<hbm>> -> memref<256xi32, #tpu.memory_space<hbm>>
    %dma_start3A_443 = arith.constant 0 : i32
    %dma_start3A_444 = tpu.memref_slice %arg10[%rem3A_421, %dma_start3A_443] : memref<6x256xi32, #tpu.memory_space<vmem>> -> memref<1x256xi32, #tpu.memory_space<vmem>>
    %dma_start3A_445 = tpu.memref_squeeze %dma_start3A_444 : memref<1x256xi32, #tpu.memory_space<vmem>> -> memref<256xi32, #tpu.memory_space<vmem>>
    %dma_start3A_446 = tpu.memref_slice %arg4[%add3A_427] : memref<1638400xi32, #tpu.memory_space<hbm>> -> memref<256xi32, #tpu.memory_space<hbm>>
    tpu.enqueue_dma source(%dma_start3A_446 : memref<256xi32, #tpu.memory_space<hbm>>) target(%dma_start3A_445 : memref<256xi32, #tpu.memory_space<vmem>>) target_semaphore(%arg16 : memref<!tpu.dma_semaphore, #tpu.memory_space<semaphore_mem>>)
    %mul3A_447 = arith.constant 256 : i32
    %mul3A_448 = arith.muli %rem3A_421, %mul3A_447 : i32
    %dma_start3A_449 = tpu.memref_slice %arg11[%mul3A_448] : memref<1536xf32, #tpu.memory_space<vmem>> -> memref<256xf32, #tpu.memory_space<vmem>>
    %dma_start3A_450 = tpu.memref_slice %arg5[%add3A_427] : memref<1638400xf32, #tpu.memory_space<hbm>> -> memref<256xf32, #tpu.memory_space<hbm>>
    %dma_start3A_451 = tpu.memref_slice %arg11[%mul3A_448] : memref<1536xf32, #tpu.memory_space<vmem>> -> memref<256xf32, #tpu.memory_space<vmem>>
    %dma_start3A_452 = tpu.memref_slice %arg5[%add3A_427] : memref<1638400xf32, #tpu.memory_space<hbm>> -> memref<256xf32, #tpu.memory_space<hbm>>
    tpu.enqueue_dma source(%dma_start3A_452 : memref<256xf32, #tpu.memory_space<hbm>>) target(%dma_start3A_451 : memref<256xf32, #tpu.memory_space<vmem>>) target_semaphore(%arg16 : memref<!tpu.dma_semaphore, #tpu.memory_space<semaphore_mem>>)
    %dma_wait3A_453 = arith.constant 0 : i32
    %dma_wait3A_454 = tpu.memref_slice %arg11[%dma_wait3A_453] : memref<1536xf32, #tpu.memory_space<vmem>> -> memref<768xf32, #tpu.memory_space<vmem>>
    %dma_wait3A_455 = arith.constant 0 : i32
    %dma_wait3A_456 = tpu.memref_slice %arg5[%dma_wait3A_455] : memref<1638400xf32, #tpu.memory_space<hbm>> -> memref<768xf32, #tpu.memory_space<hbm>>
    %dma_wait3A_457 = arith.constant 0 : i32
    %dma_wait3A_458 = tpu.memref_slice %arg11[%dma_wait3A_457] : memref<1536xf32, #tpu.memory_space<vmem>> -> memref<768xf32, #tpu.memory_space<vmem>>
    %dma_wait3A_459 = arith.constant 0 : i32
    %dma_wait3A_460 = tpu.memref_slice %arg5[%dma_wait3A_459] : memref<1638400xf32, #tpu.memory_space<hbm>> -> memref<768xf32, #tpu.memory_space<hbm>>
    tpu.wait_dma2 semaphore(%arg16 : memref<!tpu.dma_semaphore, #tpu.memory_space<semaphore_mem>>) src(%dma_wait3A_460 : memref<768xf32, #tpu.memory_space<hbm>>) dst(%dma_wait3A_458 : memref<768xf32, #tpu.memory_space<vmem>>)
    %rem3A_461 = arith.constant 0 : i32
    %rem3A_462 = arith.constant 6 : i32
    %rem3A_463 = arith.remsi %rem3A_461, %rem3A_462 : i32
    %rem3A_464 = arith.constant 0 : i32
    %rem3A_465 = arith.constant 4 : i32
    %rem3A_466 = arith.remsi %rem3A_464, %rem3A_465 : i32
    %mul3A_467 = arith.constant 256 : i32
    %mul3A_468 = arith.muli %rem3A_466, %mul3A_467 : i32
    %dma_start3A_469 = arith.constant 0 : i32
    %dma_start3A_470 = tpu.memref_slice %arg12[%mul3A_468, %dma_start3A_469] : memref<1024x16xf32, #tpu.memory_space<vmem>> -> memref<256x16xf32, #tpu.memory_space<vmem>>
    %dma_start3A_471 = arith.constant 0 : i32
    %dma_start3A_472 = tpu.memref_slice %arg9[%rem3A_463, %dma_start3A_471] : memref<6x256xi32, #tpu.memory_space<vmem>> -> memref<1x256xi32, #tpu.memory_space<vmem>>
    %dma_start3A_473 = tpu.memref_squeeze %dma_start3A_472 : memref<1x256xi32, #tpu.memory_space<vmem>> -> memref<256xi32, #tpu.memory_space<vmem>>
    %dma_start3A_474 = arith.constant 0 : i32
    %dma_start3A_475 = arith.constant 0 : i32
    %dma_start3A_476 = tpu.memref_slice %arg7[%dma_start3A_474, %dma_start3A_475] : memref<200000x16xf32, #tpu.memory_space<hbm>> -> memref<200000x16xf32, #tpu.memory_space<hbm>>
    tpu.enqueue_indirect_dma source(%dma_start3A_476 : memref<200000x16xf32, #tpu.memory_space<hbm>>) target(%dma_start3A_470 : memref<256x16xf32, #tpu.memory_space<vmem>>) offsets(%dma_start3A_473 : memref<256xi32, #tpu.memory_space<vmem>>) semaphore(%arg14 : memref<!tpu.dma_semaphore, #tpu.memory_space<semaphore_mem>>)
    %dma_wait3A_477 = arith.constant 0 : i32
    %dma_wait3A_478 = tpu.memref_slice %arg11[%dma_wait3A_477] : memref<1536xf32, #tpu.memory_space<vmem>> -> memref<768xf32, #tpu.memory_space<vmem>>
    %dma_wait3A_479 = arith.constant 0 : i32
    %dma_wait3A_480 = tpu.memref_slice %arg5[%dma_wait3A_479] : memref<1638400xf32, #tpu.memory_space<hbm>> -> memref<768xf32, #tpu.memory_space<hbm>>
    %dma_wait3A_481 = arith.constant 0 : i32
    %dma_wait3A_482 = tpu.memref_slice %arg11[%dma_wait3A_481] : memref<1536xf32, #tpu.memory_space<vmem>> -> memref<768xf32, #tpu.memory_space<vmem>>
    %dma_wait3A_483 = arith.constant 0 : i32
    %dma_wait3A_484 = tpu.memref_slice %arg5[%dma_wait3A_483] : memref<1638400xf32, #tpu.memory_space<hbm>> -> memref<768xf32, #tpu.memory_space<hbm>>
    tpu.wait_dma2 semaphore(%arg16 : memref<!tpu.dma_semaphore, #tpu.memory_space<semaphore_mem>>) src(%dma_wait3A_484 : memref<768xf32, #tpu.memory_space<hbm>>) dst(%dma_wait3A_482 : memref<768xf32, #tpu.memory_space<vmem>>)
    %rem3A_485 = arith.constant 1 : i32
    %rem3A_486 = arith.constant 6 : i32
    %rem3A_487 = arith.remsi %rem3A_485, %rem3A_486 : i32
    %rem3A_488 = arith.constant 1 : i32
    %rem3A_489 = arith.constant 4 : i32
    %rem3A_490 = arith.remsi %rem3A_488, %rem3A_489 : i32
    %mul3A_491 = arith.constant 256 : i32
    %mul3A_492 = arith.muli %rem3A_490, %mul3A_491 : i32
    %dma_start3A_493 = arith.constant 0 : i32
    %dma_start3A_494 = tpu.memref_slice %arg12[%mul3A_492, %dma_start3A_493] : memref<1024x16xf32, #tpu.memory_space<vmem>> -> memref<256x16xf32, #tpu.memory_space<vmem>>
    %dma_start3A_495 = arith.constant 0 : i32
    %dma_start3A_496 = tpu.memref_slice %arg9[%rem3A_487, %dma_start3A_495] : memref<6x256xi32, #tpu.memory_space<vmem>> -> memref<1x256xi32, #tpu.memory_space<vmem>>
    %dma_start3A_497 = tpu.memref_squeeze %dma_start3A_496 : memref<1x256xi32, #tpu.memory_space<vmem>> -> memref<256xi32, #tpu.memory_space<vmem>>
    %dma_start3A_498 = arith.constant 0 : i32
    %dma_start3A_499 = arith.constant 0 : i32
    %dma_start3A_500 = tpu.memref_slice %arg7[%dma_start3A_498, %dma_start3A_499] : memref<200000x16xf32, #tpu.memory_space<hbm>> -> memref<200000x16xf32, #tpu.memory_space<hbm>>
    tpu.enqueue_indirect_dma source(%dma_start3A_500 : memref<200000x16xf32, #tpu.memory_space<hbm>>) target(%dma_start3A_494 : memref<256x16xf32, #tpu.memory_space<vmem>>) offsets(%dma_start3A_497 : memref<256xi32, #tpu.memory_space<vmem>>) semaphore(%arg14 : memref<!tpu.dma_semaphore, #tpu.memory_space<semaphore_mem>>)
    %dma_wait3A_501 = arith.constant 0 : i32
    %dma_wait3A_502 = tpu.memref_slice %arg11[%dma_wait3A_501] : memref<1536xf32, #tpu.memory_space<vmem>> -> memref<768xf32, #tpu.memory_space<vmem>>
    %dma_wait3A_503 = arith.constant 0 : i32
    %dma_wait3A_504 = tpu.memref_slice %arg5[%dma_wait3A_503] : memref<1638400xf32, #tpu.memory_space<hbm>> -> memref<768xf32, #tpu.memory_space<hbm>>
    %dma_wait3A_505 = arith.constant 0 : i32
    %dma_wait3A_506 = tpu.memref_slice %arg11[%dma_wait3A_505] : memref<1536xf32, #tpu.memory_space<vmem>> -> memref<768xf32, #tpu.memory_space<vmem>>
    %dma_wait3A_507 = arith.constant 0 : i32
    %dma_wait3A_508 = tpu.memref_slice %arg5[%dma_wait3A_507] : memref<1638400xf32, #tpu.memory_space<hbm>> -> memref<768xf32, #tpu.memory_space<hbm>>
    tpu.wait_dma2 semaphore(%arg16 : memref<!tpu.dma_semaphore, #tpu.memory_space<semaphore_mem>>) src(%dma_wait3A_508 : memref<768xf32, #tpu.memory_space<hbm>>) dst(%dma_wait3A_506 : memref<768xf32, #tpu.memory_space<vmem>>)
    %rem3A_509 = arith.constant 2 : i32
    %rem3A_510 = arith.constant 6 : i32
    %rem3A_511 = arith.remsi %rem3A_509, %rem3A_510 : i32
    %rem3A_512 = arith.constant 2 : i32
    %rem3A_513 = arith.constant 4 : i32
    %rem3A_514 = arith.remsi %rem3A_512, %rem3A_513 : i32
    %mul3A_515 = arith.constant 256 : i32
    %mul3A_516 = arith.muli %rem3A_514, %mul3A_515 : i32
    %dma_start3A_517 = arith.constant 0 : i32
    %dma_start3A_518 = tpu.memref_slice %arg12[%mul3A_516, %dma_start3A_517] : memref<1024x16xf32, #tpu.memory_space<vmem>> -> memref<256x16xf32, #tpu.memory_space<vmem>>
    %dma_start3A_519 = arith.constant 0 : i32
    %dma_start3A_520 = tpu.memref_slice %arg9[%rem3A_511, %dma_start3A_519] : memref<6x256xi32, #tpu.memory_space<vmem>> -> memref<1x256xi32, #tpu.memory_space<vmem>>
    %dma_start3A_521 = tpu.memref_squeeze %dma_start3A_520 : memref<1x256xi32, #tpu.memory_space<vmem>> -> memref<256xi32, #tpu.memory_space<vmem>>
    %dma_start3A_522 = arith.constant 0 : i32
    %dma_start3A_523 = arith.constant 0 : i32
    %dma_start3A_524 = tpu.memref_slice %arg7[%dma_start3A_522, %dma_start3A_523] : memref<200000x16xf32, #tpu.memory_space<hbm>> -> memref<200000x16xf32, #tpu.memory_space<hbm>>
    tpu.enqueue_indirect_dma source(%dma_start3A_524 : memref<200000x16xf32, #tpu.memory_space<hbm>>) target(%dma_start3A_518 : memref<256x16xf32, #tpu.memory_space<vmem>>) offsets(%dma_start3A_521 : memref<256xi32, #tpu.memory_space<vmem>>) semaphore(%arg14 : memref<!tpu.dma_semaphore, #tpu.memory_space<semaphore_mem>>)
    %scan3A_525 = arith.constant 0 : i32
    %scan3A_526 = arith.constant 0 : i32
    %scan3A_527 = arith.constant 400 : i32
    %scan3A_528 = arith.addi %scan3A_526, %scan3A_527 : i32
    %scan3A_529 = arith.constant 1 : i32
    %scan3A_530 = scf.for %scan3A_555 = %scan3A_526 to %scan3A_528 step %scan3A_529 iter_args(%scan3A_556 = %scan3A_525) -> (i32)  : i32 {
      %rem3A_557 = arith.constant 6 : i32
      %rem3A_558 = arith.remsi %scan3A_555, %rem3A_557 : i32
      %rem3A_559 = arith.constant 4 : i32
      %rem3A_560 = arith.remsi %scan3A_555, %rem3A_559 : i32
      %dma_wait3A_561 = arith.constant 0 : i32
      %dma_wait3A_562 = arith.constant 0 : i32
      %dma_wait3A_563 = tpu.memref_slice %arg12[%dma_wait3A_561, %dma_wait3A_562] : memref<1024x16xf32, #tpu.memory_space<vmem>> -> memref<256x16xf32, #tpu.memory_space<vmem>>
      %dma_wait3A_564 = arith.constant 0 : i32
      %dma_wait3A_565 = arith.constant 0 : i32
      %dma_wait3A_566 = tpu.memref_slice %arg2[%dma_wait3A_564, %dma_wait3A_565] : memref<200000x16xf32, #tpu.memory_space<hbm>> -> memref<256x16xf32, #tpu.memory_space<hbm>>
      %dma_wait3A_567 = arith.constant 0 : i32
      %dma_wait3A_568 = arith.constant 0 : i32
      %dma_wait3A_569 = tpu.memref_slice %arg12[%dma_wait3A_567, %dma_wait3A_568] : memref<1024x16xf32, #tpu.memory_space<vmem>> -> memref<256x16xf32, #tpu.memory_space<vmem>>
      %dma_wait3A_570 = arith.constant 0 : i32
      %dma_wait3A_571 = arith.constant 0 : i32
      %dma_wait3A_572 = tpu.memref_slice %arg2[%dma_wait3A_570, %dma_wait3A_571] : memref<200000x16xf32, #tpu.memory_space<hbm>> -> memref<256x16xf32, #tpu.memory_space<hbm>>
      tpu.wait_dma2 semaphore(%arg14 : memref<!tpu.dma_semaphore, #tpu.memory_space<semaphore_mem>>) src(%dma_wait3A_572 : memref<256x16xf32, #tpu.memory_space<hbm>>) dst(%dma_wait3A_569 : memref<256x16xf32, #tpu.memory_space<vmem>>)
      %scan3A_573 = arith.constant 0 : i32
      %scan3A_574 = arith.constant 0 : i32
      %scan3A_575 = arith.constant 16 : i32
      %scan3A_576 = arith.addi %scan3A_574, %scan3A_575 : i32
      %scan3A_577 = arith.constant 1 : i32
      %scan3A_578 = scf.for %scan3A_609 = %scan3A_574 to %scan3A_576 step %scan3A_577 iter_args(%scan3A_610 = %scan3A_573) -> (i32)  : i32 {
        %mul3A_611 = arith.constant 256 : i32
        %mul3A_612 = arith.muli %rem3A_558, %mul3A_611 : i32
        %mul3A_613 = arith.constant 16 : i32
        %mul3A_614 = arith.muli %scan3A_609, %mul3A_613 : i32
        %add3A_615 = arith.addi %mul3A_612, %mul3A_614 : i32
        %get3A = arith.index_cast %add3A_615 : i32 to index
        %get3A_616 = tpu.vector_load %arg11[%get3A] {strides = array<i32>} : memref<1536xf32, #tpu.memory_space<vmem>>, vector<16xf32>,
        %get3A_617 = vector.shape_cast %get3A_616 : vector<16xf32> to vector<16xf32>
        %mul3A_618 = arith.constant 256 : i32
        %mul3A_619 = arith.muli %rem3A_560, %mul3A_618 : i32
        %mul3A_620 = arith.constant 16 : i32
        %mul3A_621 = arith.muli %scan3A_609, %mul3A_620 : i32
        %add3A_622 = arith.addi %mul3A_619, %mul3A_621 : i32
        %add3A_623 = arith.constant 0 : i32
        %add3A_624 = arith.addi %add3A_622, %add3A_623 : i32
        %broadcast_in_dim3A = arith.constant 0 : i32
        %broadcast_in_dim3A_625 = vector.broadcast %broadcast_in_dim3A : i32 to vector<16x1xi32>
        %gather3A = vector.shape_cast %broadcast_in_dim3A_625 : vector<16x1xi32> to vector<16xi32>
        %gather3A_626 = tpu.dynamic_gather %get3A_617[%gather3A] in [0] : vector<16xf32>, vector<16xi32> -> vector<16xf32>
        %get3A_627 = arith.index_cast %add3A_624 : i32 to index
        %get3A_628 = arith.constant 0 : index
        %get3A_629 = tpu.vector_load %arg12[%get3A_627, %get3A_628] {strides = array<i32>} : memref<1024x16xf32, #tpu.memory_space<vmem>>, vector<1x16xf32>,
        %get3A_630 = vector.shape_cast %get3A_629 : vector<1x16xf32> to vector<16xf32>
        %mul3A_631 = arith.mulf %get3A_630, %gather3A_626 : vector<16xf32>
        %swap3A = arith.index_cast %add3A_624 : i32 to index
        %swap3A_632 = arith.constant 0 : index
        %swap3A_633 = tpu.vector_load %arg12[%swap3A, %swap3A_632] {strides = array<i32>} : memref<1024x16xf32, #tpu.memory_space<vmem>>, vector<1x16xf32>,
        %swap3A_634 = vector.shape_cast %swap3A_633 : vector<1x16xf32> to vector<16xf32>
        %swap3A_635 = vector.shape_cast %mul3A_631 : vector<16xf32> to vector<1x16xf32>
        tpu.vector_store %arg12[%swap3A, %swap3A_632], %swap3A_635 {strides = array<i32>} : memref<1024x16xf32, #tpu.memory_space<vmem>>, vector<1x16xf32>,
        %add3A_636 = arith.constant 1 : i32
        %add3A_637 = arith.addi %add3A_622, %add3A_636 : i32
        %broadcast_in_dim3A_638 = arith.constant 1 : i32
        %broadcast_in_dim3A_639 = vector.broadcast %broadcast_in_dim3A_638 : i32 to vector<16x1xi32>
        %gather3A_640 = vector.shape_cast %broadcast_in_dim3A_639 : vector<16x1xi32> to vector<16xi32>
        %gather3A_641 = tpu.dynamic_gather %get3A_617[%gather3A_640] in [0] : vector<16xf32>, vector<16xi32> -> vector<16xf32>
        %get3A_642 = arith.index_cast %add3A_637 : i32 to index
        %get3A_643 = arith.constant 0 : index
        %get3A_644 = tpu.vector_load %arg12[%get3A_642, %get3A_643] {strides = array<i32>} : memref<1024x16xf32, #tpu.memory_space<vmem>>, vector<1x16xf32>,
        %get3A_645 = vector.shape_cast %get3A_644 : vector<1x16xf32> to vector<16xf32>
        %mul3A_646 = arith.mulf %get3A_645, %gather3A_641 : vector<16xf32>
        %swap3A_647 = arith.index_cast %add3A_637 : i32 to index
        %swap3A_648 = arith.constant 0 : index
        %swap3A_649 = tpu.vector_load %arg12[%swap3A_647, %swap3A_648] {strides = array<i32>} : memref<1024x16xf32, #tpu.memory_space<vmem>>, vector<1x16xf32>,
        %swap3A_650 = vector.shape_cast %swap3A_649 : vector<1x16xf32> to vector<16xf32>
        %swap3A_651 = vector.shape_cast %mul3A_646 : vector<16xf32> to vector<1x16xf32>
        tpu.vector_store %arg12[%swap3A_647, %swap3A_648], %swap3A_651 {strides = array<i32>} : memref<1024x16xf32, #tpu.memory_space<vmem>>, vector<1x16xf32>,
        %add3A_652 = arith.constant 2 : i32
        %add3A_653 = arith.addi %add3A_622, %add3A_652 : i32
        %broadcast_in_dim3A_654 = arith.constant 2 : i32
        %broadcast_in_dim3A_655 = vector.broadcast %broadcast_in_dim3A_654 : i32 to vector<16x1xi32>
        %gather3A_656 = vector.shape_cast %broadcast_in_dim3A_655 : vector<16x1xi32> to vector<16xi32>
        %gather3A_657 = tpu.dynamic_gather %get3A_617[%gather3A_656] in [0] : vector<16xf32>, vector<16xi32> -> vector<16xf32>
        %get3A_658 = arith.index_cast %add3A_653 : i32 to index
        %get3A_659 = arith.constant 0 : index
        %get3A_660 = tpu.vector_load %arg12[%get3A_658, %get3A_659] {strides = array<i32>} : memref<1024x16xf32, #tpu.memory_space<vmem>>, vector<1x16xf32>,
        %get3A_661 = vector.shape_cast %get3A_660 : vector<1x16xf32> to vector<16xf32>
        %mul3A_662 = arith.mulf %get3A_661, %gather3A_657 : vector<16xf32>
        %swap3A_663 = arith.index_cast %add3A_653 : i32 to index
        %swap3A_664 = arith.constant 0 : index
        %swap3A_665 = tpu.vector_load %arg12[%swap3A_663, %swap3A_664] {strides = array<i32>} : memref<1024x16xf32, #tpu.memory_space<vmem>>, vector<1x16xf32>,
        %swap3A_666 = vector.shape_cast %swap3A_665 : vector<1x16xf32> to vector<16xf32>
        %swap3A_667 = vector.shape_cast %mul3A_662 : vector<16xf32> to vector<1x16xf32>
        tpu.vector_store %arg12[%swap3A_663, %swap3A_664], %swap3A_667 {strides = array<i32>} : memref<1024x16xf32, #tpu.memory_space<vmem>>, vector<1x16xf32>,
        %add3A_668 = arith.constant 3 : i32
        %add3A_669 = arith.addi %add3A_622, %add3A_668 : i32
        %broadcast_in_dim3A_670 = arith.constant 3 : i32
        %broadcast_in_dim3A_671 = vector.broadcast %broadcast_in_dim3A_670 : i32 to vector<16x1xi32>
        %gather3A_672 = vector.shape_cast %broadcast_in_dim3A_671 : vector<16x1xi32> to vector<16xi32>
        %gather3A_673 = tpu.dynamic_gather %get3A_617[%gather3A_672] in [0] : vector<16xf32>, vector<16xi32> -> vector<16xf32>
        %get3A_674 = arith.index_cast %add3A_669 : i32 to index
        %get3A_675 = arith.constant 0 : index
        %get3A_676 = tpu.vector_load %arg12[%get3A_674, %get3A_675] {strides = array<i32>} : memref<1024x16xf32, #tpu.memory_space<vmem>>, vector<1x16xf32>,
        %get3A_677 = vector.shape_cast %get3A_676 : vector<1x16xf32> to vector<16xf32>
        %mul3A_678 = arith.mulf %get3A_677, %gather3A_673 : vector<16xf32>
        %swap3A_679 = arith.index_cast %add3A_669 : i32 to index
        %swap3A_680 = arith.constant 0 : index
        %swap3A_681 = tpu.vector_load %arg12[%swap3A_679, %swap3A_680] {strides = array<i32>} : memref<1024x16xf32, #tpu.memory_space<vmem>>, vector<1x16xf32>,
        %swap3A_682 = vector.shape_cast %swap3A_681 : vector<1x16xf32> to vector<16xf32>
        %swap3A_683 = vector.shape_cast %mul3A_678 : vector<16xf32> to vector<1x16xf32>
        tpu.vector_store %arg12[%swap3A_679, %swap3A_680], %swap3A_683 {strides = array<i32>} : memref<1024x16xf32, #tpu.memory_space<vmem>>, vector<1x16xf32>,
        %add3A_684 = arith.constant 4 : i32
        %add3A_685 = arith.addi %add3A_622, %add3A_684 : i32
        %broadcast_in_dim3A_686 = arith.constant 4 : i32
        %broadcast_in_dim3A_687 = vector.broadcast %broadcast_in_dim3A_686 : i32 to vector<16x1xi32>
        %gather3A_688 = vector.shape_cast %broadcast_in_dim3A_687 : vector<16x1xi32> to vector<16xi32>
        %gather3A_689 = tpu.dynamic_gather %get3A_617[%gather3A_688] in [0] : vector<16xf32>, vector<16xi32> -> vector<16xf32>
        %get3A_690 = arith.index_cast %add3A_685 : i32 to index
        %get3A_691 = arith.constant 0 : index
        %get3A_692 = tpu.vector_load %arg12[%get3A_690, %get3A_691] {strides = array<i32>} : memref<1024x16xf32, #tpu.memory_space<vmem>>, vector<1x16xf32>,
        %get3A_693 = vector.shape_cast %get3A_692 : vector<1x16xf32> to vector<16xf32>
        %mul3A_694 = arith.mulf %get3A_693, %gather3A_689 : vector<16xf32>
        %swap3A_695 = arith.index_cast %add3A_685 : i32 to index
        %swap3A_696 = arith.constant 0 : index
        %swap3A_697 = tpu.vector_load %arg12[%swap3A_695, %swap3A_696] {strides = array<i32>} : memref<1024x16xf32, #tpu.memory_space<vmem>>, vector<1x16xf32>,
        %swap3A_698 = vector.shape_cast %swap3A_697 : vector<1x16xf32> to vector<16xf32>
        %swap3A_699 = vector.shape_cast %mul3A_694 : vector<16xf32> to vector<1x16xf32>
        tpu.vector_store %arg12[%swap3A_695, %swap3A_696], %swap3A_699 {strides = array<i32>} : memref<1024x16xf32, #tpu.memory_space<vmem>>, vector<1x16xf32>,
        %add3A_700 = arith.constant 5 : i32
        %add3A_701 = arith.addi %add3A_622, %add3A_700 : i32
        %broadcast_in_dim3A_702 = arith.constant 5 : i32
        %broadcast_in_dim3A_703 = vector.broadcast %broadcast_in_dim3A_702 : i32 to vector<16x1xi32>
        %gather3A_704 = vector.shape_cast %broadcast_in_dim3A_703 : vector<16x1xi32> to vector<16xi32>
        %gather3A_705 = tpu.dynamic_gather %get3A_617[%gather3A_704] in [0] : vector<16xf32>, vector<16xi32> -> vector<16xf32>
        %get3A_706 = arith.index_cast %add3A_701 : i32 to index
        %get3A_707 = arith.constant 0 : index
        %get3A_708 = tpu.vector_load %arg12[%get3A_706, %get3A_707] {strides = array<i32>} : memref<1024x16xf32, #tpu.memory_space<vmem>>, vector<1x16xf32>,
        %get3A_709 = vector.shape_cast %get3A_708 : vector<1x16xf32> to vector<16xf32>
        %mul3A_710 = arith.mulf %get3A_709, %gather3A_705 : vector<16xf32>
        %swap3A_711 = arith.index_cast %add3A_701 : i32 to index
        %swap3A_712 = arith.constant 0 : index
        %swap3A_713 = tpu.vector_load %arg12[%swap3A_711, %swap3A_712] {strides = array<i32>} : memref<1024x16xf32, #tpu.memory_space<vmem>>, vector<1x16xf32>,
        %swap3A_714 = vector.shape_cast %swap3A_713 : vector<1x16xf32> to vector<16xf32>
        %swap3A_715 = vector.shape_cast %mul3A_710 : vector<16xf32> to vector<1x16xf32>
        tpu.vector_store %arg12[%swap3A_711, %swap3A_712], %swap3A_715 {strides = array<i32>} : memref<1024x16xf32, #tpu.memory_space<vmem>>, vector<1x16xf32>,
        %add3A_716 = arith.constant 6 : i32
        %add3A_717 = arith.addi %add3A_622, %add3A_716 : i32
        %broadcast_in_dim3A_718 = arith.constant 6 : i32
        %broadcast_in_dim3A_719 = vector.broadcast %broadcast_in_dim3A_718 : i32 to vector<16x1xi32>
        %gather3A_720 = vector.shape_cast %broadcast_in_dim3A_719 : vector<16x1xi32> to vector<16xi32>
        %gather3A_721 = tpu.dynamic_gather %get3A_617[%gather3A_720] in [0] : vector<16xf32>, vector<16xi32> -> vector<16xf32>
        %get3A_722 = arith.index_cast %add3A_717 : i32 to index
        %get3A_723 = arith.constant 0 : index
        %get3A_724 = tpu.vector_load %arg12[%get3A_722, %get3A_723] {strides = array<i32>} : memref<1024x16xf32, #tpu.memory_space<vmem>>, vector<1x16xf32>,
        %get3A_725 = vector.shape_cast %get3A_724 : vector<1x16xf32> to vector<16xf32>
        %mul3A_726 = arith.mulf %get3A_725, %gather3A_721 : vector<16xf32>
        %swap3A_727 = arith.index_cast %add3A_717 : i32 to index
        %swap3A_728 = arith.constant 0 : index
        %swap3A_729 = tpu.vector_load %arg12[%swap3A_727, %swap3A_728] {strides = array<i32>} : memref<1024x16xf32, #tpu.memory_space<vmem>>, vector<1x16xf32>,
        %swap3A_730 = vector.shape_cast %swap3A_729 : vector<1x16xf32> to vector<16xf32>
        %swap3A_731 = vector.shape_cast %mul3A_726 : vector<16xf32> to vector<1x16xf32>
        tpu.vector_store %arg12[%swap3A_727, %swap3A_728], %swap3A_731 {strides = array<i32>} : memref<1024x16xf32, #tpu.memory_space<vmem>>, vector<1x16xf32>,
        %add3A_732 = arith.constant 7 : i32
        %add3A_733 = arith.addi %add3A_622, %add3A_732 : i32
        %broadcast_in_dim3A_734 = arith.constant 7 : i32
        %broadcast_in_dim3A_735 = vector.broadcast %broadcast_in_dim3A_734 : i32 to vector<16x1xi32>
        %gather3A_736 = vector.shape_cast %broadcast_in_dim3A_735 : vector<16x1xi32> to vector<16xi32>
        %gather3A_737 = tpu.dynamic_gather %get3A_617[%gather3A_736] in [0] : vector<16xf32>, vector<16xi32> -> vector<16xf32>
        %get3A_738 = arith.index_cast %add3A_733 : i32 to index
        %get3A_739 = arith.constant 0 : index
        %get3A_740 = tpu.vector_load %arg12[%get3A_738, %get3A_739] {strides = array<i32>} : memref<1024x16xf32, #tpu.memory_space<vmem>>, vector<1x16xf32>,
        %get3A_741 = vector.shape_cast %get3A_740 : vector<1x16xf32> to vector<16xf32>
        %mul3A_742 = arith.mulf %get3A_741, %gather3A_737 : vector<16xf32>
        %swap3A_743 = arith.index_cast %add3A_733 : i32 to index
        %swap3A_744 = arith.constant 0 : index
        %swap3A_745 = tpu.vector_load %arg12[%swap3A_743, %swap3A_744] {strides = array<i32>} : memref<1024x16xf32, #tpu.memory_space<vmem>>, vector<1x16xf32>,
        %swap3A_746 = vector.shape_cast %swap3A_745 : vector<1x16xf32> to vector<16xf32>
        %swap3A_747 = vector.shape_cast %mul3A_742 : vector<16xf32> to vector<1x16xf32>
        tpu.vector_store %arg12[%swap3A_743, %swap3A_744], %swap3A_747 {strides = array<i32>} : memref<1024x16xf32, #tpu.memory_space<vmem>>, vector<1x16xf32>,
        %add3A_748 = arith.constant 8 : i32
        %add3A_749 = arith.addi %add3A_622, %add3A_748 : i32
        %broadcast_in_dim3A_750 = arith.constant 8 : i32
        %broadcast_in_dim3A_751 = vector.broadcast %broadcast_in_dim3A_750 : i32 to vector<16x1xi32>
        %gather3A_752 = vector.shape_cast %broadcast_in_dim3A_751 : vector<16x1xi32> to vector<16xi32>
        %gather3A_753 = tpu.dynamic_gather %get3A_617[%gather3A_752] in [0] : vector<16xf32>, vector<16xi32> -> vector<16xf32>
        %get3A_754 = arith.index_cast %add3A_749 : i32 to index
        %get3A_755 = arith.constant 0 : index
        %get3A_756 = tpu.vector_load %arg12[%get3A_754, %get3A_755] {strides = array<i32>} : memref<1024x16xf32, #tpu.memory_space<vmem>>, vector<1x16xf32>,
        %get3A_757 = vector.shape_cast %get3A_756 : vector<1x16xf32> to vector<16xf32>
        %mul3A_758 = arith.mulf %get3A_757, %gather3A_753 : vector<16xf32>
        %swap3A_759 = arith.index_cast %add3A_749 : i32 to index
        %swap3A_760 = arith.constant 0 : index
        %swap3A_761 = tpu.vector_load %arg12[%swap3A_759, %swap3A_760] {strides = array<i32>} : memref<1024x16xf32, #tpu.memory_space<vmem>>, vector<1x16xf32>,
        %swap3A_762 = vector.shape_cast %swap3A_761 : vector<1x16xf32> to vector<16xf32>
        %swap3A_763 = vector.shape_cast %mul3A_758 : vector<16xf32> to vector<1x16xf32>
        tpu.vector_store %arg12[%swap3A_759, %swap3A_760], %swap3A_763 {strides = array<i32>} : memref<1024x16xf32, #tpu.memory_space<vmem>>, vector<1x16xf32>,
        %add3A_764 = arith.constant 9 : i32
        %add3A_765 = arith.addi %add3A_622, %add3A_764 : i32
        %broadcast_in_dim3A_766 = arith.constant 9 : i32
        %broadcast_in_dim3A_767 = vector.broadcast %broadcast_in_dim3A_766 : i32 to vector<16x1xi32>
        %gather3A_768 = vector.shape_cast %broadcast_in_dim3A_767 : vector<16x1xi32> to vector<16xi32>
        %gather3A_769 = tpu.dynamic_gather %get3A_617[%gather3A_768] in [0] : vector<16xf32>, vector<16xi32> -> vector<16xf32>
        %get3A_770 = arith.index_cast %add3A_765 : i32 to index
        %get3A_771 = arith.constant 0 : index
        %get3A_772 = tpu.vector_load %arg12[%get3A_770, %get3A_771] {strides = array<i32>} : memref<1024x16xf32, #tpu.memory_space<vmem>>, vector<1x16xf32>,
        %get3A_773 = vector.shape_cast %get3A_772 : vector<1x16xf32> to vector<16xf32>
        %mul3A_774 = arith.mulf %get3A_773, %gather3A_769 : vector<16xf32>
        %swap3A_775 = arith.index_cast %add3A_765 : i32 to index
        %swap3A_776 = arith.constant 0 : index
        %swap3A_777 = tpu.vector_load %arg12[%swap3A_775, %swap3A_776] {strides = array<i32>} : memref<1024x16xf32, #tpu.memory_space<vmem>>, vector<1x16xf32>,
        %swap3A_778 = vector.shape_cast %swap3A_777 : vector<1x16xf32> to vector<16xf32>
        %swap3A_779 = vector.shape_cast %mul3A_774 : vector<16xf32> to vector<1x16xf32>
        tpu.vector_store %arg12[%swap3A_775, %swap3A_776], %swap3A_779 {strides = array<i32>} : memref<1024x16xf32, #tpu.memory_space<vmem>>, vector<1x16xf32>,
        %add3A_780 = arith.constant 10 : i32
        %add3A_781 = arith.addi %add3A_622, %add3A_780 : i32
        %broadcast_in_dim3A_782 = arith.constant 10 : i32
        %broadcast_in_dim3A_783 = vector.broadcast %broadcast_in_dim3A_782 : i32 to vector<16x1xi32>
        %gather3A_784 = vector.shape_cast %broadcast_in_dim3A_783 : vector<16x1xi32> to vector<16xi32>
        %gather3A_785 = tpu.dynamic_gather %get3A_617[%gather3A_784] in [0] : vector<16xf32>, vector<16xi32> -> vector<16xf32>
        %get3A_786 = arith.index_cast %add3A_781 : i32 to index
        %get3A_787 = arith.constant 0 : index
        %get3A_788 = tpu.vector_load %arg12[%get3A_786, %get3A_787] {strides = array<i32>} : memref<1024x16xf32, #tpu.memory_space<vmem>>, vector<1x16xf32>,
        %get3A_789 = vector.shape_cast %get3A_788 : vector<1x16xf32> to vector<16xf32>
        %mul3A_790 = arith.mulf %get3A_789, %gather3A_785 : vector<16xf32>
        %swap3A_791 = arith.index_cast %add3A_781 : i32 to index
        %swap3A_792 = arith.constant 0 : index
        %swap3A_793 = tpu.vector_load %arg12[%swap3A_791, %swap3A_792] {strides = array<i32>} : memref<1024x16xf32, #tpu.memory_space<vmem>>, vector<1x16xf32>,
        %swap3A_794 = vector.shape_cast %swap3A_793 : vector<1x16xf32> to vector<16xf32>
        %swap3A_795 = vector.shape_cast %mul3A_790 : vector<16xf32> to vector<1x16xf32>
        tpu.vector_store %arg12[%swap3A_791, %swap3A_792], %swap3A_795 {strides = array<i32>} : memref<1024x16xf32, #tpu.memory_space<vmem>>, vector<1x16xf32>,
        %add3A_796 = arith.constant 11 : i32
        %add3A_797 = arith.addi %add3A_622, %add3A_796 : i32
        %broadcast_in_dim3A_798 = arith.constant 11 : i32
        %broadcast_in_dim3A_799 = vector.broadcast %broadcast_in_dim3A_798 : i32 to vector<16x1xi32>
        %gather3A_800 = vector.shape_cast %broadcast_in_dim3A_799 : vector<16x1xi32> to vector<16xi32>
        %gather3A_801 = tpu.dynamic_gather %get3A_617[%gather3A_800] in [0] : vector<16xf32>, vector<16xi32> -> vector<16xf32>
        %get3A_802 = arith.index_cast %add3A_797 : i32 to index
        %get3A_803 = arith.constant 0 : index
        %get3A_804 = tpu.vector_load %arg12[%get3A_802, %get3A_803] {strides = array<i32>} : memref<1024x16xf32, #tpu.memory_space<vmem>>, vector<1x16xf32>,
        %get3A_805 = vector.shape_cast %get3A_804 : vector<1x16xf32> to vector<16xf32>
        %mul3A_806 = arith.mulf %get3A_805, %gather3A_801 : vector<16xf32>
        %swap3A_807 = arith.index_cast %add3A_797 : i32 to index
        %swap3A_808 = arith.constant 0 : index
        %swap3A_809 = tpu.vector_load %arg12[%swap3A_807, %swap3A_808] {strides = array<i32>} : memref<1024x16xf32, #tpu.memory_space<vmem>>, vector<1x16xf32>,
        %swap3A_810 = vector.shape_cast %swap3A_809 : vector<1x16xf32> to vector<16xf32>
        %swap3A_811 = vector.shape_cast %mul3A_806 : vector<16xf32> to vector<1x16xf32>
        tpu.vector_store %arg12[%swap3A_807, %swap3A_808], %swap3A_811 {strides = array<i32>} : memref<1024x16xf32, #tpu.memory_space<vmem>>, vector<1x16xf32>,
        %add3A_812 = arith.constant 12 : i32
        %add3A_813 = arith.addi %add3A_622, %add3A_812 : i32
        %broadcast_in_dim3A_814 = arith.constant 12 : i32
        %broadcast_in_dim3A_815 = vector.broadcast %broadcast_in_dim3A_814 : i32 to vector<16x1xi32>
        %gather3A_816 = vector.shape_cast %broadcast_in_dim3A_815 : vector<16x1xi32> to vector<16xi32>
        %gather3A_817 = tpu.dynamic_gather %get3A_617[%gather3A_816] in [0] : vector<16xf32>, vector<16xi32> -> vector<16xf32>
        %get3A_818 = arith.index_cast %add3A_813 : i32 to index
        %get3A_819 = arith.constant 0 : index
        %get3A_820 = tpu.vector_load %arg12[%get3A_818, %get3A_819] {strides = array<i32>} : memref<1024x16xf32, #tpu.memory_space<vmem>>, vector<1x16xf32>,
        %get3A_821 = vector.shape_cast %get3A_820 : vector<1x16xf32> to vector<16xf32>
        %mul3A_822 = arith.mulf %get3A_821, %gather3A_817 : vector<16xf32>
        %swap3A_823 = arith.index_cast %add3A_813 : i32 to index
        %swap3A_824 = arith.constant 0 : index
        %swap3A_825 = tpu.vector_load %arg12[%swap3A_823, %swap3A_824] {strides = array<i32>} : memref<1024x16xf32, #tpu.memory_space<vmem>>, vector<1x16xf32>,
        %swap3A_826 = vector.shape_cast %swap3A_825 : vector<1x16xf32> to vector<16xf32>
        %swap3A_827 = vector.shape_cast %mul3A_822 : vector<16xf32> to vector<1x16xf32>
        tpu.vector_store %arg12[%swap3A_823, %swap3A_824], %swap3A_827 {strides = array<i32>} : memref<1024x16xf32, #tpu.memory_space<vmem>>, vector<1x16xf32>,
        %add3A_828 = arith.constant 13 : i32
        %add3A_829 = arith.addi %add3A_622, %add3A_828 : i32
        %broadcast_in_dim3A_830 = arith.constant 13 : i32
        %broadcast_in_dim3A_831 = vector.broadcast %broadcast_in_dim3A_830 : i32 to vector<16x1xi32>
        %gather3A_832 = vector.shape_cast %broadcast_in_dim3A_831 : vector<16x1xi32> to vector<16xi32>
        %gather3A_833 = tpu.dynamic_gather %get3A_617[%gather3A_832] in [0] : vector<16xf32>, vector<16xi32> -> vector<16xf32>
        %get3A_834 = arith.index_cast %add3A_829 : i32 to index
        %get3A_835 = arith.constant 0 : index
        %get3A_836 = tpu.vector_load %arg12[%get3A_834, %get3A_835] {strides = array<i32>} : memref<1024x16xf32, #tpu.memory_space<vmem>>, vector<1x16xf32>,
        %get3A_837 = vector.shape_cast %get3A_836 : vector<1x16xf32> to vector<16xf32>
        %mul3A_838 = arith.mulf %get3A_837, %gather3A_833 : vector<16xf32>
        %swap3A_839 = arith.index_cast %add3A_829 : i32 to index
        %swap3A_840 = arith.constant 0 : index
        %swap3A_841 = tpu.vector_load %arg12[%swap3A_839, %swap3A_840] {strides = array<i32>} : memref<1024x16xf32, #tpu.memory_space<vmem>>, vector<1x16xf32>,
        %swap3A_842 = vector.shape_cast %swap3A_841 : vector<1x16xf32> to vector<16xf32>
        %swap3A_843 = vector.shape_cast %mul3A_838 : vector<16xf32> to vector<1x16xf32>
        tpu.vector_store %arg12[%swap3A_839, %swap3A_840], %swap3A_843 {strides = array<i32>} : memref<1024x16xf32, #tpu.memory_space<vmem>>, vector<1x16xf32>,
        %add3A_844 = arith.constant 14 : i32
        %add3A_845 = arith.addi %add3A_622, %add3A_844 : i32
        %broadcast_in_dim3A_846 = arith.constant 14 : i32
        %broadcast_in_dim3A_847 = vector.broadcast %broadcast_in_dim3A_846 : i32 to vector<16x1xi32>
        %gather3A_848 = vector.shape_cast %broadcast_in_dim3A_847 : vector<16x1xi32> to vector<16xi32>
        %gather3A_849 = tpu.dynamic_gather %get3A_617[%gather3A_848] in [0] : vector<16xf32>, vector<16xi32> -> vector<16xf32>
        %get3A_850 = arith.index_cast %add3A_845 : i32 to index
        %get3A_851 = arith.constant 0 : index
        %get3A_852 = tpu.vector_load %arg12[%get3A_850, %get3A_851] {strides = array<i32>} : memref<1024x16xf32, #tpu.memory_space<vmem>>, vector<1x16xf32>,
        %get3A_853 = vector.shape_cast %get3A_852 : vector<1x16xf32> to vector<16xf32>
        %mul3A_854 = arith.mulf %get3A_853, %gather3A_849 : vector<16xf32>
        %swap3A_855 = arith.index_cast %add3A_845 : i32 to index
        %swap3A_856 = arith.constant 0 : index
        %swap3A_857 = tpu.vector_load %arg12[%swap3A_855, %swap3A_856] {strides = array<i32>} : memref<1024x16xf32, #tpu.memory_space<vmem>>, vector<1x16xf32>,
        %swap3A_858 = vector.shape_cast %swap3A_857 : vector<1x16xf32> to vector<16xf32>
        %swap3A_859 = vector.shape_cast %mul3A_854 : vector<16xf32> to vector<1x16xf32>
        tpu.vector_store %arg12[%swap3A_855, %swap3A_856], %swap3A_859 {strides = array<i32>} : memref<1024x16xf32, #tpu.memory_space<vmem>>, vector<1x16xf32>,
        %add3A_860 = arith.constant 15 : i32
        %add3A_861 = arith.addi %add3A_622, %add3A_860 : i32
        %broadcast_in_dim3A_862 = arith.constant 15 : i32
        %broadcast_in_dim3A_863 = vector.broadcast %broadcast_in_dim3A_862 : i32 to vector<16x1xi32>
        %gather3A_864 = vector.shape_cast %broadcast_in_dim3A_863 : vector<16x1xi32> to vector<16xi32>
        %gather3A_865 = tpu.dynamic_gather %get3A_617[%gather3A_864] in [0] : vector<16xf32>, vector<16xi32> -> vector<16xf32>
        %get3A_866 = arith.index_cast %add3A_861 : i32 to index
        %get3A_867 = arith.constant 0 : index
        %get3A_868 = tpu.vector_load %arg12[%get3A_866, %get3A_867] {strides = array<i32>} : memref<1024x16xf32, #tpu.memory_space<vmem>>, vector<1x16xf32>,
        %get3A_869 = vector.shape_cast %get3A_868 : vector<1x16xf32> to vector<16xf32>
        %mul3A_870 = arith.mulf %get3A_869, %gather3A_865 : vector<16xf32>
        %swap3A_871 = arith.index_cast %add3A_861 : i32 to index
        %swap3A_872 = arith.constant 0 : index
        %swap3A_873 = tpu.vector_load %arg12[%swap3A_871, %swap3A_872] {strides = array<i32>} : memref<1024x16xf32, #tpu.memory_space<vmem>>, vector<1x16xf32>,
        %swap3A_874 = vector.shape_cast %swap3A_873 : vector<1x16xf32> to vector<16xf32>
        %swap3A_875 = vector.shape_cast %mul3A_870 : vector<16xf32> to vector<1x16xf32>
        tpu.vector_store %arg12[%swap3A_871, %swap3A_872], %swap3A_875 {strides = array<i32>} : memref<1024x16xf32, #tpu.memory_space<vmem>>, vector<1x16xf32>,
        %scan3A_876 = arith.constant 0 : i32
        scf.yield %scan3A_876 : i32
      }
      %scan3A_579 = arith.constant 16 : i32
      %gt3A = arith.constant 0 : i32
      %gt3A_580 = arith.cmpi sgt, %scan3A_555, %gt3A : i32
      %convert_element_type3A_581 = arith.extui %gt3A_580 : i1 to i32
      %cond3A_582 = arith.constant 0 : i32
      %cond3A_583 = arith.cmpi ne, %convert_element_type3A_581, %cond3A_582 : i32
      scf.if %cond3A_583 {
        %dma_wait3A_609 = arith.constant 0 : i32
        %dma_wait3A_610 = arith.constant 0 : i32
        %dma_wait3A_611 = tpu.memref_slice %arg12[%dma_wait3A_609, %dma_wait3A_610] : memref<1024x16xf32, #tpu.memory_space<vmem>> -> memref<256x16xf32, #tpu.memory_space<vmem>>
        %dma_wait3A_612 = arith.constant 0 : i32
        %dma_wait3A_613 = arith.constant 0 : i32
        %dma_wait3A_614 = tpu.memref_slice %arg2[%dma_wait3A_612, %dma_wait3A_613] : memref<200000x16xf32, #tpu.memory_space<hbm>> -> memref<256x16xf32, #tpu.memory_space<hbm>>
        %dma_wait3A_615 = arith.constant 0 : i32
        %dma_wait3A_616 = arith.constant 0 : i32
        %dma_wait3A_617 = tpu.memref_slice %arg12[%dma_wait3A_615, %dma_wait3A_616] : memref<1024x16xf32, #tpu.memory_space<vmem>> -> memref<256x16xf32, #tpu.memory_space<vmem>>
        %dma_wait3A_618 = arith.constant 0 : i32
        %dma_wait3A_619 = arith.constant 0 : i32
        %dma_wait3A_620 = tpu.memref_slice %arg2[%dma_wait3A_618, %dma_wait3A_619] : memref<200000x16xf32, #tpu.memory_space<hbm>> -> memref<256x16xf32, #tpu.memory_space<hbm>>
        tpu.wait_dma2 semaphore(%arg15 : memref<!tpu.dma_semaphore, #tpu.memory_space<semaphore_mem>>) src(%dma_wait3A_620 : memref<256x16xf32, #tpu.memory_space<hbm>>) dst(%dma_wait3A_617 : memref<256x16xf32, #tpu.memory_space<vmem>>)
      } else {
      }
      %lt3A_584 = arith.constant 397 : i32
      %lt3A_585 = arith.cmpi slt, %scan3A_555, %lt3A_584 : i32
      %convert_element_type3A_586 = arith.extui %lt3A_585 : i1 to i32
      %cond3A_587 = arith.constant 0 : i32
      %cond3A_588 = arith.cmpi ne, %convert_element_type3A_586, %cond3A_587 : i32
      scf.if %cond3A_588 {
        %dma_wait3A_609 = arith.constant 0 : i32
        %dma_wait3A_610 = tpu.memref_slice %arg11[%dma_wait3A_609] : memref<1536xf32, #tpu.memory_space<vmem>> -> memref<768xf32, #tpu.memory_space<vmem>>
        %dma_wait3A_611 = arith.constant 0 : i32
        %dma_wait3A_612 = tpu.memref_slice %arg5[%dma_wait3A_611] : memref<1638400xf32, #tpu.memory_space<hbm>> -> memref<768xf32, #tpu.memory_space<hbm>>
        %dma_wait3A_613 = arith.constant 0 : i32
        %dma_wait3A_614 = tpu.memref_slice %arg11[%dma_wait3A_613] : memref<1536xf32, #tpu.memory_space<vmem>> -> memref<768xf32, #tpu.memory_space<vmem>>
        %dma_wait3A_615 = arith.constant 0 : i32
        %dma_wait3A_616 = tpu.memref_slice %arg5[%dma_wait3A_615] : memref<1638400xf32, #tpu.memory_space<hbm>> -> memref<768xf32, #tpu.memory_space<hbm>>
        tpu.wait_dma2 semaphore(%arg16 : memref<!tpu.dma_semaphore, #tpu.memory_space<semaphore_mem>>) src(%dma_wait3A_616 : memref<768xf32, #tpu.memory_space<hbm>>) dst(%dma_wait3A_614 : memref<768xf32, #tpu.memory_space<vmem>>)
        %add3A_617 = arith.constant 4 : i32
        %add3A_618 = arith.addi %scan3A_555, %add3A_617 : i32
        %sub3A = arith.constant 1 : i32
        %sub3A_619 = arith.subi %add3A_618, %sub3A : i32
        %rem3A_620 = arith.constant 6 : i32
        %rem3A_621 = arith.remsi %sub3A_619, %rem3A_620 : i32
        %rem3A_622 = arith.constant 4 : i32
        %rem3A_623 = arith.remsi %sub3A_619, %rem3A_622 : i32
        %mul3A_624 = arith.constant 256 : i32
        %mul3A_625 = arith.muli %rem3A_623, %mul3A_624 : i32
        %dma_start3A_626 = arith.constant 0 : i32
        %dma_start3A_627 = tpu.memref_slice %arg12[%mul3A_625, %dma_start3A_626] : memref<1024x16xf32, #tpu.memory_space<vmem>> -> memref<256x16xf32, #tpu.memory_space<vmem>>
        %dma_start3A_628 = arith.constant 0 : i32
        %dma_start3A_629 = tpu.memref_slice %arg9[%rem3A_621, %dma_start3A_628] : memref<6x256xi32, #tpu.memory_space<vmem>> -> memref<1x256xi32, #tpu.memory_space<vmem>>
        %dma_start3A_630 = tpu.memref_squeeze %dma_start3A_629 : memref<1x256xi32, #tpu.memory_space<vmem>> -> memref<256xi32, #tpu.memory_space<vmem>>
        %dma_start3A_631 = arith.constant 0 : i32
        %dma_start3A_632 = arith.constant 0 : i32
        %dma_start3A_633 = tpu.memref_slice %arg7[%dma_start3A_631, %dma_start3A_632] : memref<200000x16xf32, #tpu.memory_space<hbm>> -> memref<200000x16xf32, #tpu.memory_space<hbm>>
        tpu.enqueue_indirect_dma source(%dma_start3A_633 : memref<200000x16xf32, #tpu.memory_space<hbm>>) target(%dma_start3A_627 : memref<256x16xf32, #tpu.memory_space<vmem>>) offsets(%dma_start3A_630 : memref<256xi32, #tpu.memory_space<vmem>>) semaphore(%arg14 : memref<!tpu.dma_semaphore, #tpu.memory_space<semaphore_mem>>)
      } else {
      }
      %rem3A_589 = arith.constant 6 : i32
      %rem3A_590 = arith.remsi %scan3A_555, %rem3A_589 : i32
      %rem3A_591 = arith.constant 4 : i32
      %rem3A_592 = arith.remsi %scan3A_555, %rem3A_591 : i32
      %mul3A_593 = arith.constant 256 : i32
      %mul3A_594 = arith.muli %rem3A_592, %mul3A_593 : i32
      %dma_start3A_595 = arith.constant 0 : i32
      %dma_start3A_596 = tpu.memref_slice %arg12[%mul3A_594, %dma_start3A_595] : memref<1024x16xf32, #tpu.memory_space<vmem>> -> memref<256x16xf32, #tpu.memory_space<vmem>>
      %dma_start3A_597 = arith.constant 0 : i32
      %dma_start3A_598 = tpu.memref_slice %arg10[%rem3A_590, %dma_start3A_597] : memref<6x256xi32, #tpu.memory_space<vmem>> -> memref<1x256xi32, #tpu.memory_space<vmem>>
      %dma_start3A_599 = tpu.memref_squeeze %dma_start3A_598 : memref<1x256xi32, #tpu.memory_space<vmem>> -> memref<256xi32, #tpu.memory_space<vmem>>
      %dma_start3A_600 = arith.constant 0 : i32
      %dma_start3A_601 = arith.constant 0 : i32
      %dma_start3A_602 = tpu.memref_slice %arg13[%dma_start3A_600, %dma_start3A_601] : memref<100000x16xf32, #tpu.memory_space<vmem_shared>> -> memref<100000x16xf32, #tpu.memory_space<vmem_shared>>
      tpu.enqueue_indirect_dma source(%dma_start3A_596 : memref<256x16xf32, #tpu.memory_space<vmem>>) target(%dma_start3A_602 : memref<100000x16xf32, #tpu.memory_space<vmem_shared>>) offsets(%dma_start3A_599 : memref<256xi32, #tpu.memory_space<vmem>>) semaphore(%arg15 : memref<!tpu.dma_semaphore, #tpu.memory_space<semaphore_mem>>) {add = true}
      %lt3A_603 = arith.constant 395 : i32
      %lt3A_604 = arith.cmpi slt, %scan3A_555, %lt3A_603 : i32
      %convert_element_type3A_605 = arith.extui %lt3A_604 : i1 to i32
      %cond3A_606 = arith.constant 0 : i32
      %cond3A_607 = arith.cmpi ne, %convert_element_type3A_605, %cond3A_606 : i32
      scf.if %cond3A_607 {
        %add3A_609 = arith.constant 6 : i32
        %add3A_610 = arith.addi %scan3A_555, %add3A_609 : i32
        %sub3A = arith.constant 1 : i32
        %sub3A_611 = arith.subi %add3A_610, %sub3A : i32
        %rem3A_612 = arith.constant 6 : i32
        %rem3A_613 = arith.remsi %sub3A_611, %rem3A_612 : i32
        %mul3A_614 = arith.constant 102400 : i32
        %mul3A_615 = arith.muli %arg1, %mul3A_614 : i32
        %mul3A_616 = arith.constant 256 : i32
        %mul3A_617 = arith.muli %sub3A_611, %mul3A_616 : i32
        %add3A_618 = arith.addi %mul3A_615, %mul3A_617 : i32
        %mul3A_619 = arith.constant 1638400 : i32
        %mul3A_620 = arith.muli %arg0, %mul3A_619 : i32
        %add3A_621 = arith.addi %mul3A_620, %add3A_618 : i32
        %dma_start3A_622 = arith.constant 0 : i32
        %dma_start3A_623 = tpu.memref_slice %arg9[%rem3A_613, %dma_start3A_622] : memref<6x256xi32, #tpu.memory_space<vmem>> -> memref<1x256xi32, #tpu.memory_space<vmem>>
        %dma_start3A_624 = tpu.memref_squeeze %dma_start3A_623 : memref<1x256xi32, #tpu.memory_space<vmem>> -> memref<256xi32, #tpu.memory_space<vmem>>
        %dma_start3A_625 = tpu.memref_slice %arg3[%add3A_621] : memref<3276800xi32, #tpu.memory_space<hbm>> -> memref<256xi32, #tpu.memory_space<hbm>>
        %dma_start3A_626 = arith.constant 0 : i32
        %dma_start3A_627 = tpu.memref_slice %arg9[%rem3A_613, %dma_start3A_626] : memref<6x256xi32, #tpu.memory_space<vmem>> -> memref<1x256xi32, #tpu.memory_space<vmem>>
        %dma_start3A_628 = tpu.memref_squeeze %dma_start3A_627 : memref<1x256xi32, #tpu.memory_space<vmem>> -> memref<256xi32, #tpu.memory_space<vmem>>
        %dma_start3A_629 = tpu.memref_slice %arg3[%add3A_621] : memref<3276800xi32, #tpu.memory_space<hbm>> -> memref<256xi32, #tpu.memory_space<hbm>>
        tpu.enqueue_dma source(%dma_start3A_629 : memref<256xi32, #tpu.memory_space<hbm>>) target(%dma_start3A_628 : memref<256xi32, #tpu.memory_space<vmem>>) target_semaphore(%arg16 : memref<!tpu.dma_semaphore, #tpu.memory_space<semaphore_mem>>)
        %dma_start3A_630 = arith.constant 0 : i32
        %dma_start3A_631 = tpu.memref_slice %arg10[%rem3A_613, %dma_start3A_630] : memref<6x256xi32, #tpu.memory_space<vmem>> -> memref<1x256xi32, #tpu.memory_space<vmem>>
        %dma_start3A_632 = tpu.memref_squeeze %dma_start3A_631 : memref<1x256xi32, #tpu.memory_space<vmem>> -> memref<256xi32, #tpu.memory_space<vmem>>
        %dma_start3A_633 = tpu.memref_slice %arg4[%add3A_618] : memref<1638400xi32, #tpu.memory_space<hbm>> -> memref<256xi32, #tpu.memory_space<hbm>>
        %dma_start3A_634 = arith.constant 0 : i32
        %dma_start3A_635 = tpu.memref_slice %arg10[%rem3A_613, %dma_start3A_634] : memref<6x256xi32, #tpu.memory_space<vmem>> -> memref<1x256xi32, #tpu.memory_space<vmem>>
        %dma_start3A_636 = tpu.memref_squeeze %dma_start3A_635 : memref<1x256xi32, #tpu.memory_space<vmem>> -> memref<256xi32, #tpu.memory_space<vmem>>
        %dma_start3A_637 = tpu.memref_slice %arg4[%add3A_618] : memref<1638400xi32, #tpu.memory_space<hbm>> -> memref<256xi32, #tpu.memory_space<hbm>>
        tpu.enqueue_dma source(%dma_start3A_637 : memref<256xi32, #tpu.memory_space<hbm>>) target(%dma_start3A_636 : memref<256xi32, #tpu.memory_space<vmem>>) target_semaphore(%arg16 : memref<!tpu.dma_semaphore, #tpu.memory_space<semaphore_mem>>)
        %mul3A_638 = arith.constant 256 : i32
        %mul3A_639 = arith.muli %rem3A_613, %mul3A_638 : i32
        %dma_start3A_640 = tpu.memref_slice %arg11[%mul3A_639] : memref<1536xf32, #tpu.memory_space<vmem>> -> memref<256xf32, #tpu.memory_space<vmem>>
        %dma_start3A_641 = tpu.memref_slice %arg5[%add3A_618] : memref<1638400xf32, #tpu.memory_space<hbm>> -> memref<256xf32, #tpu.memory_space<hbm>>
        %dma_start3A_642 = tpu.memref_slice %arg11[%mul3A_639] : memref<1536xf32, #tpu.memory_space<vmem>> -> memref<256xf32, #tpu.memory_space<vmem>>
        %dma_start3A_643 = tpu.memref_slice %arg5[%add3A_618] : memref<1638400xf32, #tpu.memory_space<hbm>> -> memref<256xf32, #tpu.memory_space<hbm>>
        tpu.enqueue_dma source(%dma_start3A_643 : memref<256xf32, #tpu.memory_space<hbm>>) target(%dma_start3A_642 : memref<256xf32, #tpu.memory_space<vmem>>) target_semaphore(%arg16 : memref<!tpu.dma_semaphore, #tpu.memory_space<semaphore_mem>>)
      } else {
      }
      %scan3A_608 = arith.constant 0 : i32
      scf.yield %scan3A_608 : i32
    }
    %scan3A_531 = arith.constant 400 : i32
    %dma_wait3A_532 = arith.constant 0 : i32
    %dma_wait3A_533 = arith.constant 0 : i32
    %dma_wait3A_534 = tpu.memref_slice %arg12[%dma_wait3A_532, %dma_wait3A_533] : memref<1024x16xf32, #tpu.memory_space<vmem>> -> memref<256x16xf32, #tpu.memory_space<vmem>>
    %dma_wait3A_535 = arith.constant 0 : i32
    %dma_wait3A_536 = arith.constant 0 : i32
    %dma_wait3A_537 = tpu.memref_slice %arg2[%dma_wait3A_535, %dma_wait3A_536] : memref<200000x16xf32, #tpu.memory_space<hbm>> -> memref<256x16xf32, #tpu.memory_space<hbm>>
    %dma_wait3A_538 = arith.constant 0 : i32
    %dma_wait3A_539 = arith.constant 0 : i32
    %dma_wait3A_540 = tpu.memref_slice %arg12[%dma_wait3A_538, %dma_wait3A_539] : memref<1024x16xf32, #tpu.memory_space<vmem>> -> memref<256x16xf32, #tpu.memory_space<vmem>>
    %dma_wait3A_541 = arith.constant 0 : i32
    %dma_wait3A_542 = arith.constant 0 : i32
    %dma_wait3A_543 = tpu.memref_slice %arg2[%dma_wait3A_541, %dma_wait3A_542] : memref<200000x16xf32, #tpu.memory_space<hbm>> -> memref<256x16xf32, #tpu.memory_space<hbm>>
    tpu.wait_dma2 semaphore(%arg15 : memref<!tpu.dma_semaphore, #tpu.memory_space<semaphore_mem>>) src(%dma_wait3A_543 : memref<256x16xf32, #tpu.memory_space<hbm>>) dst(%dma_wait3A_540 : memref<256x16xf32, #tpu.memory_space<vmem>>)
    %barrier3A_544 = arith.constant 0 : index
    tpu.barrier barrier_id(%barrier3A_544)
    %lt3A_545 = arith.constant 4 : i32
    %lt3A_546 = arith.cmpi slt, %arg1, %lt3A_545 : i32
    %convert_element_type3A_547 = arith.extui %lt3A_546 : i1 to i32
    %cond3A_548 = arith.constant 0 : i32
    %cond3A_549 = arith.cmpi ne, %convert_element_type3A_547, %cond3A_548 : i32
    scf.if %cond3A_549 {
      %mul3A_555 = arith.constant 6256 : i32
      %mul3A_556 = arith.muli %arg1, %mul3A_555 : i32
      %multiple_of3A = tpu.assume_multiple %mul3A_556, 8 : i32
      %mul3A_557 = arith.constant 100000 : i32
      %mul3A_558 = arith.muli %arg0, %mul3A_557 : i32
      %add3A_559 = arith.addi %mul3A_558, %multiple_of3A : i32
      %multiple_of3A_560 = tpu.assume_multiple %add3A_559, 8 : i32
      "tpu.region"() ({
        %run_scoped3A = tpu.sem_alloc : memref<!tpu.dma_semaphore, #tpu.memory_space<semaphore_mem>>
        %dma_start3A_561 = arith.constant 0 : i32
        %dma_start3A_562 = tpu.memref_slice %arg8[%multiple_of3A_560, %dma_start3A_561] : memref<200000x16xf32, #tpu.memory_space<hbm>> -> memref<6256x16xf32, #tpu.memory_space<hbm>>
        %dma_start3A_563 = arith.constant 0 : i32
        %dma_start3A_564 = tpu.memref_slice %arg13[%multiple_of3A, %dma_start3A_563] : memref<100000x16xf32, #tpu.memory_space<vmem_shared>> -> memref<6256x16xf32, #tpu.memory_space<vmem_shared>>
        tpu.enqueue_dma source(%dma_start3A_564 : memref<6256x16xf32, #tpu.memory_space<vmem_shared>>) target(%dma_start3A_562 : memref<6256x16xf32, #tpu.memory_space<hbm>>) target_semaphore(%run_scoped3A : memref<!tpu.dma_semaphore, #tpu.memory_space<semaphore_mem>>)
        %dma_wait3A_565 = arith.constant 0 : i32
        %dma_wait3A_566 = tpu.memref_slice %arg8[%multiple_of3A_560, %dma_wait3A_565] : memref<200000x16xf32, #tpu.memory_space<hbm>> -> memref<6256x16xf32, #tpu.memory_space<hbm>>
        %dma_wait3A_567 = arith.constant 0 : i32
        %dma_wait3A_568 = tpu.memref_slice %arg13[%multiple_of3A, %dma_wait3A_567] : memref<100000x16xf32, #tpu.memory_space<vmem_shared>> -> memref<6256x16xf32, #tpu.memory_space<vmem_shared>>
        tpu.wait_dma2 semaphore(%run_scoped3A : memref<!tpu.dma_semaphore, #tpu.memory_space<semaphore_mem>>) src(%dma_wait3A_568 : memref<6256x16xf32, #tpu.memory_space<vmem_shared>>) dst(%dma_wait3A_566 : memref<6256x16xf32, #tpu.memory_space<hbm>>)
        tpu.yield
      }) : () -> ()
    } else {
    }
    %ge3A_550 = arith.constant 4 : i32
    %ge3A_551 = arith.cmpi sge, %arg1, %ge3A_550 : i32
    %convert_element_type3A_552 = arith.extui %ge3A_551 : i1 to i32
    %cond3A_553 = arith.constant 0 : i32
    %cond3A_554 = arith.cmpi ne, %convert_element_type3A_552, %cond3A_553 : i32
    scf.if %cond3A_554 {
      %sub3A = arith.constant 4 : i32
      %sub3A_555 = arith.subi %arg1, %sub3A : i32
      %mul3A_556 = arith.constant 6248 : i32
      %mul3A_557 = arith.muli %sub3A_555, %mul3A_556 : i32
      %add3A_558 = arith.constant 25024 : i32
      %add3A_559 = arith.addi %add3A_558, %mul3A_557 : i32
      %multiple_of3A = tpu.assume_multiple %add3A_559, 8 : i32
      %mul3A_560 = arith.constant 100000 : i32
      %mul3A_561 = arith.muli %arg0, %mul3A_560 : i32
      %add3A_562 = arith.addi %mul3A_561, %multiple_of3A : i32
      %multiple_of3A_563 = tpu.assume_multiple %add3A_562, 8 : i32
      "tpu.region"() ({
        %run_scoped3A = tpu.sem_alloc : memref<!tpu.dma_semaphore, #tpu.memory_space<semaphore_mem>>
        %dma_start3A_564 = arith.constant 0 : i32
        %dma_start3A_565 = tpu.memref_slice %arg8[%multiple_of3A_563, %dma_start3A_564] : memref<200000x16xf32, #tpu.memory_space<hbm>> -> memref<6248x16xf32, #tpu.memory_space<hbm>>
        %dma_start3A_566 = arith.constant 0 : i32
        %dma_start3A_567 = tpu.memref_slice %arg13[%multiple_of3A, %dma_start3A_566] : memref<100000x16xf32, #tpu.memory_space<vmem_shared>> -> memref<6248x16xf32, #tpu.memory_space<vmem_shared>>
        tpu.enqueue_dma source(%dma_start3A_567 : memref<6248x16xf32, #tpu.memory_space<vmem_shared>>) target(%dma_start3A_565 : memref<6248x16xf32, #tpu.memory_space<hbm>>) target_semaphore(%run_scoped3A : memref<!tpu.dma_semaphore, #tpu.memory_space<semaphore_mem>>)
        %dma_wait3A_568 = arith.constant 0 : i32
        %dma_wait3A_569 = tpu.memref_slice %arg8[%multiple_of3A_563, %dma_wait3A_568] : memref<200000x16xf32, #tpu.memory_space<hbm>> -> memref<6248x16xf32, #tpu.memory_space<hbm>>
        %dma_wait3A_570 = arith.constant 0 : i32
        %dma_wait3A_571 = tpu.memref_slice %arg13[%multiple_of3A, %dma_wait3A_570] : memref<100000x16xf32, #tpu.memory_space<vmem_shared>> -> memref<6248x16xf32, #tpu.memory_space<vmem_shared>>
        tpu.wait_dma2 semaphore(%run_scoped3A : memref<!tpu.dma_semaphore, #tpu.memory_space<semaphore_mem>>) src(%dma_wait3A_571 : memref<6248x16xf32, #tpu.memory_space<vmem_shared>>) dst(%dma_wait3A_569 : memref<6248x16xf32, #tpu.memory_space<hbm>>)
        tpu.yield
      }) : () -> ()
    } else {
    }
    return
  }
}

</mosaic_0001>

<sc_bundles>
// kernel: _propagate_stage.3.cloned.1.call-start
scs
__scs_entry_jumppad:
0x0: {  	(pc) =	sbr.rel $0x88, $3  }
0x1: {  	(tag) =	ssettag $0x0;
	lr =	simm.s32 $0x1  }
0x2: {  	[smem:$0x3F9C] =	sst lr;
	_ =	strace $0xD0000000  }
0x3: {  	_ = 	snop  }
0x4: {  	_ = 	snop  }
0x5: {  	_ = 	snop  }
0x6: {  	_ = 	snop  }
0x7: {  	_ = 	snop  }
__scs_overlays_trampoline_lowered:
0x8: {  	[smem:$0x3FAB] =	sst s0  }
0x9: {  	[smem:$0x3FAC] =	sst s1  }
0xa: {  	[smem:$0x3FAD] =	sst s2  }
0xb: {  	[smem:$0x3FAE] =	sst s3  }
0xc: {  	[smem:$0x3FAF] =	sst s4  }
0xd: {  	[smem:$0x3FB0] =	sst s5  }
0xe: {  	[smem:$0x3FB1] =	sst s6  }
0xf: {  	[smem:$0x3FB2] =	sst s7  }
0x10: {  	[smem:$0x3FB3] =	sst s8  }
0x11: {  	[smem:$0x3FB4] =	sst s9;
	s0 =	simm.s32 @!p0 $0x0  }
0x12: {  	s1 =	sld [smem:$0x3F9A];
	s0 =	simm.s32 @p0 $0x1  }
0x13: {  	[smem:$0x3FB5] =	sst s0;
	s0 =	simm.s32 @!p1 $0x0  }
0x14: {  	s2 =	sld [smem:$0x3F99];
	s0 =	simm.s32 @p1 $0x1  }
0x15: {  	[smem:$0x3FB6] =	sst s0;
	s0 =	simm.s32 @!p2 $0x0  }
0x16: {  	s3 =	sld [smem:$0x3FDB];
	s0 =	simm.s32 @p2 $0x1  }
0x17: {  	s4 =	simm.s32 $0x1BF5;
	[smem:$0x3FB8] =	sst s0  }
0x18: {  	s0 =	sld [smem:$0x3F9B];
	_ =	swait.ge [sflag:s4], $0x0  }
0x19: {  	s7 =	sld [smem:$0x3F9C]  }
0x1a: {  	s8 =	sadd.s32 $0xFFFFE003, lr  }
0x1b: {  	s9 =	sadd.s32 $0xFFFFFEF7, lr;
	s5 =	simm.s32 $0xFFFFFFFF;
	p2 =	slt.u32 s8, $0xFFFFF086  }
0x1c: {  	p1 =	slt.u32 s9, $0xF7A;
	s5 =	simm.s32 @!p2 $0x0  }
0x1d: {  	s5 =	simm.s32 @p1 $0x1;
	p0 =	seq.s32 s7, s2  }
0x1e: {  	s7 =	smul.u32 @!p0 $0xF7A, s2;
	p2 =	seq.s32 @!p0 s5, $0x0  }
0x1f: {  	s9 =	smul.u32 $0xF7A, s1;
	s8 =	simm.s32 @!p0 $0x1BF5;
	p2 =	por !p2, p0  }
0x20: {  	[sflag:s8] =	ssyncset.s32 @!p0 $0xFFFFF086;
	s6 =	sadd.s32 @!p0 s3, s7;
	s7 =	simm.s32 @!p0 $0x108  }
0x21: {  	s3 =	sadd.s32 s3, s9;
	s6 =	sadd.s32 @!p0 $0x88, s6;
	s7 =	simm.s32 @p2 $0x1082  }
0x22: {  	[simem:s7], [sflag:s8] =	dma.local @!p0 [hbm:s6], $0xF7A  }
0x23: {  	s9 =	sor.u32 $0xD0000000, s2;
	s6 =	simm.s32 $0x108;
	_ =	swait.ge @!p0 [sflag:s8], $0x0  }
0x24: {  	s3 =	sadd.s32 $0x88, s3;
	s6 =	simm.s32 @!p1 $0x1082;
	[sflag:s4] =	ssyncset.s32 $0xFFFFF086  }
0x25: {  	[simem:s6], [sflag:s4] =	dma.local [hbm:s3], $0xF7A  }
0x26: {  	[smem:$0x3F9C] =	sst s1;
	(tag) =	ssettag s2;
	_ =	strace s9  }
0x27: {  	s1 =	sld [smem:$0x3FAC]  }
0x28: {  	s2 =	sld [smem:$0x3FAD]  }
0x29: {  	s4 =	sld [smem:$0x3FAF]  }
0x2a: {  	p0 =	seq.s32 s5, $0x0;
	s5 =	sld [smem:$0x3FB0]  }
0x2b: {  	s6 =	sld [smem:$0x3FB1]  }
0x2c: {  	s7 =	sld [smem:$0x3FB2]  }
0x2d: {  	s3 =	simm.s32 $0x108;
	s8 =	sld [smem:$0x3FB3]  }
0x2e: {  	s3 =	simm.s32 @!p0 $0x1082;
	s9 =	sld [smem:$0x3FB4]  }
0x2f: {  	lr =	sadd.s32 s0, s3;
	s0 =	sld [smem:$0x3FAB]  }
0x30: {  	s3 =	sld [smem:$0x3FAE]  }
0x31: {  	[smem:$0x3FB7] =	sst s10  }
0x32: {  	s10 =	sld [smem:$0x3FB5];
	_ =	sdelay $0x3  }
0x33: {  	p0 =	seq.s32 s10, $0x1;
	s10 =	sld [smem:$0x3FB7];
	_ =	sdelay $0x3  }
0x34: {  	[smem:$0x3FB7] =	sst s10  }
0x35: {  	s10 =	sld [smem:$0x3FB6];
	_ =	sdelay $0x3  }
0x36: {  	p1 =	seq.s32 s10, $0x1;
	s10 =	sld [smem:$0x3FB7];
	_ =	sdelay $0x3  }
0x37: {  	[smem:$0x3FB7] =	sst s10  }
0x38: {  	s10 =	sld [smem:$0x3FB8]  }
0x39: {  	_ = 	snop;
	(pc) =	sbr.ind lr, $3  }
0x3a: {  	_ = 	snop  }
0x3b: {  	_ = 	snop  }
0x3c: {  	p2 =	seq.s32 s10, $0x1;
	s10 =	sld [smem:$0x3FB7]  }
0x3d: {  	_ =	shalt  }
0x3e: {  	_ =	shalt  }
0x3f: {  	_ =	shalt  }
0x40: {  	_ =	shalt  }
0x41: {  	_ =	shalt  }
0x42: {  	_ =	shalt  }
0x43: {  	_ =	shalt  }
0x44: {  	_ =	shalt  }
0x45: {  	_ =	shalt  }
0x46: {  	_ =	shalt  }
0x47: {  	_ =	shalt  }
0x48: {  	_ =	shalt  }
0x49: {  	_ =	shalt  }
0x4a: {  	_ =	shalt  }
0x4b: {  	_ =	shalt  }
0x4c: {  	_ =	shalt  }
0x4d: {  	_ =	shalt  }
0x4e: {  	_ =	shalt  }
0x4f: {  	_ =	shalt  }
0x50: {  	_ =	shalt  }
0x51: {  	_ =	shalt  }
0x52: {  	_ =	shalt  }
0x53: {  	_ =	shalt  }
0x54: {  	_ =	shalt  }
0x55: {  	_ =	shalt  }
0x56: {  	_ =	shalt  }
0x57: {  	_ =	shalt  }
0x58: {  	_ =	shalt  }
0x59: {  	_ =	shalt  }
0x5a: {  	_ =	shalt  }
0x5b: {  	_ =	shalt  }
0x5c: {  	_ =	shalt  }
0x5d: {  	_ =	shalt  }
0x5e: {  	_ =	shalt  }
0x5f: {  	_ =	shalt  }
0x60: {  	_ =	shalt  }
0x61: {  	_ =	shalt  }
0x62: {  	_ =	shalt  }
0x63: {  	_ =	shalt  }
0x64: {  	_ =	shalt  }
0x65: {  	_ =	shalt  }
0x66: {  	_ =	shalt  }
0x67: {  	_ =	shalt  }
0x68: {  	_ =	shalt  }
0x69: {  	_ =	shalt  }
0x6a: {  	_ =	shalt  }
0x6b: {  	_ =	shalt  }
0x6c: {  	_ =	shalt  }
0x6d: {  	_ =	shalt  }
0x6e: {  	_ =	shalt  }
0x6f: {  	_ =	shalt  }
0x70: {  	_ =	shalt  }
0x71: {  	_ =	shalt  }
0x72: {  	_ =	shalt  }
0x73: {  	_ =	shalt  }
0x74: {  	_ =	shalt  }
0x75: {  	_ =	shalt  }
0x76: {  	_ =	shalt  }
0x77: {  	_ =	shalt  }
0x78: {  	_ =	shalt  }
0x79: {  	_ =	shalt  }
0x7a: {  	_ =	shalt  }
0x7b: {  	_ =	shalt  }
0x7c: {  	_ =	shalt  }
0x7d: {  	_ =	shalt  }
0x7e: {  	_ =	shalt  }
0x7f: {  	_ =	shalt  }
0x80: {  	_ =	shalt  }
0x81: {  	_ =	shalt  }
0x82: {  	_ =	shalt  }
0x83: {  	_ =	shalt  }
0x84: {  	_ =	shalt  }
0x85: {  	_ =	shalt  }
0x86: {  	_ =	shalt  }
0x87: {  	_ =	shalt  }
.Lfunc_end0:
.L_simem_size_0:
called_computation_lowered:
.L_overlay_start_0:
0x88: {  	s2 =	sld [smem:$0x3FD9]  }
0x89: {  	s3 =	sld [smem:$0x3FFE];
	_ =	sdelay $0x1  }
0x8a: {  	s1 =	srdreg.scid  }
0x8b: {  	s0 =	sand.u32 $0x1, s1  }
0x8c: {  	s14 =	sshll.u32 s0, $0xA;
	s2 =	sadd.s32 s3, s2  }
0x8d: {  	s2 =	sadd.s32 s2, s14  }
0x8e: {  	[smem:$0x3FC3] =	sst s2  }
0x8f: {  	_ = 	snop  }
0x90: {  	s2 =	sld [smem:$0x3FD0]  }
0x91: {  	s15 =	sld [smem:$0x3FC8]  }
0x92: {  	s4 =	sld [smem:$0x3FC7]  }
0x93: {  	s6 =	simm.s32 $0xA;
	s7 =	simm.s32 $0x10;
	s5 =	sld [smem:$0x3FC6]  }
0x94: {  	[smem:s7], [sflag:s6] =	dma.local [hbm:s2], $0x1  }
0x95: {  	_ =	swait.eq [sflag:s6], $0x1  }
0x96: {  	[sflag:s6] =	ssyncset.done $0x0  }
0x97: {  	s16 =	sld [smem:$0x10];
	[sflag:s6] =	ssyncadd.s32 $0xFFFFFFFF  }
0x98: {  	s17 =	sld [smem:$0x11];
	(tm) =	ssettm $0x1  }
0x99: {  	s18 =	sld [smem:$0x3FFB];
	_ =	sdelay $0x3  }
0x9a: {  	_ =	strace s18  }
0x9b: {  	s7 =	sld [smem:$0x3FFC];
	_ =	sdelay $0x3  }
0x9c: {  	_ =	strace s7  }
0x9d: {  	s7 =	sld [smem:$0x3FFD];
	_ =	sdelay $0x3  }
0x9e: {  	_ =	strace s7  }
0x9f: {  	_ =	strace $0x8FFFFFFF  }
0xa0: {  	s19 =	sld [smem:$0x3FDB];
	_ =	sdelay $0x1  }
0xa1: {  	s8 =	simm.s32 $_scs_section_size  }
0xa2: {  	s9 =	simm.s32 $_size__tile_overlayer_lowered;
	s10 =	simm.s32 $_tile_overlayer_lowered  }
0xa3: {  	s22 =	simm.s32 $0x1BFF;
	s21 =	sshll.u32 s10, $0x1;
	s7 =	sadd.s32 s8, s19  }
0xa4: {  	s11 =	simm.s32 $0x0;
	s20 =	sshll.u32 s9, $0x1;
	s9 =	sadd.s32 s21, s7  }
0xa5: {  	[timem:s11], [sflag:s22] =	dma.local [hbm:s9], s20  }
0xa6: {  	_ =	swait.ge [sflag:s22], s20  }
0xa7: {  	s8 =	ssub.s32 $0x0, s20;
	[sflag:s22] =	ssyncset.done $0x0  }
0xa8: {  	[sflag:s22] =	ssyncadd.s32 s8;
	_ =	sdelay $0x1  }
0xa9: {  	s23 =	simm.s32 $0x1B8B  }
0xaa: {  	_ =	swait.ge [sflag:s23], $0x1  }
0xab: {  	[sflag:s23] =	ssyncset.done $0x0  }
0xac: {  	s25 =	simm.s32 $0x1B8E;
	s24 =	sld [smem:$0x3FFE];
	[sflag:s23] =	ssyncadd.s32 $0xFFFFFFFF  }
0xad: {  	s26 =	simm.s32 $execute0_lowered;
	[smem:$0x3FD2] =	sst s25  }
0xae: {  	s9 =	sshll.u32 s26, $0x1;
	_ =	strace $0x80000046;
	[dreg:$0x1] =	wrdreg $0xFFFFFFFF  }
0xaf: {  	s28 =	simm.s32 $_size_execute0_lowered;
	s7 =	sadd.s32 s7, s9;
	[dreg:$0x0] =	wrdreg $0x0  }
0xb0: {  	s9 =	sshll.u32 s28, $0x1;
	[dreg:$0x2] =	wrdreg s7  }
0xb1: {  	[dreg:$0x3] =	wrdreg s9  }
0xb2: {  	[dreg:$0x4] =	wrdreg $0xC0  }
0xb3: {  	_ =	task [dreg:s11], $0x5FFFF  }
0xb4: {  	[dreg:$0x1] =	wrdreg $0xFFFFFFFF  }
0xb5: {  	[dreg:$0x0] =	wrdreg $0x60  }
0xb6: {  	[dreg:$0x2] =	wrdreg s17  }
0xb7: {  	[dreg:$0x3] =	wrdreg s15  }
0xb8: {  	[dreg:$0x4] =	wrdreg s4  }
0xb9: {  	[dreg:$0x5] =	wrdreg s5  }
0xba: {  	[dreg:$0x6] =	wrdreg s24  }
0xbb: {  	[dreg:$0x7] =	wrdreg s16  }
0xbc: {  	[dreg:$0x8] =	wrdreg $0x52000  }
0xbd: {  	[dreg:$0x9] =	wrdreg $0x9  }
0xbe: {  	_ =	task.clear_ibuf [dreg:s11], $0xAFFFF;
	_ =	strace $0x90000046  }
0xbf: {  	s29 =	simm.s32 $0x9;
	_ =	strace $0x80000048  }
0xc0: {  	_ =	swait.ge [sflag:s29], $0x1  }
0xc1: {  	[sflag:s29] =	ssyncadd.s32 $0xFFFFFFFF  }
0xc2: {  	_ =	strace $0x90000048  }
0xc3: {  	_ =	sfence  }
0xc4: {  	s30 =	sld [smem:$0x0];
	_ =	sdelay $0x2  }
0xc5: {  	s31 =	sshll.u32 s1, $0xD;
	s1 =	sshrl.u32 s1, $0x2  }
0xc6: {  	s3 =	sand.u32 $0x4000, s31;
	s1 =	sadd.s32 s1, s30  }
0xc7: {  	s0 =	sor.u32 s3, s0;
	s1 =	sshll.u32 s1, $0x11  }
0xc8: {  	s0 =	sor.u32 s1, s0  }
0xc9: {  	s0 =	sadd.s32 $0x8F2B, s0  }
0xca: {  	[sflag:s0] =	ssyncadd.remote.s32 $0x1  }
0xcb: {  	_ =	sfence.sel $0xFFFF  }
0xcc: {  	[dreg:$0x0] =	wrdreg $0xFFFFFFFF;
	(pc) =	sbr.abs _section_cstart, $3  }
0xcd: {  	[dreg:$0x1] =	wrdreg $0xFFFFFFFF  }
0xce: {  	_ =	task.clear_ibuf [dreg:s11], $0x2FFFF;
	_ =	strace $0x9FFFFFFF  }
0xcf: {  	(tm) =	ssettm $0x7FFFFFFF  }
tec
execute0_lowered:
.L_overlay_start_1:
0x0: {  	(tag) =	ssettag $0x1  }
0x1: {  	s0 =	rddreg [dreg:$0x0]  }
0x2: {  	s2 =	rddreg [dreg:$0x1]  }
0x3: {  	s3 =	rddreg [dreg:$0x2]  }
0x4: {  	s4 =	rddreg [dreg:$0x3]  }
0x5: {  	s1 =	rddreg [dreg:$0x4]  }
0x6: {  	s5 =	rddreg [dreg:$0x5];
	s18 =	stileid.u32  }
0x7: {  	s7 =	rddreg [dreg:$0x6];
	s8 =	simm.s32 $0x0;
	s12 =	smul.u32 $0x61C00, s18  }
0x8: {  	s6 =	srdreg.scid;
	s31 =	simm.s32 $0x100;
	s11 =	smul.u32 $0x61A00, s18  }
0x9: {  	[smem:$0x7FF] =	sst s8;
	s9 =	sadd.s32 $0xA00, s1;
	s10 =	smul.u32 $0x19000, s18  }
0xa: {  	s6 =	sand.u32 $0x1, s6;
	s1 =	sadd.s32 $0x3C00, s1;
	s17 =	smul.u32 $0x30E0, s18  }
0xb: {  	p0 =	sgt.u32 s18, $0x3;
	_ =	strace $0x80000047;
	s13 =	ssub.s32 $0x2, s6  }
0xc: {  	s26 =	smul.u32 $0x30D40, s6;
	s14 =	sshrl.u32 s13, $0x1;
	s15 =	sshrl.u32 s11, $0x2  }
0xd: {  	s11 =	smul.u32 $0x190000, s6;
	s12 =	sshrl.u32 s12, $0x2;
	s22 =	sshrl.u32 s10, $0x3  }
0xe: {  	s23 =	sor.u32 $0x100, s10;
	s6 =	smul.u32 $0x186A0, s6;
	s13 =	ssub.s32 s13, s14  }
0xf: {  	s19 =	sadd.s32 s15, s7;
	s12 =	sadd.s32 s12, s7;
	s24 =	sadd.s32 s3, s22  }
0x10: {  	s14 =	sadd.s32 s4, s22;
	s15 =	sshrl.u32 s23, $0x3;
	[dreg:$0x8] =	wrdreg s12  }
0x11: {  	s20 =	sadd.s32 $0x200, s19;
	s21 =	sadd.s32 s10, s11;
	[dreg:$0xb] =	wrdreg s24  }
0x12: {  	s25 =	sadd.s32 s11, s23;
	[dreg:$0xc] =	wrdreg s14;
	s16 =	sadd.s32 s3, s15  }
0x13: {  	s19 =	sor.u32 $0x200, s10;
	[dreg:$0x9] =	wrdreg s20;
	s12 =	sshrl.u32 s21, $0x3  }
0x14: {  	[dreg:$0xe] =	wrdreg s16;
	s21 =	sor.u32 $0x300, s10;
	s12 =	sadd.s32 s2, s12  }
0x15: {  	s14 =	sadd.s32 s17, s26;
	s17 =	sadd.s32 s11, s21;
	[dreg:$0xa] =	wrdreg s12  }
0x16: {  	s12 =	sshrl.u32 s25, $0x3;
	s25 =	sshrl.u32 s21, $0x3;
	s21 =	sadd.s32 s5, s14  }
0x17: {  	s20 =	sadd.s32 s11, s19;
	s14 =	sadd.s32 s1, s14;
	[dreg:$0x16] =	wrdreg s21  }
0x18: {  	s22 =	sshrl.u32 s17, $0x3;
	s12 =	sadd.s32 s2, s12;
	[dreg:$0x17] =	wrdreg s14  }
0x19: {  	s16 =	sor.u32 $0x400, s10;
	s24 =	sadd.s32 s2, s22;
	[dreg:$0xd] =	wrdreg s12  }
0x1a: {  	s17 =	smul.u32 $0x1868, s18;
	s26 =	sadd.s32 s3, s25;
	[dreg:$0x13] =	wrdreg s24  }
0x1b: {  	s14 =	simm.s32 $0x0;
	s12 =	sadd.s32 s4, s15;
	[dreg:$0x14] =	wrdreg s26  }
0x1c: {  	s15 =	sshrl.u32 s20, $0x3;
	s24 =	sshll.u32 s18, $0x6;
	[dreg:$0xf] =	wrdreg s12  }
0x1d: {  	s12 =	sshrl.u32 s19, $0x3;
	s15 =	sadd.s32 s2, s15;
	s19 =	sadd.s32 s11, s16  }
0x1e: {  	s30 =	sor.u32 $0x1C04, s24;
	[dreg:$0x10] =	wrdreg s15;
	s23 =	sadd.s32 s3, s12  }
0x1f: {  	s12 =	sadd.s32 s4, s12;
	s15 =	sshrl.u32 s16, $0x3;
	[dreg:$0x11] =	wrdreg s23  }
0x20: {  	s16 =	sadd.s32 $0x20, s17;
	[dreg:$0x12] =	wrdreg s12;
	s12 =	sadd.s32 s4, s25  }
0x21: {  	s6 =	sadd.s32 s6, s16;
	s28 =	sadd.s32 s3, s15;
	s29 =	sadd.s32 s4, s15  }
0x22: {  	v0 =	vimm.s32 $0x0;
	s20 =	sshll.u32 s16, $0x4;
	s25 =	smax.u32 s13, $0x1;
	s13 =	simm.s32 $0x3  }
.Ltmp0:
0x23: {  	v1 =	vimm.s32 $0x1;
	v2 =	vimm.s32 $0x2;
	v3 =	vimm.s32 $0x3;
	[dreg:$0x15] =	wrdreg s12;
	s12 =	sshrl.u32 s19, $0x3;
	(pc) =	sbr.rel .LBB2_1-.Ltmp0, $4  }
0x24: {  	v4 =	vimm.s32 $0x4;
	v5 =	vimm.s32 $0x5;
	v6 =	vimm.s32 $0x6;
	s6 =	sshll.u32 s6, $0x1;
	s23 =	sadd.s32 s20, s7;
	[dreg:$0x1b] =	wrdreg s25  }
0x25: {  	v7 =	vimm.s32 $0x7;
	v8 =	vimm.s32 $0x8;
	v9 =	vimm.s32 $0x9;
	s26 =	sadd.s32 s2, s12;
	s1 =	sadd.s32 s1, s6;
	[dreg:$0x1a] =	wrdreg s23  }
0x26: {  	v10 =	vimm.s32 $0xA;
	v11 =	vimm.s32 $0xB;
	v12 =	vimm.s32 $0xC;
	s22 =	sadd.s32 s5, s6;
	s12 =	simm.s32 $0x1;
	[dreg:$0x18] =	wrdreg s1  }
0x27: {  	v13 =	vimm.s32 $0xD;
	v14 =	vimm.s32 $0xE;
	v15 =	vimm.s32 $0xF;
	s6 =	simm.s32 $0x2;
	[dreg:$0x19] =	wrdreg s22;
	s1 =	simm.s32 $0x200  }
.LBB2_15:
0x28: {  	_ =	swait.ge [sflag:s6], $0x1000  }
0x29: {  	[sflag:s6] =	ssyncset.done $0x0  }
0x2a: {  	[sflag:s6] =	ssyncadd.s32 $0xFFFFF000  }
0x2b: {  	[bflag:$0x0] =	sbarrier.arrive $0xFFFF  }
0x2c: {  	s17 =	rddreg [dreg:$0x18]  }
0x2d: {  	[hbm:s17], [sflag:s30] =	dma.local @p0 [spmem:s16], $0x30D0  }
0x2e: {  	s16 =	simm.s32 @p0 $0x4  }
0x2f: {  	_ =	swait.ge @p0 [sflag:s16], $0x30D0  }
0x30: {  	[sflag:s16] =	ssyncset.done @p0 $0x0  }
0x31: {  	[sflag:s16] =	ssyncadd.s32 @p0 $0xFFFFCF30;
	s16 =	rddreg [dreg:$0x17]  }
0x32: {  	[hbm:s16], [sflag:s30] =	dma.local @!p0 [spmem:s15], $0x30E0  }
0x33: {  	s15 =	simm.s32 @!p0 $0x4  }
0x34: {  	_ =	swait.ge @!p0 [sflag:s15], $0x30E0  }
0x35: {  	s14 =	sadd.s32 $0x1, s14;
	s25 =	rddreg [dreg:$0x1b]  }
0x36: {  	p1 =	sne.s32 s14, s25  }
.Ltmp1:
0x37: {  	_ = 	snop;
	(pc) =	sbr.rel @!p1 .LBB2_16-.Ltmp1, $3  }
0x38: {  	_ =	sdelay $0x1  }
0x39: {  	[sflag:s15] =	ssyncset.done @!p0 $0x0  }
0x3a: {  	[sflag:s15] =	ssyncadd.s32 @!p0 $0xFFFFCF20  }
.LBB2_1:
0x3b: {  	s15 =	rddreg [dreg:$0x9]  }
0x3c: {  	s17 =	sshrl.u32 @p0 s15, $0x3;
	s15 =	simm.s32 @p0 $0x4  }
0x3d: {  	[spmem:s17], [sflag:s30] =	dma.local @p0 [hbm:s9], $0x30D0  }
0x3e: {  	_ =	swait.ge @p0 [sflag:s15], $0x30D0  }
0x3f: {  	[sflag:s15] =	ssyncset.done @p0 $0x0  }
0x40: {  	[sflag:s15] =	ssyncadd.s32 @p0 $0xFFFFCF30;
	s15 =	rddreg [dreg:$0x8]  }
0x41: {  	s16 =	simm.s32 @!p0 $0x4;
	s15 =	sshrl.u32 @!p0 s15, $0x3  }
0x42: {  	[spmem:s15], [sflag:s30] =	dma.local @!p0 [hbm:s9], $0x30E0  }
0x43: {  	_ =	swait.ge @!p0 [sflag:s16], $0x30E0  }
0x44: {  	[sflag:s16] =	ssyncset.done @!p0 $0x0  }
0x45: {  	[sflag:s16] =	ssyncadd.s32 @!p0 $0xFFFFCF20  }
0x46: {  	[bflag:$0x0] =	sbarrier.arrive $0xFFFF  }
0x47: {  	s24 =	rddreg [dreg:$0xa]  }
0x48: {  	[tilespmem:s8], [sflag:$0x3] =	stream.linear.gather [hbm4b:s24+s8], $0x100, $0x38;
	[tilespmem:$0x1D8A0] =	vst v63  }
0x49: {  	s18 =	simm.s32 $0x600;
	s25 =	rddreg [dreg:$0xb]  }
0x4a: {  	[tilespmem:s18], [sflag:$0x3] =	stream.linear.gather [hbm4b:s25+s8], $0x100, $0x38;
	[tilespmem:$0x1D8A0] =	vst v63  }
0x4b: {  	s19 =	simm.s32 $0xC00;
	s18 =	rddreg [dreg:$0xc]  }
0x4c: {  	[tilespmem:s19], [sflag:$0x3] =	stream.linear.gather [hbm4b:s18+s8], $0x100, $0x38;
	[tilespmem:$0x1D8A0] =	vst v63  }
0x4d: {  	s20 =	rddreg [dreg:$0xd]  }
0x4e: {  	[tilespmem:s31], [sflag:$0x3] =	stream.linear.gather [hbm4b:s20+s8], $0x100, $0x38;
	[tilespmem:$0x1D8A0] =	vst v63  }
0x4f: {  	s22 =	simm.s32 $0x700;
	s21 =	rddreg [dreg:$0xe]  }
0x50: {  	[tilespmem:s22], [sflag:$0x3] =	stream.linear.gather [hbm4b:s21+s8], $0x100, $0x38;
	[tilespmem:$0x1D8A0] =	vst v63  }
0x51: {  	s23 =	rddreg [dreg:$0xf];
	s24 =	simm.s32 $0xD00  }
0x52: {  	[tilespmem:s24], [sflag:$0x3] =	stream.linear.gather [hbm4b:s23+s8], $0x100, $0x38;
	[tilespmem:$0x1D8A0] =	vst v63  }
0x53: {  	s25 =	rddreg [dreg:$0x10]  }
0x54: {  	[tilespmem:s1], [sflag:$0x3] =	stream.linear.gather [hbm4b:s25+s8], $0x100, $0x38;
	[tilespmem:$0x1D8A0] =	vst v63  }
0x55: {  	s18 =	rddreg [dreg:$0x11];
	s19 =	simm.s32 $0x800  }
0x56: {  	[tilespmem:s19], [sflag:$0x3] =	stream.linear.gather [hbm4b:s18+s8], $0x100, $0x38;
	[tilespmem:$0x1D8A0] =	vst v63  }
0x57: {  	s20 =	rddreg [dreg:$0x12];
	s21 =	simm.s32 $0xE00  }
0x58: {  	[tilespmem:s21], [sflag:$0x3] =	stream.linear.gather [hbm4b:s20+s8], $0x100, $0x38;
	[tilespmem:$0x1D8A0] =	vst v63  }
0x59: {  	s22 =	rddreg [dreg:$0x13];
	s23 =	simm.s32 $0x300  }
0x5a: {  	[tilespmem:s23], [sflag:$0x3] =	stream.linear.gather [hbm4b:s22+s8], $0x100, $0x38;
	[tilespmem:$0x1D8A0] =	vst v63  }
0x5b: {  	s24 =	rddreg [dreg:$0x14];
	s25 =	simm.s32 $0x900  }
0x5c: {  	[tilespmem:s25], [sflag:$0x3] =	stream.linear.gather [hbm4b:s24+s8], $0x100, $0x38;
	[tilespmem:$0x1D8A0] =	vst v63  }
0x5d: {  	s18 =	rddreg [dreg:$0x15];
	s19 =	simm.s32 $0xF00  }
0x5e: {  	[tilespmem:s19], [sflag:$0x3] =	stream.linear.gather [hbm4b:s18+s8], $0x100, $0x38;
	[tilespmem:$0x1D8A0] =	vst v63  }
0x5f: {  	s20 =	simm.s32 $0x400  }
0x60: {  	[tilespmem:s20], [sflag:$0x3] =	stream.linear.gather [hbm4b:s26+s8], $0x100, $0x38;
	[tilespmem:$0x1D8A0] =	vst v63  }
0x61: {  	s21 =	simm.s32 $0xA00  }
0x62: {  	[tilespmem:s21], [sflag:$0x3] =	stream.linear.gather [hbm4b:s28+s8], $0x100, $0x38;
	[tilespmem:$0x1D8A0] =	vst v63  }
0x63: {  	s22 =	simm.s32 $0x1000  }
0x64: {  	[tilespmem:s22], [sflag:$0x3] =	stream.linear.gather [hbm4b:s29+s8], $0x100, $0x38;
	[tilespmem:$0x1D8A0] =	vst v63  }
0x65: {  	_ =	swait.ge [sflag:s13], $0x300  }
0x66: {  	[sflag:s13] =	ssyncset.done $0x0  }
0x67: {  	s23 =	simm.s32 $0x1200;
	[sflag:s13] =	ssyncadd.s32 $0xFFFFFD00  }
0x68: {  	[tilespmem:s23], [sflag:$0x1] =	stream.indirect.gather [hbm4b:s0+s31], $0x10, s8, s31, $0xb8;
	[tilespmem:$0x1D8A0] =	vst v63  }
0x69: {  	_ =	swait.ge [sflag:s13], $0x300  }
0x6a: {  	[sflag:s13] =	ssyncset.done $0x0  }
0x6b: {  	s24 =	simm.s32 $0x2200;
	[sflag:s13] =	ssyncadd.s32 $0xFFFFFD00  }
0x6c: {  	[tilespmem:s24], [sflag:$0x1] =	stream.indirect.gather [hbm4b:s0+s31], $0x10, s31, s31, $0xb8;
	[tilespmem:$0x1D8A0] =	vst v63  }
.Ltmp2:
0x6d: {  	_ = 	snop;
	(pc) =	sbr.rel .LBB2_2-.Ltmp2, $4  }
0x6e: {  	s16 =	simm.s32 $0x0;
	_ =	swait.ge [sflag:s13], $0x300  }
0x6f: {  	s25 =	simm.s32 $0x3200;
	s18 =	simm.s32 $0x0;
	[sflag:s13] =	ssyncset.done $0x0  }
0x70: {  	s19 =	simm.s32 $0x0;
	s20 =	simm.s32 $0x0;
	[sflag:s13] =	ssyncadd.s32 $0xFFFFFD00  }
0x71: {  	[tilespmem:s25], [sflag:$0x1] =	stream.indirect.gather [hbm4b:s0+s31], $0x10, s1, s31, $0xb8;
	[tilespmem:$0x1D8A0] =	vst v63  }
.LBB2_6:
0x72: {  	s23 =	sadd.s32 $0x3, s20  }
0x73: {  	s24 =	smul.u32 $0xAAAB, s23;
	_ =	sdelay $0x1  }
0x74: {  	s24 =	sshrl.u32 s24, $0x12  }
0x75: {  	s24 =	smul.u32 $0x6, s24  }
0x76: {  	_ =	swait.ge [sflag:s13], $0x300  }
0x77: {  	p1 =	sgt.u32 s20, $0x18A;
	s24 =	ssub.s32 s23, s24;
	s23 =	sshll.u32 s23, $0xC  }
0x78: {  	[sflag:s13] =	ssyncset.done $0x0;
	s23 =	sand.u32 $0x3000, s23;
	s24 =	sshll.u32 s24, $0x8  }
0x79: {  	[sflag:s13] =	ssyncadd.s32 $0xFFFFFD00;
	s23 =	sadd.s32 $0x1200, s23;
	s24 =	sand.u32 $0x3F00, s24  }
0x7a: {  	[tilespmem:s23], [sflag:$0x1] =	stream.indirect.gather [hbm4b:s0+s31], $0x10, s24, s31, $0xb8;
	[tilespmem:$0x1D8A0] =	vst v63  }
0x7b: {  	s22 =	sshrl.u32 s22, $0x2;
	s23 =	sadd.s32 @!p1 $0x5, s20  }
0x7c: {  	s22 =	sadd.s32 $0x600, s22;
	s24 =	smul.u32 @!p1 $0xAAAB, s23  }
0x7d: {  	[spmem:s7] =	stream.indirect.scatter.add.f32 [tilespmem:s21], [sflag:$0x2], $0x10, s22, s31, $0xb8;
	[tilespmem:$0x1D8A0] =	vst v63  }
0x7e: {  	s21 =	sshrl.u32 @!p1 s24, $0x12  }
0x7f: {  	s22 =	sshll.u32 @!p1 s23, $0x8;
	s21 =	smul.u32 @!p1 $0x6, s21  }
0x80: {  	s22 =	sadd.s32 @!p1 s10, s22  }
0x81: {  	s21 =	ssub.s32 @!p1 s23, s21;
	s23 =	sadd.s32 @!p1 s11, s22  }
0x82: {  	s24 =	simm.s32 @!p1 $0x0;
	s21 =	sshll.u32 @!p1 s21, $0x8;
	s23 =	sshrl.u32 @!p1 s23, $0x3  }
0x83: {  	s22 =	sshrl.u32 @!p1 s22, $0x3;
	s21 =	sand.u32 @!p1 $0xFF00, s21;
	s23 =	sadd.s32 @!p1 s2, s23  }
0x84: {  	[tilespmem:s21], [sflag:$0x3] =	stream.linear.gather @!p1 [hbm4b:s23+s24], $0x100, $0x38;
	[tilespmem:$0x1D8A0] =	vst v63  }
0x85: {  	s25 =	sadd.s32 @!p1 s3, s22;
	s23 =	sadd.s32 @!p1 $0x600, s21  }
0x86: {  	[tilespmem:s23], [sflag:$0x3] =	stream.linear.gather @!p1 [hbm4b:s25+s24], $0x100, $0x38;
	[tilespmem:$0x1D8A0] =	vst v63  }
0x87: {  	s22 =	sadd.s32 @!p1 s4, s22;
	s21 =	sadd.s32 @!p1 $0xC00, s21  }
0x88: {  	[tilespmem:s21], [sflag:$0x3] =	stream.linear.gather @!p1 [hbm4b:s22+s24], $0x100, $0x38;
	[tilespmem:$0x1D8A0] =	vst v63  }
.LBB2_7:
0x89: {  	s20 =	sadd.s32 $0x1, s20  }
0x8a: {  	p1 =	sne.s32 s20, $0x190  }
.Ltmp3:
0x8b: {  	_ = 	snop;
	(pc) =	sbr.rel @!p1 .LBB2_8-.Ltmp3, $2  }
0x8c: {  	_ =	sdelay $0x2  }
0x8d: {  	s19 =	sadd.s32 $0x400, s19;
	s18 =	sadd.s32 $0x1, s18;
	s16 =	sadd.s32 $0x1, s16  }
.LBB2_2:
0x8e: {  	s21 =	sand.u32 $0xFFFF, s18  }
0x8f: {  	s21 =	smul.u32 $0xAAAB, s21;
	_ =	sdelay $0x1  }
0x90: {  	s21 =	sshrl.u32 s21, $0x12  }
0x91: {  	s21 =	smul.u32 $0x1800, s21;
	_ =	sdelay $0x1  }
0x92: {  	s21 =	ssub.s32 s19, s21  }
0x93: {  	s21 =	sand.u32 $0xFFFC, s21  }
0x94: {  	s21 =	sshrl.u32 s21, $0x2  }
0x95: {  	s21 =	sadd.s32 $0xC00, s21  }
0x96: {  	v16 =	vmov s21;
	_ =	sdelay $0x1  }
0x97: {  	_ =	swait.ge [sflag:s12], $0x1000  }
0x98: {  	[sflag:s12] =	ssyncset.done $0x0  }
0x99: {  	s23 =	sand.u32 $0x3, s16;
	s22 =	simm.s32 $0x0;
	[sflag:s12] =	ssyncadd.s32 $0xFFFFF000  }
0x9a: {  	s21 =	sshll.u32 s23, $0xC;
	v17 =	vld.idx.msk [tilespmem:v16+s22+$0x0 ss:$0x1], $0xffff  }
0x9b: {  	s23 =	sadd.s32 $0x1280, s21  }
0x9c: {  	v18 =	vld [tilespmem:s23+$0xFFFFFF80]  }
0x9d: {  	v19 =	vld [tilespmem:s23+$0xFFFFFF90]  }
0x9e: {  	v20 =	vld [tilespmem:s23+$0xFFFFFFA0]  }
0x9f: {  	v21 =	vld [tilespmem:s23+$0xFFFFFFB0];
	v22 =	vperm.xlane v17, v0  }
0xa0: {  	v25 =	vld [tilespmem:s23+$0xFFFFFFD0];
	v23 =	vperm.xlane v17, v1  }
0xa1: {  	v24 =	vld [tilespmem:s23+$0xFFFFFFC0];
	v26 =	vperm.xlane v17, v2;
	v18 =	vmul.f32 v18, v22  }
0xa2: {  	v49 =	vld [tilespmem:s23+$0xFFFFFFE0];
	v48 =	vperm.xlane v17, v3;
	v19 =	vmul.f32 v19, v23  }
0xa3: {  	v51 =	vld [tilespmem:s23+$0x10];
	v50 =	vperm.xlane v17, v5;
	v20 =	vmul.f32 v20, v26;
	[tilespmem:s23+$0xFFFFFF80] =	vst v18  }
0xa4: {  	v27 =	vld [tilespmem:s23+$0xFFFFFFF0];
	v21 =	vmul.f32 v21, v48;
	v18 =	vperm.xlane v17, v4;
	[tilespmem:s23+$0xFFFFFF90] =	vst v19  }
0xa5: {  	v28 =	vperm.xlane v17, v6;
	v22 =	vmul.f32 v25, v50;
	v19 =	vld [tilespmem:s23+$0x0];
	[tilespmem:s23+$0xFFFFFFA0] =	vst v20  }
0xa6: {  	v57 =	vld [tilespmem:s23+$0x50];
	v55 =	vperm.xlane v17, v9;
	[tilespmem:s23+$0xFFFFFFB0] =	vst v21;
	v18 =	vmul.f32 v24, v18  }
0xa7: {  	v53 =	vld [tilespmem:s23+$0x20];
	v52 =	vperm.xlane v17, v7;
	v23 =	vmul.f32 v49, v28;
	[tilespmem:s23+$0xFFFFFFD0] =	vst v22  }
0xa8: {  	v54 =	vld [tilespmem:s23+$0x30];
	v59 =	vmul.f32 v51, v55;
	[tilespmem:s23+$0xFFFFFFC0] =	vst v18;
	v18 =	vperm.xlane v17, v8  }
0xa9: {  	v56 =	vld [tilespmem:s23+$0x40];
	v62 =	vperm.xlane v17, v13;
	v20 =	vmul.f32 v27, v52;
	[tilespmem:s23+$0xFFFFFFE0] =	vst v23  }
0xaa: {  	v60 =	vld [tilespmem:s23+$0x60];
	v58 =	vperm.xlane v17, v10;
	[tilespmem:s23+$0x10] =	vst v59;
	v18 =	vmul.f32 v19, v18  }
0xab: {  	s24 =	smul.u32 $0xAAAB, s20;
	v61 =	vld [tilespmem:s23+$0x70];
	v21 =	vmul.f32 v57, v62;
	[tilespmem:s23+$0xFFFFFFF0] =	vst v20;
	v19 =	vperm.xlane v17, v11  }
0xac: {  	v24 =	vmul.f32 v53, v58;
	[tilespmem:s23+$0x0] =	vst v18;
	v18 =	vperm.xlane v17, v12  }
0xad: {  	s21 =	sshrl.u32 s24, $0x12;
	v63 =	vperm.xlane v17, v14;
	[tilespmem:s23+$0x50] =	vst v21;
	v19 =	vmul.f32 v54, v19  }
0xae: {  	s21 =	smul.u32 $0x6, s21;
	[tilespmem:s23+$0x20] =	vst v24;
	v17 =	vperm.xlane v17, v15;
	v18 =	vmul.f32 v56, v18  }
0xaf: {  	[tilespmem:s23+$0x30] =	vst v19;
	v19 =	vmul.f32 v60, v63  }
0xb0: {  	s24 =	sshll.u32 s20, $0xC;
	s21 =	ssub.s32 s20, s21;
	v17 =	vmul.f32 v61, v17;
	[tilespmem:s23+$0x40] =	vst v18  }
0xb1: {  	s25 =	sand.u32 $0x3000, s24;
	s24 =	simm.s32 $0x80;
	s21 =	sshll.u32 s21, $0xA;
	[tilespmem:s23+$0x60] =	vst v19  }
0xb2: {  	s22 =	sand.u32 $0xFC00, s21;
	s21 =	sadd.s32 $0x1200, s25;
	s25 =	simm.s32 $0x10;
	[tilespmem:s23+$0x70] =	vst v17  }
.LBB2_3:
0xb3: {  	p1 =	sne.s32 s24, $0x3C0;
	v17 =	vld.idx.msk [tilespmem:v16+s25+$0x0 ss:$0x1], $0xffff;
	s23 =	sadd.s32 $0x100, s23  }
0xb4: {  	v18 =	vld [tilespmem:s23+$0xFFFFFFB0]  }
0xb5: {  	v19 =	vld [tilespmem:s23+$0xFFFFFF90]  }
0xb6: {  	v20 =	vld [tilespmem:s23+$0xFFFFFF80]  }
0xb7: {  	v21 =	vld [tilespmem:s23+$0xFFFFFFA0]  }
0xb8: {  	v22 =	vld [tilespmem:s23+$0xFFFFFFF0]  }
0xb9: {  	v23 =	vperm.xlane v17, v0;
	v24 =	vperm.xlane v17, v1;
	v25 =	vld [tilespmem:s23+$0xFFFFFFD0]  }
0xba: {  	v26 =	vperm.xlane v17, v2;
	v27 =	vperm.xlane v17, v3;
	v28 =	vld [tilespmem:s23+$0xFFFFFFC0]  }
0xbb: {  	v19 =	vmul.f32 v19, v24;
	v20 =	vmul.f32 v20, v23;
	v23 =	vld [tilespmem:s23+$0xFFFFFFE0]  }
0xbc: {  	v18 =	vmul.f32 v18, v27;
	v21 =	vmul.f32 v21, v26;
	v24 =	vld [tilespmem:s23+$0x30]  }
0xbd: {  	v26 =	vperm.xlane v17, v5;
	[tilespmem:s23+$0xFFFFFF80] =	vst v20;
	v20 =	vperm.xlane v17, v4;
	v27 =	vld [tilespmem:s23+$0x10]  }
0xbe: {  	v29 =	vperm.xlane v17, v7;
	[tilespmem:s23+$0xFFFFFF90] =	vst v19;
	v19 =	vperm.xlane v17, v6;
	v30 =	vld [tilespmem:s23+$0x0]  }
0xbf: {  	[tilespmem:s23+$0xFFFFFFA0] =	vst v21;
	v20 =	vmul.f32 v28, v20;
	v21 =	vmul.f32 v25, v26;
	v25 =	vld [tilespmem:s23+$0x20]  }
0xc0: {  	[tilespmem:s23+$0xFFFFFFB0] =	vst v18;
	v18 =	vmul.f32 v23, v19;
	v19 =	vmul.f32 v22, v29;
	v22 =	vld [tilespmem:s23+$0x70]  }
0xc1: {  	v23 =	vperm.xlane v17, v9;
	[tilespmem:s23+$0xFFFFFFC0] =	vst v20;
	v20 =	vperm.xlane v17, v8;
	v26 =	vld [tilespmem:s23+$0x50]  }
0xc2: {  	v28 =	vperm.xlane v17, v11;
	[tilespmem:s23+$0xFFFFFFD0] =	vst v21;
	v21 =	vperm.xlane v17, v10;
	v29 =	vld [tilespmem:s23+$0x40]  }
0xc3: {  	[tilespmem:s23+$0xFFFFFFE0] =	vst v18;
	v18 =	vmul.f32 v30, v20;
	v20 =	vmul.f32 v27, v23;
	v23 =	vld [tilespmem:s23+$0x60]  }
0xc4: {  	[tilespmem:s23+$0xFFFFFFF0] =	vst v19;
	v19 =	vmul.f32 v25, v21;
	v21 =	vmul.f32 v24, v28  }
0xc5: {  	v24 =	vperm.xlane v17, v13;
	[tilespmem:s23+$0x0] =	vst v18;
	v18 =	vperm.xlane v17, v12  }
0xc6: {  	[tilespmem:s23+$0x10] =	vst v20;
	v20 =	vperm.xlane v17, v14;
	v17 =	vperm.xlane v17, v15  }
0xc7: {  	[tilespmem:s23+$0x20] =	vst v19;
	v18 =	vmul.f32 v29, v18;
	v19 =	vmul.f32 v26, v24  }
.Ltmp4:
0xc8: {  	[tilespmem:s23+$0x30] =	vst v21;
	v20 =	vmul.f32 v23, v20;
	v17 =	vmul.f32 v22, v17;
	(pc) =	sbr.rel @p1 .LBB2_3-.Ltmp4, $4  }
0xc9: {  	[tilespmem:s23+$0x40] =	vst v18  }
0xca: {  	[tilespmem:s23+$0x50] =	vst v19  }
0xcb: {  	[tilespmem:s23+$0x60] =	vst v20  }
0xcc: {  	s25 =	sshra.s32 s24, $0x2;
	s24 =	sadd.s32 $0x40, s24;
	[tilespmem:s23+$0x70] =	vst v17  }
0xcd: {  	_ =	sdelay $0x3  }
0xce: {  	v16 =	vld.idx.msk [tilespmem:v16+s25+$0x0 ss:$0x1], $0xffff  }
0xcf: {  	s23 =	sadd.s32 $0x100, s23  }
0xd0: {  	v17 =	vld [tilespmem:s23+$0xFFFFFF80]  }
0xd1: {  	v18 =	vld [tilespmem:s23+$0xFFFFFF90]  }
0xd2: {  	v19 =	vld [tilespmem:s23+$0xFFFFFFA0]  }
0xd3: {  	v20 =	vld [tilespmem:s23+$0xFFFFFFB0];
	v21 =	vperm.xlane v16, v0  }
0xd4: {  	v24 =	vld [tilespmem:s23+$0xFFFFFFD0];
	v22 =	vperm.xlane v16, v1  }
0xd5: {  	v46 =	vld [tilespmem:s23+$0xFFFFFFE0];
	v25 =	vperm.xlane v16, v2;
	v17 =	vmul.f32 v17, v21  }
0xd6: {  	v23 =	vld [tilespmem:s23+$0xFFFFFFC0];
	v45 =	vperm.xlane v16, v3;
	v18 =	vmul.f32 v18, v22  }
0xd7: {  	v49 =	vld [tilespmem:s23+$0x10];
	v47 =	vperm.xlane v16, v5;
	v19 =	vmul.f32 v19, v25;
	[tilespmem:s23+$0xFFFFFF80] =	vst v17  }
0xd8: {  	v59 =	vld [tilespmem:s23+$0x60];
	v27 =	vperm.xlane v16, v6;
	v20 =	vmul.f32 v20, v45;
	[tilespmem:s23+$0xFFFFFF90] =	vst v18  }
0xd9: {  	v26 =	vld [tilespmem:s23+$0xFFFFFFF0];
	v21 =	vmul.f32 v24, v47;
	v17 =	vperm.xlane v16, v4;
	[tilespmem:s23+$0xFFFFFFA0] =	vst v19  }
0xda: {  	v48 =	vld [tilespmem:s23+$0x0];
	v53 =	vperm.xlane v16, v9;
	v22 =	vmul.f32 v46, v27;
	[tilespmem:s23+$0xFFFFFFB0] =	vst v20  }
0xdb: {  	v52 =	vld [tilespmem:s23+$0x30];
	v62 =	vperm.xlane v16, v14;
	[tilespmem:s23+$0xFFFFFFD0] =	vst v21;
	v17 =	vmul.f32 v23, v17  }
0xdc: {  	v55 =	vld [tilespmem:s23+$0x50];
	v50 =	vperm.xlane v16, v7;
	v58 =	vmul.f32 v49, v53;
	[tilespmem:s23+$0xFFFFFFE0] =	vst v22  }
0xdd: {  	v51 =	vld [tilespmem:s23+$0x20];
	v63 =	vmul.f32 v59, v62;
	[tilespmem:s23+$0xFFFFFFC0] =	vst v17;
	v17 =	vperm.xlane v16, v8  }
0xde: {  	v54 =	vld [tilespmem:s23+$0x40];
	v57 =	vperm.xlane v16, v11;
	v19 =	vmul.f32 v26, v50;
	[tilespmem:s23+$0x10] =	vst v58  }
0xdf: {  	v60 =	vld [tilespmem:s23+$0x70];
	v61 =	vperm.xlane v16, v13;
	[tilespmem:s23+$0x60] =	vst v63;
	v17 =	vmul.f32 v48, v17  }
0xe0: {  	v56 =	vperm.xlane v16, v10;
	v18 =	vmul.f32 v52, v57;
	[tilespmem:s23+$0xFFFFFFF0] =	vst v19  }
0xe1: {  	v20 =	vmul.f32 v55, v61;
	[tilespmem:s23+$0x0] =	vst v17;
	v17 =	vperm.xlane v16, v12  }
0xe2: {  	p1 =	seq.s32 s20, $0x0;
	v23 =	vmul.f32 v51, v56;
	[tilespmem:s23+$0x30] =	vst v18;
	v16 =	vperm.xlane v16, v15  }
0xe3: {  	p2 =	slt.u32 @!p1 s20, $0x18D;
	[tilespmem:s23+$0x50] =	vst v20;
	v17 =	vmul.f32 v54, v17  }
0xe4: {  	p2 =	por p1, p2;
	[tilespmem:s23+$0x20] =	vst v23;
	v16 =	vmul.f32 v60, v16  }
.Ltmp5:
0xe5: {  	[tilespmem:s23+$0x40] =	vst v17;
	(pc) =	sbr.rel @p2 .LBB2_6-.Ltmp5, $4  }
0xe6: {  	[tilespmem:s23+$0x70] =	vst v16;
	s23 =	simm.s32 @!p1 $0x2  }
0xe7: {  	_ =	swait.ge @!p1 [sflag:s23], $0x1000  }
0xe8: {  	[sflag:s23] =	ssyncset.done @!p1 $0x0  }
0xe9: {  	[sflag:s23] =	ssyncadd.s32 @!p1 $0xFFFFF000  }
.Ltmp6:
0xea: {  	(pc) =	sbr.rel .LBB2_7-.Ltmp6, $4  }
0xeb: {  	_ = 	snop  }
0xec: {  	s22 =	sshrl.u32 s22, $0x2  }
0xed: {  	s22 =	sadd.s32 $0x600, s22  }
0xee: {  	[spmem:s7] =	stream.indirect.scatter.add.f32 [tilespmem:s21], [sflag:$0x2], $0x10, s22, s31, $0xb8;
	[tilespmem:$0x1D8A0] =	vst v63  }
.LBB2_8:
0xef: {  	_ =	swait.ge [sflag:s6], $0x1000  }
0xf0: {  	[sflag:s6] =	ssyncset.done $0x0  }
0xf1: {  	[sflag:s6] =	ssyncadd.s32 $0xFFFFF000  }
0xf2: {  	[bflag:$0x0] =	sbarrier.arrive $0xFFFF  }
0xf3: {  	s16 =	rddreg [dreg:$0x1a]  }
0xf4: {  	s18 =	rddreg [dreg:$0x19];
	s16 =	sshrl.u32 @p0 s16, $0x3  }
0xf5: {  	[hbm:s18], [sflag:s30] =	dma.local @p0 [spmem:s16], $0x30D0  }
0xf6: {  	s18 =	simm.s32 @p0 $0x4  }
0xf7: {  	_ =	swait.ge @p0 [sflag:s18], $0x30D0  }
0xf8: {  	[sflag:s18] =	ssyncset.done @p0 $0x0  }
0xf9: {  	[sflag:s18] =	ssyncadd.s32 @p0 $0xFFFFCF30  }
0xfa: {  	[spmem:s17], [sflag:s30] =	dma.local @p0 [hbm:s9], $0x30D0  }
0xfb: {  	_ =	swait.ge @p0 [sflag:s18], $0x30D0  }
0xfc: {  	[sflag:s18] =	ssyncset.done @p0 $0x0  }
0xfd: {  	s17 =	rddreg [dreg:$0x16];
	[sflag:s18] =	ssyncadd.s32 @p0 $0xFFFFCF30  }
0xfe: {  	[hbm:s17], [sflag:s30] =	dma.local @!p0 [spmem:s15], $0x30E0  }
0xff: {  	s17 =	simm.s32 @!p0 $0x4  }
0x100: {  	_ =	swait.ge @!p0 [sflag:s17], $0x30E0  }
0x101: {  	[sflag:s17] =	ssyncset.done @!p0 $0x0  }
0x102: {  	[sflag:s17] =	ssyncadd.s32 @!p0 $0xFFFFCF20  }
0x103: {  	[spmem:s15], [sflag:s30] =	dma.local @!p0 [hbm:s9], $0x30E0  }
0x104: {  	_ =	swait.ge @!p0 [sflag:s17], $0x30E0  }
0x105: {  	[sflag:s17] =	ssyncset.done @!p0 $0x0  }
0x106: {  	[sflag:s17] =	ssyncadd.s32 @!p0 $0xFFFFCF20  }
0x107: {  	[bflag:$0x0] =	sbarrier.arrive $0xFFFF  }
0x108: {  	s17 =	simm.s32 $0x0;
	s19 =	rddreg [dreg:$0xa]  }
0x109: {  	[tilespmem:s17], [sflag:$0x3] =	stream.linear.gather [hbm4b:s19+s17], $0x100, $0x38;
	[tilespmem:$0x1D8A0] =	vst v63  }
0x10a: {  	s20 =	rddreg [dreg:$0xb];
	s19 =	simm.s32 $0x600  }
0x10b: {  	[tilespmem:s19], [sflag:$0x3] =	stream.linear.gather [hbm4b:s20+s17], $0x100, $0x38;
	[tilespmem:$0x1D8A0] =	vst v63  }
0x10c: {  	s22 =	simm.s32 $0xC00;
	s21 =	rddreg [dreg:$0xc]  }
0x10d: {  	[tilespmem:s22], [sflag:$0x3] =	stream.linear.gather [hbm4b:s21+s17], $0x100, $0x38;
	[tilespmem:$0x1D8A0] =	vst v63  }
0x10e: {  	s23 =	rddreg [dreg:$0xd]  }
0x10f: {  	[tilespmem:s31], [sflag:$0x3] =	stream.linear.gather [hbm4b:s23+s17], $0x100, $0x38;
	[tilespmem:$0x1D8A0] =	vst v63  }
0x110: {  	s25 =	simm.s32 $0x700;
	s24 =	rddreg [dreg:$0xe]  }
0x111: {  	[tilespmem:s25], [sflag:$0x3] =	stream.linear.gather [hbm4b:s24+s17], $0x100, $0x38;
	[tilespmem:$0x1D8A0] =	vst v63  }
0x112: {  	s19 =	rddreg [dreg:$0xf];
	s20 =	simm.s32 $0xD00  }
0x113: {  	[tilespmem:s20], [sflag:$0x3] =	stream.linear.gather [hbm4b:s19+s17], $0x100, $0x38;
	[tilespmem:$0x1D8A0] =	vst v63  }
0x114: {  	s21 =	rddreg [dreg:$0x10]  }
0x115: {  	[tilespmem:s1], [sflag:$0x3] =	stream.linear.gather [hbm4b:s21+s17], $0x100, $0x38;
	[tilespmem:$0x1D8A0] =	vst v63  }
0x116: {  	s22 =	rddreg [dreg:$0x11];
	s23 =	simm.s32 $0x800  }
0x117: {  	[tilespmem:s23], [sflag:$0x3] =	stream.linear.gather [hbm4b:s22+s17], $0x100, $0x38;
	[tilespmem:$0x1D8A0] =	vst v63  }
0x118: {  	s24 =	rddreg [dreg:$0x12];
	s25 =	simm.s32 $0xE00  }
0x119: {  	[tilespmem:s25], [sflag:$0x3] =	stream.linear.gather [hbm4b:s24+s17], $0x100, $0x38;
	[tilespmem:$0x1D8A0] =	vst v63  }
0x11a: {  	s20 =	rddreg [dreg:$0x13];
	s21 =	simm.s32 $0x300  }
0x11b: {  	[tilespmem:s21], [sflag:$0x3] =	stream.linear.gather [hbm4b:s20+s17], $0x100, $0x38;
	[tilespmem:$0x1D8A0] =	vst v63  }
0x11c: {  	s22 =	rddreg [dreg:$0x14];
	s23 =	simm.s32 $0x900  }
0x11d: {  	[tilespmem:s23], [sflag:$0x3] =	stream.linear.gather [hbm4b:s22+s17], $0x100, $0x38;
	[tilespmem:$0x1D8A0] =	vst v63  }
0x11e: {  	s24 =	rddreg [dreg:$0x15];
	s25 =	simm.s32 $0xF00  }
0x11f: {  	[tilespmem:s25], [sflag:$0x3] =	stream.linear.gather [hbm4b:s24+s17], $0x100, $0x38;
	[tilespmem:$0x1D8A0] =	vst v63  }
0x120: {  	s20 =	simm.s32 $0x400  }
0x121: {  	[tilespmem:s20], [sflag:$0x3] =	stream.linear.gather [hbm4b:s26+s17], $0x100, $0x38;
	[tilespmem:$0x1D8A0] =	vst v63  }
0x122: {  	s21 =	simm.s32 $0xA00  }
0x123: {  	[tilespmem:s21], [sflag:$0x3] =	stream.linear.gather [hbm4b:s28+s17], $0x100, $0x38;
	[tilespmem:$0x1D8A0] =	vst v63  }
0x124: {  	s22 =	simm.s32 $0x1000  }
0x125: {  	[tilespmem:s22], [sflag:$0x3] =	stream.linear.gather [hbm4b:s29+s17], $0x100, $0x38;
	[tilespmem:$0x1D8A0] =	vst v63  }
0x126: {  	_ =	swait.ge [sflag:s13], $0x300  }
0x127: {  	[sflag:s13] =	ssyncset.done $0x0  }
0x128: {  	s23 =	simm.s32 $0x1200;
	[sflag:s13] =	ssyncadd.s32 $0xFFFFFD00  }
0x129: {  	[tilespmem:s23], [sflag:$0x1] =	stream.indirect.gather [hbm4b:s5+s31], $0x10, s17, s31, $0xb8;
	[tilespmem:$0x1D8A0] =	vst v63  }
0x12a: {  	_ =	swait.ge [sflag:s13], $0x300  }
0x12b: {  	[sflag:s13] =	ssyncset.done $0x0  }
0x12c: {  	s24 =	simm.s32 $0x2200;
	[sflag:s13] =	ssyncadd.s32 $0xFFFFFD00  }
0x12d: {  	[tilespmem:s24], [sflag:$0x1] =	stream.indirect.gather [hbm4b:s5+s31], $0x10, s31, s31, $0xb8;
	[tilespmem:$0x1D8A0] =	vst v63  }
.Ltmp7:
0x12e: {  	_ = 	snop;
	(pc) =	sbr.rel .LBB2_9-.Ltmp7, $4  }
0x12f: {  	_ =	swait.ge [sflag:s13], $0x300  }
0x130: {  	s18 =	simm.s32 $0x0;
	s19 =	simm.s32 $0x0;
	[sflag:s13] =	ssyncset.done $0x0  }
0x131: {  	s25 =	simm.s32 $0x3200;
	s20 =	simm.s32 $0x0;
	[sflag:s13] =	ssyncadd.s32 $0xFFFFFD00  }
0x132: {  	[tilespmem:s25], [sflag:$0x1] =	stream.indirect.gather [hbm4b:s5+s31], $0x10, s1, s31, $0xb8;
	[tilespmem:$0x1D8A0] =	vst v63  }
.LBB2_13:
0x133: {  	s23 =	sadd.s32 $0x3, s20  }
0x134: {  	s24 =	smul.u32 $0xAAAB, s23;
	_ =	sdelay $0x1  }
0x135: {  	s24 =	sshrl.u32 s24, $0x12  }
0x136: {  	s24 =	smul.u32 $0x6, s24  }
0x137: {  	_ =	swait.ge [sflag:s13], $0x300  }
0x138: {  	p1 =	sgt.u32 s20, $0x18A;
	s24 =	ssub.s32 s23, s24;
	s23 =	sshll.u32 s23, $0xC  }
0x139: {  	[sflag:s13] =	ssyncset.done $0x0;
	s23 =	sand.u32 $0x3000, s23;
	s24 =	sshll.u32 s24, $0x8  }
0x13a: {  	[sflag:s13] =	ssyncadd.s32 $0xFFFFFD00;
	s23 =	sadd.s32 $0x1200, s23;
	s24 =	sand.u32 $0x3F00, s24  }
0x13b: {  	[tilespmem:s23], [sflag:$0x1] =	stream.indirect.gather [hbm4b:s5+s31], $0x10, s24, s31, $0xb8;
	[tilespmem:$0x1D8A0] =	vst v63  }
0x13c: {  	s22 =	sshrl.u32 s22, $0x2;
	s23 =	sadd.s32 @!p1 $0x5, s20  }
0x13d: {  	s22 =	sadd.s32 $0x600, s22;
	s24 =	smul.u32 @!p1 $0xAAAB, s23  }
0x13e: {  	[spmem:s7] =	stream.indirect.scatter.add.f32 [tilespmem:s21], [sflag:$0x2], $0x10, s22, s31, $0xb8;
	[tilespmem:$0x1D8A0] =	vst v63  }
0x13f: {  	s21 =	sshrl.u32 @!p1 s24, $0x12  }
0x140: {  	s22 =	sshll.u32 @!p1 s23, $0x8;
	s21 =	smul.u32 @!p1 $0x6, s21  }
0x141: {  	s22 =	sadd.s32 @!p1 s10, s22  }
0x142: {  	s21 =	ssub.s32 @!p1 s23, s21;
	s23 =	sadd.s32 @!p1 s11, s22  }
0x143: {  	s24 =	simm.s32 @!p1 $0x0;
	s21 =	sshll.u32 @!p1 s21, $0x8;
	s23 =	sshrl.u32 @!p1 s23, $0x3  }
0x144: {  	s22 =	sshrl.u32 @!p1 s22, $0x3;
	s21 =	sand.u32 @!p1 $0xFF00, s21;
	s23 =	sadd.s32 @!p1 s2, s23  }
0x145: {  	[tilespmem:s21], [sflag:$0x3] =	stream.linear.gather @!p1 [hbm4b:s23+s24], $0x100, $0x38;
	[tilespmem:$0x1D8A0] =	vst v63  }
0x146: {  	s25 =	sadd.s32 @!p1 s3, s22;
	s23 =	sadd.s32 @!p1 $0x600, s21  }
0x147: {  	[tilespmem:s23], [sflag:$0x3] =	stream.linear.gather @!p1 [hbm4b:s25+s24], $0x100, $0x38;
	[tilespmem:$0x1D8A0] =	vst v63  }
0x148: {  	s22 =	sadd.s32 @!p1 s4, s22;
	s21 =	sadd.s32 @!p1 $0xC00, s21  }
0x149: {  	[tilespmem:s21], [sflag:$0x3] =	stream.linear.gather @!p1 [hbm4b:s22+s24], $0x100, $0x38;
	[tilespmem:$0x1D8A0] =	vst v63  }
.LBB2_14:
0x14a: {  	s20 =	sadd.s32 $0x1, s20  }
0x14b: {  	p1 =	sne.s32 s20, $0x190  }
.Ltmp8:
0x14c: {  	_ = 	snop;
	(pc) =	sbr.rel @!p1 .LBB2_15-.Ltmp8, $2  }
0x14d: {  	_ =	sdelay $0x2  }
0x14e: {  	s19 =	sadd.s32 $0x400, s19;
	s18 =	sadd.s32 $0x1, s18;
	s17 =	sadd.s32 $0x1, s17  }
.LBB2_9:
0x14f: {  	s21 =	sand.u32 $0xFFFF, s18  }
0x150: {  	s21 =	smul.u32 $0xAAAB, s21;
	_ =	sdelay $0x1  }
0x151: {  	s21 =	sshrl.u32 s21, $0x12  }
0x152: {  	s21 =	smul.u32 $0x1800, s21;
	_ =	sdelay $0x1  }
0x153: {  	s21 =	ssub.s32 s19, s21  }
0x154: {  	s21 =	sand.u32 $0xFFFC, s21  }
0x155: {  	s21 =	sshrl.u32 s21, $0x2  }
0x156: {  	s21 =	sadd.s32 $0xC00, s21  }
0x157: {  	v16 =	vmov s21;
	_ =	sdelay $0x1  }
0x158: {  	_ =	swait.ge [sflag:s12], $0x1000  }
0x159: {  	[sflag:s12] =	ssyncset.done $0x0  }
0x15a: {  	s23 =	sand.u32 $0x3, s17;
	s22 =	simm.s32 $0x0;
	[sflag:s12] =	ssyncadd.s32 $0xFFFFF000  }
0x15b: {  	s21 =	sshll.u32 s23, $0xC;
	v17 =	vld.idx.msk [tilespmem:v16+s22+$0x0 ss:$0x1], $0xffff  }
0x15c: {  	s23 =	sadd.s32 $0x1280, s21  }
0x15d: {  	v18 =	vld [tilespmem:s23+$0xFFFFFF80]  }
0x15e: {  	v19 =	vld [tilespmem:s23+$0xFFFFFF90]  }
0x15f: {  	v20 =	vld [tilespmem:s23+$0xFFFFFFA0]  }
0x160: {  	v21 =	vld [tilespmem:s23+$0xFFFFFFB0];
	v22 =	vperm.xlane v17, v0  }
0x161: {  	v25 =	vld [tilespmem:s23+$0xFFFFFFD0];
	v23 =	vperm.xlane v17, v1  }
0x162: {  	v24 =	vld [tilespmem:s23+$0xFFFFFFC0];
	v26 =	vperm.xlane v17, v2;
	v18 =	vmul.f32 v18, v22  }
0x163: {  	v49 =	vld [tilespmem:s23+$0xFFFFFFE0];
	v48 =	vperm.xlane v17, v3;
	v19 =	vmul.f32 v19, v23  }
0x164: {  	v51 =	vld [tilespmem:s23+$0x10];
	v50 =	vperm.xlane v17, v5;
	v20 =	vmul.f32 v20, v26;
	[tilespmem:s23+$0xFFFFFF80] =	vst v18  }
0x165: {  	v27 =	vld [tilespmem:s23+$0xFFFFFFF0];
	v21 =	vmul.f32 v21, v48;
	v18 =	vperm.xlane v17, v4;
	[tilespmem:s23+$0xFFFFFF90] =	vst v19  }
0x166: {  	v28 =	vperm.xlane v17, v6;
	v22 =	vmul.f32 v25, v50;
	v19 =	vld [tilespmem:s23+$0x0];
	[tilespmem:s23+$0xFFFFFFA0] =	vst v20  }
0x167: {  	v57 =	vld [tilespmem:s23+$0x50];
	v55 =	vperm.xlane v17, v9;
	[tilespmem:s23+$0xFFFFFFB0] =	vst v21;
	v18 =	vmul.f32 v24, v18  }
0x168: {  	v53 =	vld [tilespmem:s23+$0x20];
	v52 =	vperm.xlane v17, v7;
	v23 =	vmul.f32 v49, v28;
	[tilespmem:s23+$0xFFFFFFD0] =	vst v22  }
0x169: {  	v54 =	vld [tilespmem:s23+$0x30];
	v59 =	vmul.f32 v51, v55;
	[tilespmem:s23+$0xFFFFFFC0] =	vst v18;
	v18 =	vperm.xlane v17, v8  }
0x16a: {  	v56 =	vld [tilespmem:s23+$0x40];
	v62 =	vperm.xlane v17, v13;
	v20 =	vmul.f32 v27, v52;
	[tilespmem:s23+$0xFFFFFFE0] =	vst v23  }
0x16b: {  	v60 =	vld [tilespmem:s23+$0x60];
	v58 =	vperm.xlane v17, v10;
	[tilespmem:s23+$0x10] =	vst v59;
	v18 =	vmul.f32 v19, v18  }
0x16c: {  	s24 =	smul.u32 $0xAAAB, s20;
	v61 =	vld [tilespmem:s23+$0x70];
	v21 =	vmul.f32 v57, v62;
	[tilespmem:s23+$0xFFFFFFF0] =	vst v20;
	v19 =	vperm.xlane v17, v11  }
0x16d: {  	v24 =	vmul.f32 v53, v58;
	[tilespmem:s23+$0x0] =	vst v18;
	v18 =	vperm.xlane v17, v12  }
0x16e: {  	s21 =	sshrl.u32 s24, $0x12;
	v63 =	vperm.xlane v17, v14;
	[tilespmem:s23+$0x50] =	vst v21;
	v19 =	vmul.f32 v54, v19  }
0x16f: {  	s21 =	smul.u32 $0x6, s21;
	[tilespmem:s23+$0x20] =	vst v24;
	v17 =	vperm.xlane v17, v15;
	v18 =	vmul.f32 v56, v18  }
0x170: {  	[tilespmem:s23+$0x30] =	vst v19;
	v19 =	vmul.f32 v60, v63  }
0x171: {  	s24 =	sshll.u32 s20, $0xC;
	s21 =	ssub.s32 s20, s21;
	v17 =	vmul.f32 v61, v17;
	[tilespmem:s23+$0x40] =	vst v18  }
0x172: {  	s25 =	sand.u32 $0x3000, s24;
	s24 =	simm.s32 $0x80;
	s21 =	sshll.u32 s21, $0xA;
	[tilespmem:s23+$0x60] =	vst v19  }
0x173: {  	s22 =	sand.u32 $0xFC00, s21;
	s21 =	sadd.s32 $0x1200, s25;
	s25 =	simm.s32 $0x10;
	[tilespmem:s23+$0x70] =	vst v17  }
.LBB2_10:
0x174: {  	p1 =	sne.s32 s24, $0x3C0;
	v17 =	vld.idx.msk [tilespmem:v16+s25+$0x0 ss:$0x1], $0xffff;
	s23 =	sadd.s32 $0x100, s23  }
0x175: {  	v18 =	vld [tilespmem:s23+$0xFFFFFFB0]  }
0x176: {  	v19 =	vld [tilespmem:s23+$0xFFFFFF90]  }
0x177: {  	v20 =	vld [tilespmem:s23+$0xFFFFFF80]  }
0x178: {  	v21 =	vld [tilespmem:s23+$0xFFFFFFA0]  }
0x179: {  	v22 =	vld [tilespmem:s23+$0xFFFFFFF0]  }
0x17a: {  	v23 =	vperm.xlane v17, v0;
	v24 =	vperm.xlane v17, v1;
	v25 =	vld [tilespmem:s23+$0xFFFFFFD0]  }
0x17b: {  	v26 =	vperm.xlane v17, v2;
	v27 =	vperm.xlane v17, v3;
	v28 =	vld [tilespmem:s23+$0xFFFFFFC0]  }
0x17c: {  	v19 =	vmul.f32 v19, v24;
	v20 =	vmul.f32 v20, v23;
	v23 =	vld [tilespmem:s23+$0xFFFFFFE0]  }
0x17d: {  	v18 =	vmul.f32 v18, v27;
	v21 =	vmul.f32 v21, v26;
	v24 =	vld [tilespmem:s23+$0x30]  }
0x17e: {  	v26 =	vperm.xlane v17, v5;
	[tilespmem:s23+$0xFFFFFF80] =	vst v20;
	v20 =	vperm.xlane v17, v4;
	v27 =	vld [tilespmem:s23+$0x10]  }
0x17f: {  	v29 =	vperm.xlane v17, v7;
	[tilespmem:s23+$0xFFFFFF90] =	vst v19;
	v19 =	vperm.xlane v17, v6;
	v30 =	vld [tilespmem:s23+$0x0]  }
0x180: {  	[tilespmem:s23+$0xFFFFFFA0] =	vst v21;
	v20 =	vmul.f32 v28, v20;
	v21 =	vmul.f32 v25, v26;
	v25 =	vld [tilespmem:s23+$0x20]  }
0x181: {  	[tilespmem:s23+$0xFFFFFFB0] =	vst v18;
	v18 =	vmul.f32 v23, v19;
	v19 =	vmul.f32 v22, v29;
	v22 =	vld [tilespmem:s23+$0x70]  }
0x182: {  	v23 =	vperm.xlane v17, v9;
	[tilespmem:s23+$0xFFFFFFC0] =	vst v20;
	v20 =	vperm.xlane v17, v8;
	v26 =	vld [tilespmem:s23+$0x50]  }
0x183: {  	v28 =	vperm.xlane v17, v11;
	[tilespmem:s23+$0xFFFFFFD0] =	vst v21;
	v21 =	vperm.xlane v17, v10;
	v29 =	vld [tilespmem:s23+$0x40]  }
0x184: {  	[tilespmem:s23+$0xFFFFFFE0] =	vst v18;
	v18 =	vmul.f32 v30, v20;
	v20 =	vmul.f32 v27, v23;
	v23 =	vld [tilespmem:s23+$0x60]  }
0x185: {  	[tilespmem:s23+$0xFFFFFFF0] =	vst v19;
	v19 =	vmul.f32 v25, v21;
	v21 =	vmul.f32 v24, v28  }
0x186: {  	v24 =	vperm.xlane v17, v13;
	[tilespmem:s23+$0x0] =	vst v18;
	v18 =	vperm.xlane v17, v12  }
0x187: {  	[tilespmem:s23+$0x10] =	vst v20;
	v20 =	vperm.xlane v17, v14;
	v17 =	vperm.xlane v17, v15  }
0x188: {  	[tilespmem:s23+$0x20] =	vst v19;
	v18 =	vmul.f32 v29, v18;
	v19 =	vmul.f32 v26, v24  }
.Ltmp9:
0x189: {  	[tilespmem:s23+$0x30] =	vst v21;
	v20 =	vmul.f32 v23, v20;
	v17 =	vmul.f32 v22, v17;
	(pc) =	sbr.rel @p1 .LBB2_10-.Ltmp9, $4  }
0x18a: {  	[tilespmem:s23+$0x40] =	vst v18  }
0x18b: {  	[tilespmem:s23+$0x50] =	vst v19  }
0x18c: {  	[tilespmem:s23+$0x60] =	vst v20  }
0x18d: {  	s25 =	sshra.s32 s24, $0x2;
	s24 =	sadd.s32 $0x40, s24;
	[tilespmem:s23+$0x70] =	vst v17  }
0x18e: {  	_ =	sdelay $0x3  }
0x18f: {  	v16 =	vld.idx.msk [tilespmem:v16+s25+$0x0 ss:$0x1], $0xffff  }
0x190: {  	s23 =	sadd.s32 $0x100, s23  }
0x191: {  	v17 =	vld [tilespmem:s23+$0xFFFFFF80]  }
0x192: {  	v18 =	vld [tilespmem:s23+$0xFFFFFF90]  }
0x193: {  	v19 =	vld [tilespmem:s23+$0xFFFFFFA0]  }
0x194: {  	v20 =	vld [tilespmem:s23+$0xFFFFFFB0];
	v21 =	vperm.xlane v16, v0  }
0x195: {  	v24 =	vld [tilespmem:s23+$0xFFFFFFD0];
	v22 =	vperm.xlane v16, v1  }
0x196: {  	v46 =	vld [tilespmem:s23+$0xFFFFFFE0];
	v25 =	vperm.xlane v16, v2;
	v17 =	vmul.f32 v17, v21  }
0x197: {  	v23 =	vld [tilespmem:s23+$0xFFFFFFC0];
	v45 =	vperm.xlane v16, v3;
	v18 =	vmul.f32 v18, v22  }
0x198: {  	v49 =	vld [tilespmem:s23+$0x10];
	v47 =	vperm.xlane v16, v5;
	v19 =	vmul.f32 v19, v25;
	[tilespmem:s23+$0xFFFFFF80] =	vst v17  }
0x199: {  	v59 =	vld [tilespmem:s23+$0x60];
	v27 =	vperm.xlane v16, v6;
	v20 =	vmul.f32 v20, v45;
	[tilespmem:s23+$0xFFFFFF90] =	vst v18  }
0x19a: {  	v26 =	vld [tilespmem:s23+$0xFFFFFFF0];
	v21 =	vmul.f32 v24, v47;
	v17 =	vperm.xlane v16, v4;
	[tilespmem:s23+$0xFFFFFFA0] =	vst v19  }
0x19b: {  	v48 =	vld [tilespmem:s23+$0x0];
	v53 =	vperm.xlane v16, v9;
	v22 =	vmul.f32 v46, v27;
	[tilespmem:s23+$0xFFFFFFB0] =	vst v20  }
0x19c: {  	v52 =	vld [tilespmem:s23+$0x30];
	v62 =	vperm.xlane v16, v14;
	[tilespmem:s23+$0xFFFFFFD0] =	vst v21;
	v17 =	vmul.f32 v23, v17  }
0x19d: {  	v55 =	vld [tilespmem:s23+$0x50];
	v50 =	vperm.xlane v16, v7;
	v58 =	vmul.f32 v49, v53;
	[tilespmem:s23+$0xFFFFFFE0] =	vst v22  }
0x19e: {  	v51 =	vld [tilespmem:s23+$0x20];
	v63 =	vmul.f32 v59, v62;
	[tilespmem:s23+$0xFFFFFFC0] =	vst v17;
	v17 =	vperm.xlane v16, v8  }
0x19f: {  	v54 =	vld [tilespmem:s23+$0x40];
	v57 =	vperm.xlane v16, v11;
	v19 =	vmul.f32 v26, v50;
	[tilespmem:s23+$0x10] =	vst v58  }
0x1a0: {  	v60 =	vld [tilespmem:s23+$0x70];
	v61 =	vperm.xlane v16, v13;
	[tilespmem:s23+$0x60] =	vst v63;
	v17 =	vmul.f32 v48, v17  }
0x1a1: {  	v56 =	vperm.xlane v16, v10;
	v18 =	vmul.f32 v52, v57;
	[tilespmem:s23+$0xFFFFFFF0] =	vst v19  }
0x1a2: {  	v20 =	vmul.f32 v55, v61;
	[tilespmem:s23+$0x0] =	vst v17;
	v17 =	vperm.xlane v16, v12  }
0x1a3: {  	p1 =	seq.s32 s20, $0x0;
	v23 =	vmul.f32 v51, v56;
	[tilespmem:s23+$0x30] =	vst v18;
	v16 =	vperm.xlane v16, v15  }
0x1a4: {  	p2 =	slt.u32 @!p1 s20, $0x18D;
	[tilespmem:s23+$0x50] =	vst v20;
	v17 =	vmul.f32 v54, v17  }
0x1a5: {  	p2 =	por p1, p2;
	[tilespmem:s23+$0x20] =	vst v23;
	v16 =	vmul.f32 v60, v16  }
.Ltmp10:
0x1a6: {  	[tilespmem:s23+$0x40] =	vst v17;
	(pc) =	sbr.rel @p2 .LBB2_13-.Ltmp10, $4  }
0x1a7: {  	[tilespmem:s23+$0x70] =	vst v16;
	s23 =	simm.s32 @!p1 $0x2  }
0x1a8: {  	_ =	swait.ge @!p1 [sflag:s23], $0x1000  }
0x1a9: {  	[sflag:s23] =	ssyncset.done @!p1 $0x0  }
0x1aa: {  	[sflag:s23] =	ssyncadd.s32 @!p1 $0xFFFFF000  }
.Ltmp11:
0x1ab: {  	(pc) =	sbr.rel .LBB2_14-.Ltmp11, $4  }
0x1ac: {  	_ = 	snop  }
0x1ad: {  	s22 =	sshrl.u32 s22, $0x2  }
0x1ae: {  	s22 =	sadd.s32 $0x600, s22  }
0x1af: {  	[spmem:s7] =	stream.indirect.scatter.add.f32 [tilespmem:s21], [sflag:$0x2], $0x10, s22, s31, $0xb8;
	[tilespmem:$0x1D8A0] =	vst v63  }
.LBB2_16:
0x1b0: {  	_ =	sfence.sel $0x180000  }
0x1b1: {  	[bflag:$0x0] =	sbarrier.arrive $0xFFFF  }
0x1b2: {  	_ =	strace $0x90000047  }
0x1b3: {  	s0 =	stileid.u32;
	[bflag:$0x2] =	sbarrier.arrive $0xFFFF  }
0x1b4: {  	p0 =	sne.s32 s0, $0x0;
	s0 =	rddreg [dreg:$0x7]  }
0x1b5: {  	s0 =	sadd.s32 @!p0 $0x100000, s0  }
0x1b6: {  	[sflag:s0] =	ssyncadd.tile.s32 @!p0 $0x1;
	_ =	shalt  }
.Lfunc_end2:
_tile_overlayer_lowered:
.L_overlay_start_2:
0x1b7: {  	(tag) =	ssettag $0x2  }
0x1b8: {  	s0 =	rddreg [dreg:$0x0];
	s2 =	stileid.u32  }
0x1b9: {  	s1 =	rddreg [dreg:$0x1];
	p0 =	sne.s32 s2, $0x0  }
0x1ba: {  	s3 =	rddreg [dreg:$0x2];
	[bflag:$0x3] =	sbarrier.arrive $0xFFFF;
	s2 =	simm.s32 @!p0 $0x1C04  }
0x1bb: {  	[timem:s3], [sflag:s2] =	dma.local @!p0 [hbm:s0], s1  }
0x1bc: {  	s0 =	simm.s32 @!p0 $0x4  }
0x1bd: {  	_ =	swait.ge @!p0 [sflag:s0], s1  }
0x1be: {  	s1 =	ssub.s32 @!p0 $0x0, s1;
	[sflag:s0] =	ssyncset.done @!p0 $0x0  }
0x1bf: {  	[sflag:s0] =	ssyncadd.s32 @!p0 s1  }
0x1c0: {  	[bflag:$0x3] =	sbarrier.arrive $0xFFFF  }
0x1c1: {  	_ =	shalt  }

</sc_bundles>
